<compile_context>
chip_gen: v7x
topology: tpu7x:2x2x1
jax: 0.10.2.dev20260603
libtpu: 0.0.44.dev20260713+nightly
codegen_flags: <defaults>
</compile_context>

<pallas_src>
import jax
import jax.numpy as jnp
from jax import lax
from jax.experimental import pallas as pl
from jax.experimental.pallas import tpu as pltpu
from jax.experimental.pallas import tpu_sc as plsc

BATCH = 32
N_ATOMS = 1024
ATOM = 512
SLOTS = 64
N_SAMPLES = 32768
CHUNK = 64
NCHUNK = N_ATOMS // CHUNK
NC = 2
NS = 16
LANES = 16
GROUPS = ATOM // 32


CHUNK_ELEMS = CHUNK * ATOM
CHUNK_WORDS = CHUNK * ATOM // 2


def _body(x_hbm, atoms_hbm, out_hbm, idx_v, buf0, buf1, acc_v, idx_s, sems):
    sid = lax.axis_index("s")
    b = sid * NC + lax.axis_index("c")

    pltpu.sync_copy(x_hbm.at[b], idx_v)

    pltpu.async_copy(atoms_hbm.at[pl.ds(0, CHUNK)], buf0, sems.at[0])

    def stage_body(g, carry):
        idxvec = idx_v[pl.ds(g * LANES, LANES)]
        for k in range(LANES):
            idx_s[g * LANES + k] = idxvec[k]
        return carry

    lax.fori_loop(0, N_ATOMS // LANES, stage_body, 0)

    z = jnp.zeros((LANES,), jnp.float32)

    @plsc.parallel_loop(0, SLOTS)
    def _zero(i):
        base = i * ATOM
        for j in range(ATOM // LANES):
            acc_v[pl.ds(base + j * LANES, LANES)] = z

    def accum_chunk(c, buf):
        @plsc.parallel_loop(0, CHUNK, unroll=4)
        def _accum(a):
            base = idx_s[c * CHUNK + a] * ATOM
            for t in range(GROUPS):
                w = buf[a, pl.ds(t * LANES, LANES)]
                lo = lax.bitcast_convert_type(w << 16, jnp.float32)
                hi = lax.bitcast_convert_type(w & jnp.int32(-65536), jnp.float32)
                plsc.addupdate(acc_v.at[pl.ds(base + t * 32, LANES)], lo)
                plsc.addupdate(
                    acc_v.at[pl.ds(base + t * 32 + LANES, LANES)], hi
                )

    def pair_body(i, carry):
        c0 = 2 * i
        pltpu.async_copy(
            atoms_hbm.at[pl.ds((c0 + 1) * CHUNK, CHUNK)],
            buf1,
            sems.at[1],
        )
        pltpu.make_async_copy(
            atoms_hbm.at[pl.ds(c0 * CHUNK, CHUNK)], buf0, sems.at[0]
        ).wait()
        accum_chunk(c0, buf0)

        @pl.when(c0 + 2 < NCHUNK)
        def _start_next():
            pltpu.async_copy(
                atoms_hbm.at[pl.ds((c0 + 2) * CHUNK, CHUNK)],
                buf0,
                sems.at[0],
            )

        pltpu.make_async_copy(
            atoms_hbm.at[pl.ds((c0 + 1) * CHUNK, CHUNK)],
            buf1,
            sems.at[1],
        ).wait()
        accum_chunk(c0 + 1, buf1)
        return carry

    lax.fori_loop(0, NCHUNK // 2, pair_body, 0)

    pltpu.sync_copy(acc_v, out_hbm.at[b, 0])


def kernel(x, atoms):
    ab = atoms.reshape(N_ATOMS, GROUPS, 2, LANES).astype(jnp.bfloat16)
    u = lax.bitcast_convert_type(ab, jnp.uint16).astype(jnp.int32)
    ar = (u[:, :, 0, :] | (u[:, :, 1, :] << 16)).reshape(N_ATOMS, ATOM // 2)
    mesh = plsc.VectorSubcoreMesh(core_axis_name="c", subcore_axis_name="s")
    f = pl.kernel(
        _body,
        out_type=jax.ShapeDtypeStruct((BATCH, 1, N_SAMPLES), jnp.float32),
        mesh=mesh,
        scratch_types=[
            pltpu.VMEM((N_ATOMS,), jnp.int32),
            pltpu.VMEM((CHUNK, ATOM // 2), jnp.int32),
            pltpu.VMEM((CHUNK, ATOM // 2), jnp.int32),
            pltpu.VMEM((SLOTS * ATOM,), jnp.float32),
            pltpu.SMEM((N_ATOMS,), jnp.int32),
            pltpu.SemaphoreType.DMA((2,)),
        ],
    )
    return f(x, ar)

# --- scband reference (transcript-rebuilt; emitter-appended) ---
"""Pipeline reference for scband-sparse-audio-model-9105330668181 (READ-ONLY COPY).

The authoritative reference and input builder live on the scoring server;
editing this copy changes nothing except your own understanding.
"""

import jax, jax.numpy as jnp
import numpy as np

N_SAMPLES = 32768
N_ATOMS = 1024
ATOM_SIZE = 512
STEP_SIZE = ATOM_SIZE  # AtomPlacement receives atom_size as its step_size arg
BATCH = 32
MAX_IDX = 64  # ensures time + atom_size <= 2*n_samples


def setup_inputs(seed: int = 0) -> dict:
    key = jax.random.key(seed)
    k1, k2 = jax.random.split(key)
    x = jax.random.randint(k1, (BATCH, N_ATOMS), 0, MAX_IDX, dtype=jnp.int32)
    atoms = jax.random.uniform(k2, (1, N_ATOMS, ATOM_SIZE), minval=-0.01, maxval=0.01, dtype=jnp.float32)
    return {"x": x, "atoms": atoms}


def reference(x, atoms):
    b = x.shape[0]
    # a = self.atoms.repeat(batch, 1, 1)
    a = jnp.broadcast_to(atoms, (b, N_ATOMS, ATOM_SIZE))
    # times = indices * step_size
    times = x * STEP_SIZE  # [B, n_atoms]
    # scatter-add each atom waveform segment into a 2*n_samples buffer
    pos = times[:, :, None] + jnp.arange(ATOM_SIZE, dtype=times.dtype)[None, None, :]  # [B, n_atoms, atom_size]
    bidx = jnp.broadcast_to(jnp.arange(b)[:, None, None], pos.shape)
    out = jnp.zeros((b, 2 * N_SAMPLES), dtype=a.dtype)
    out = out.at[bidx, pos].add(a)
    # output = output[..., :n_samples]
    out = out[:, None, :N_SAMPLES]
    return out

if __name__ == "__main__":
    import jax
    _d = setup_inputs()
    print(jax.jit(kernel)(*tuple(_d.values())))

</pallas_src>

<mosaic_0001>
#map = affine_map<(d0, d1) -> (0, 0)>
#map1 = affine_map<(d0, d1) -> (0, 0, 0)>
module attributes {stable_mosaic.version = 14 : i64} {
  func.func @_body(%arg0: i32, %arg1: i32, %arg2: memref<32x1024xi32, #tpu.memory_space<hbm>>, %arg3: memref<1024x256xi32, #tpu.memory_space<hbm>>, %arg4: memref<32x1x32768xf32, #tpu.memory_space<hbm>>, %arg5: memref<1024xi32, #tpu.memory_space<vmem>>, %arg6: memref<64x256xi32, #tpu.memory_space<vmem>>, %arg7: memref<64x256xi32, #tpu.memory_space<vmem>>, %arg8: memref<32768xf32, #tpu.memory_space<vmem>>, %arg9: memref<1024xi32, #tpu.memory_space<smem>>, %arg10: memref<2x!tpu.dma_semaphore, #tpu.memory_space<semaphore_mem>>) attributes {dimension_semantics = [#tpu.dimension_semantics<core_parallel>, #tpu.dimension_semantics<subcore_parallel>], iteration_bounds = array<i64: 2, 16>, scalar_prefetch = 0 : i64, scratch_operands = 6 : i64, tpu.core_type = #tpu.core_type<sc_vector_subcore>, window_params = [{transform_indices = #map}, {transform_indices = #map}, {transform_indices = #map1}]} {
    %mul3A = arith.constant 2 : i32
    %mul3A_0 = arith.muli %arg1, %mul3A : i32
    %add3A = arith.addi %mul3A_0, %arg0 : i32
    "tpu.region"() ({
      %run_scoped3A_23 = tpu.sem_alloc : memref<!tpu.dma_semaphore, #tpu.memory_space<semaphore_mem>>
      %dma_start3A_24 = arith.constant 0 : i32
      %dma_start3A_25 = tpu.memref_slice %arg2[%add3A, %dma_start3A_24] : memref<32x1024xi32, #tpu.memory_space<hbm>> -> memref<1x1024xi32, #tpu.memory_space<hbm>>
      %dma_start3A_26 = tpu.memref_squeeze %dma_start3A_25 : memref<1x1024xi32, #tpu.memory_space<hbm>> -> memref<1024xi32, #tpu.memory_space<hbm>>
      %dma_start3A_27 = arith.constant 0 : i32
      %dma_start3A_28 = tpu.memref_slice %arg2[%add3A, %dma_start3A_27] : memref<32x1024xi32, #tpu.memory_space<hbm>> -> memref<1x1024xi32, #tpu.memory_space<hbm>>
      %dma_start3A_29 = tpu.memref_squeeze %dma_start3A_28 : memref<1x1024xi32, #tpu.memory_space<hbm>> -> memref<1024xi32, #tpu.memory_space<hbm>>
      tpu.enqueue_dma source(%dma_start3A_29 : memref<1024xi32, #tpu.memory_space<hbm>>) target(%arg5 : memref<1024xi32, #tpu.memory_space<vmem>>) target_semaphore(%run_scoped3A_23 : memref<!tpu.dma_semaphore, #tpu.memory_space<semaphore_mem>>)
      %dma_wait3A = arith.constant 0 : i32
      %dma_wait3A_30 = tpu.memref_slice %arg2[%add3A, %dma_wait3A] : memref<32x1024xi32, #tpu.memory_space<hbm>> -> memref<1x1024xi32, #tpu.memory_space<hbm>>
      %dma_wait3A_31 = tpu.memref_squeeze %dma_wait3A_30 : memref<1x1024xi32, #tpu.memory_space<hbm>> -> memref<1024xi32, #tpu.memory_space<hbm>>
      %dma_wait3A_32 = arith.constant 0 : i32
      %dma_wait3A_33 = tpu.memref_slice %arg2[%add3A, %dma_wait3A_32] : memref<32x1024xi32, #tpu.memory_space<hbm>> -> memref<1x1024xi32, #tpu.memory_space<hbm>>
      %dma_wait3A_34 = tpu.memref_squeeze %dma_wait3A_33 : memref<1x1024xi32, #tpu.memory_space<hbm>> -> memref<1024xi32, #tpu.memory_space<hbm>>
      tpu.wait_dma2 semaphore(%run_scoped3A_23 : memref<!tpu.dma_semaphore, #tpu.memory_space<semaphore_mem>>) src(%dma_wait3A_34 : memref<1024xi32, #tpu.memory_space<hbm>>) dst(%arg5 : memref<1024xi32, #tpu.memory_space<vmem>>)
      tpu.yield
    }) : () -> ()
    %dma_start3A = arith.constant 0 : i32
    %dma_start3A_1 = arith.constant 0 : i32
    %dma_start3A_2 = arith.constant 0 : i32
    %dma_start3A_3 = tpu.memref_slice %arg3[%dma_start3A_1, %dma_start3A_2] : memref<1024x256xi32, #tpu.memory_space<hbm>> -> memref<64x256xi32, #tpu.memory_space<hbm>>
    %dma_start3A_4 = tpu.memref_slice %arg10[%dma_start3A] : memref<2x!tpu.dma_semaphore, #tpu.memory_space<semaphore_mem>> -> memref<1x!tpu.dma_semaphore, #tpu.memory_space<semaphore_mem>>
    %dma_start3A_5 = tpu.memref_squeeze %dma_start3A_4 : memref<1x!tpu.dma_semaphore, #tpu.memory_space<semaphore_mem>> -> memref<!tpu.dma_semaphore, #tpu.memory_space<semaphore_mem>>
    %dma_start3A_6 = arith.constant 0 : i32
    %dma_start3A_7 = arith.constant 0 : i32
    %dma_start3A_8 = tpu.memref_slice %arg3[%dma_start3A_6, %dma_start3A_7] : memref<1024x256xi32, #tpu.memory_space<hbm>> -> memref<64x256xi32, #tpu.memory_space<hbm>>
    tpu.enqueue_dma source(%dma_start3A_8 : memref<64x256xi32, #tpu.memory_space<hbm>>) target(%arg6 : memref<64x256xi32, #tpu.memory_space<vmem>>) target_semaphore(%dma_start3A_5 : memref<!tpu.dma_semaphore, #tpu.memory_space<semaphore_mem>>)
    %scan3A = arith.constant 0 : i32
    %scan3A_9 = arith.constant 0 : i32
    %scan3A_10 = arith.constant 64 : i32
    %scan3A_11 = arith.addi %scan3A_9, %scan3A_10 : i32
    %scan3A_12 = arith.constant 1 : i32
    scf.for %scan3A_23 = %scan3A_9 to %scan3A_11 step %scan3A_12  : i32 {
      %mul3A_24 = arith.constant 16 : i32
      %mul3A_25 = arith.muli %scan3A_23, %mul3A_24 : i32
      %get3A = arith.index_cast %mul3A_25 : i32 to index
      %get3A_26 = tpu.vector_load %arg5[%get3A] {strides = array<i32>} : memref<1024xi32, #tpu.memory_space<vmem>>, vector<16xi32>,
      %get3A_27 = vector.shape_cast %get3A_26 : vector<16xi32> to vector<16xi32>
      %slice3A = vector.extract_strided_slice %get3A_27 {offsets = [0], sizes = [1], strides = [1]} : vector<16xi32> to vector<1xi32>
      %squeeze3A = vector.extract %slice3A[0] : i32 from vector<1xi32>
      %mul3A_28 = arith.constant 16 : i32
      %mul3A_29 = arith.muli %scan3A_23, %mul3A_28 : i32
      %add3A_30 = arith.constant 0 : i32
      %add3A_31 = arith.addi %mul3A_29, %add3A_30 : i32
      %swap3A = arith.index_cast %add3A_31 : i32 to index
      %swap3A_32 = memref.load %arg9[%swap3A] : memref<1024xi32, #tpu.memory_space<smem>>
      memref.store %squeeze3A, %arg9[%swap3A] : memref<1024xi32, #tpu.memory_space<smem>>
      %slice3A_33 = vector.extract_strided_slice %get3A_27 {offsets = [1], sizes = [1], strides = [1]} : vector<16xi32> to vector<1xi32>
      %squeeze3A_34 = vector.extract %slice3A_33[0] : i32 from vector<1xi32>
      %mul3A_35 = arith.constant 16 : i32
      %mul3A_36 = arith.muli %scan3A_23, %mul3A_35 : i32
      %add3A_37 = arith.constant 1 : i32
      %add3A_38 = arith.addi %mul3A_36, %add3A_37 : i32
      %swap3A_39 = arith.index_cast %add3A_38 : i32 to index
      %swap3A_40 = memref.load %arg9[%swap3A_39] : memref<1024xi32, #tpu.memory_space<smem>>
      memref.store %squeeze3A_34, %arg9[%swap3A_39] : memref<1024xi32, #tpu.memory_space<smem>>
      %slice3A_41 = vector.extract_strided_slice %get3A_27 {offsets = [2], sizes = [1], strides = [1]} : vector<16xi32> to vector<1xi32>
      %squeeze3A_42 = vector.extract %slice3A_41[0] : i32 from vector<1xi32>
      %mul3A_43 = arith.constant 16 : i32
      %mul3A_44 = arith.muli %scan3A_23, %mul3A_43 : i32
      %add3A_45 = arith.constant 2 : i32
      %add3A_46 = arith.addi %mul3A_44, %add3A_45 : i32
      %swap3A_47 = arith.index_cast %add3A_46 : i32 to index
      %swap3A_48 = memref.load %arg9[%swap3A_47] : memref<1024xi32, #tpu.memory_space<smem>>
      memref.store %squeeze3A_42, %arg9[%swap3A_47] : memref<1024xi32, #tpu.memory_space<smem>>
      %slice3A_49 = vector.extract_strided_slice %get3A_27 {offsets = [3], sizes = [1], strides = [1]} : vector<16xi32> to vector<1xi32>
      %squeeze3A_50 = vector.extract %slice3A_49[0] : i32 from vector<1xi32>
      %mul3A_51 = arith.constant 16 : i32
      %mul3A_52 = arith.muli %scan3A_23, %mul3A_51 : i32
      %add3A_53 = arith.constant 3 : i32
      %add3A_54 = arith.addi %mul3A_52, %add3A_53 : i32
      %swap3A_55 = arith.index_cast %add3A_54 : i32 to index
      %swap3A_56 = memref.load %arg9[%swap3A_55] : memref<1024xi32, #tpu.memory_space<smem>>
      memref.store %squeeze3A_50, %arg9[%swap3A_55] : memref<1024xi32, #tpu.memory_space<smem>>
      %slice3A_57 = vector.extract_strided_slice %get3A_27 {offsets = [4], sizes = [1], strides = [1]} : vector<16xi32> to vector<1xi32>
      %squeeze3A_58 = vector.extract %slice3A_57[0] : i32 from vector<1xi32>
      %mul3A_59 = arith.constant 16 : i32
      %mul3A_60 = arith.muli %scan3A_23, %mul3A_59 : i32
      %add3A_61 = arith.constant 4 : i32
      %add3A_62 = arith.addi %mul3A_60, %add3A_61 : i32
      %swap3A_63 = arith.index_cast %add3A_62 : i32 to index
      %swap3A_64 = memref.load %arg9[%swap3A_63] : memref<1024xi32, #tpu.memory_space<smem>>
      memref.store %squeeze3A_58, %arg9[%swap3A_63] : memref<1024xi32, #tpu.memory_space<smem>>
      %slice3A_65 = vector.extract_strided_slice %get3A_27 {offsets = [5], sizes = [1], strides = [1]} : vector<16xi32> to vector<1xi32>
      %squeeze3A_66 = vector.extract %slice3A_65[0] : i32 from vector<1xi32>
      %mul3A_67 = arith.constant 16 : i32
      %mul3A_68 = arith.muli %scan3A_23, %mul3A_67 : i32
      %add3A_69 = arith.constant 5 : i32
      %add3A_70 = arith.addi %mul3A_68, %add3A_69 : i32
      %swap3A_71 = arith.index_cast %add3A_70 : i32 to index
      %swap3A_72 = memref.load %arg9[%swap3A_71] : memref<1024xi32, #tpu.memory_space<smem>>
      memref.store %squeeze3A_66, %arg9[%swap3A_71] : memref<1024xi32, #tpu.memory_space<smem>>
      %slice3A_73 = vector.extract_strided_slice %get3A_27 {offsets = [6], sizes = [1], strides = [1]} : vector<16xi32> to vector<1xi32>
      %squeeze3A_74 = vector.extract %slice3A_73[0] : i32 from vector<1xi32>
      %mul3A_75 = arith.constant 16 : i32
      %mul3A_76 = arith.muli %scan3A_23, %mul3A_75 : i32
      %add3A_77 = arith.constant 6 : i32
      %add3A_78 = arith.addi %mul3A_76, %add3A_77 : i32
      %swap3A_79 = arith.index_cast %add3A_78 : i32 to index
      %swap3A_80 = memref.load %arg9[%swap3A_79] : memref<1024xi32, #tpu.memory_space<smem>>
      memref.store %squeeze3A_74, %arg9[%swap3A_79] : memref<1024xi32, #tpu.memory_space<smem>>
      %slice3A_81 = vector.extract_strided_slice %get3A_27 {offsets = [7], sizes = [1], strides = [1]} : vector<16xi32> to vector<1xi32>
      %squeeze3A_82 = vector.extract %slice3A_81[0] : i32 from vector<1xi32>
      %mul3A_83 = arith.constant 16 : i32
      %mul3A_84 = arith.muli %scan3A_23, %mul3A_83 : i32
      %add3A_85 = arith.constant 7 : i32
      %add3A_86 = arith.addi %mul3A_84, %add3A_85 : i32
      %swap3A_87 = arith.index_cast %add3A_86 : i32 to index
      %swap3A_88 = memref.load %arg9[%swap3A_87] : memref<1024xi32, #tpu.memory_space<smem>>
      memref.store %squeeze3A_82, %arg9[%swap3A_87] : memref<1024xi32, #tpu.memory_space<smem>>
      %slice3A_89 = vector.extract_strided_slice %get3A_27 {offsets = [8], sizes = [1], strides = [1]} : vector<16xi32> to vector<1xi32>
      %squeeze3A_90 = vector.extract %slice3A_89[0] : i32 from vector<1xi32>
      %mul3A_91 = arith.constant 16 : i32
      %mul3A_92 = arith.muli %scan3A_23, %mul3A_91 : i32
      %add3A_93 = arith.constant 8 : i32
      %add3A_94 = arith.addi %mul3A_92, %add3A_93 : i32
      %swap3A_95 = arith.index_cast %add3A_94 : i32 to index
      %swap3A_96 = memref.load %arg9[%swap3A_95] : memref<1024xi32, #tpu.memory_space<smem>>
      memref.store %squeeze3A_90, %arg9[%swap3A_95] : memref<1024xi32, #tpu.memory_space<smem>>
      %slice3A_97 = vector.extract_strided_slice %get3A_27 {offsets = [9], sizes = [1], strides = [1]} : vector<16xi32> to vector<1xi32>
      %squeeze3A_98 = vector.extract %slice3A_97[0] : i32 from vector<1xi32>
      %mul3A_99 = arith.constant 16 : i32
      %mul3A_100 = arith.muli %scan3A_23, %mul3A_99 : i32
      %add3A_101 = arith.constant 9 : i32
      %add3A_102 = arith.addi %mul3A_100, %add3A_101 : i32
      %swap3A_103 = arith.index_cast %add3A_102 : i32 to index
      %swap3A_104 = memref.load %arg9[%swap3A_103] : memref<1024xi32, #tpu.memory_space<smem>>
      memref.store %squeeze3A_98, %arg9[%swap3A_103] : memref<1024xi32, #tpu.memory_space<smem>>
      %slice3A_105 = vector.extract_strided_slice %get3A_27 {offsets = [10], sizes = [1], strides = [1]} : vector<16xi32> to vector<1xi32>
      %squeeze3A_106 = vector.extract %slice3A_105[0] : i32 from vector<1xi32>
      %mul3A_107 = arith.constant 16 : i32
      %mul3A_108 = arith.muli %scan3A_23, %mul3A_107 : i32
      %add3A_109 = arith.constant 10 : i32
      %add3A_110 = arith.addi %mul3A_108, %add3A_109 : i32
      %swap3A_111 = arith.index_cast %add3A_110 : i32 to index
      %swap3A_112 = memref.load %arg9[%swap3A_111] : memref<1024xi32, #tpu.memory_space<smem>>
      memref.store %squeeze3A_106, %arg9[%swap3A_111] : memref<1024xi32, #tpu.memory_space<smem>>
      %slice3A_113 = vector.extract_strided_slice %get3A_27 {offsets = [11], sizes = [1], strides = [1]} : vector<16xi32> to vector<1xi32>
      %squeeze3A_114 = vector.extract %slice3A_113[0] : i32 from vector<1xi32>
      %mul3A_115 = arith.constant 16 : i32
      %mul3A_116 = arith.muli %scan3A_23, %mul3A_115 : i32
      %add3A_117 = arith.constant 11 : i32
      %add3A_118 = arith.addi %mul3A_116, %add3A_117 : i32
      %swap3A_119 = arith.index_cast %add3A_118 : i32 to index
      %swap3A_120 = memref.load %arg9[%swap3A_119] : memref<1024xi32, #tpu.memory_space<smem>>
      memref.store %squeeze3A_114, %arg9[%swap3A_119] : memref<1024xi32, #tpu.memory_space<smem>>
      %slice3A_121 = vector.extract_strided_slice %get3A_27 {offsets = [12], sizes = [1], strides = [1]} : vector<16xi32> to vector<1xi32>
      %squeeze3A_122 = vector.extract %slice3A_121[0] : i32 from vector<1xi32>
      %mul3A_123 = arith.constant 16 : i32
      %mul3A_124 = arith.muli %scan3A_23, %mul3A_123 : i32
      %add3A_125 = arith.constant 12 : i32
      %add3A_126 = arith.addi %mul3A_124, %add3A_125 : i32
      %swap3A_127 = arith.index_cast %add3A_126 : i32 to index
      %swap3A_128 = memref.load %arg9[%swap3A_127] : memref<1024xi32, #tpu.memory_space<smem>>
      memref.store %squeeze3A_122, %arg9[%swap3A_127] : memref<1024xi32, #tpu.memory_space<smem>>
      %slice3A_129 = vector.extract_strided_slice %get3A_27 {offsets = [13], sizes = [1], strides = [1]} : vector<16xi32> to vector<1xi32>
      %squeeze3A_130 = vector.extract %slice3A_129[0] : i32 from vector<1xi32>
      %mul3A_131 = arith.constant 16 : i32
      %mul3A_132 = arith.muli %scan3A_23, %mul3A_131 : i32
      %add3A_133 = arith.constant 13 : i32
      %add3A_134 = arith.addi %mul3A_132, %add3A_133 : i32
      %swap3A_135 = arith.index_cast %add3A_134 : i32 to index
      %swap3A_136 = memref.load %arg9[%swap3A_135] : memref<1024xi32, #tpu.memory_space<smem>>
      memref.store %squeeze3A_130, %arg9[%swap3A_135] : memref<1024xi32, #tpu.memory_space<smem>>
      %slice3A_137 = vector.extract_strided_slice %get3A_27 {offsets = [14], sizes = [1], strides = [1]} : vector<16xi32> to vector<1xi32>
      %squeeze3A_138 = vector.extract %slice3A_137[0] : i32 from vector<1xi32>
      %mul3A_139 = arith.constant 16 : i32
      %mul3A_140 = arith.muli %scan3A_23, %mul3A_139 : i32
      %add3A_141 = arith.constant 14 : i32
      %add3A_142 = arith.addi %mul3A_140, %add3A_141 : i32
      %swap3A_143 = arith.index_cast %add3A_142 : i32 to index
      %swap3A_144 = memref.load %arg9[%swap3A_143] : memref<1024xi32, #tpu.memory_space<smem>>
      memref.store %squeeze3A_138, %arg9[%swap3A_143] : memref<1024xi32, #tpu.memory_space<smem>>
      %slice3A_145 = vector.extract_strided_slice %get3A_27 {offsets = [15], sizes = [1], strides = [1]} : vector<16xi32> to vector<1xi32>
      %squeeze3A_146 = vector.extract %slice3A_145[0] : i32 from vector<1xi32>
      %mul3A_147 = arith.constant 16 : i32
      %mul3A_148 = arith.muli %scan3A_23, %mul3A_147 : i32
      %add3A_149 = arith.constant 15 : i32
      %add3A_150 = arith.addi %mul3A_148, %add3A_149 : i32
      %swap3A_151 = arith.index_cast %add3A_150 : i32 to index
      %swap3A_152 = memref.load %arg9[%swap3A_151] : memref<1024xi32, #tpu.memory_space<smem>>
      memref.store %squeeze3A_146, %arg9[%swap3A_151] : memref<1024xi32, #tpu.memory_space<smem>>
    }
    %scan3A_13 = arith.constant 64 : i32
    %broadcast_in_dim3A = arith.constant 0.000000e+00 : f32
    %broadcast_in_dim3A_14 = vector.broadcast %broadcast_in_dim3A : f32 to vector<16xf32>
    %parallel_loop3A = arith.constant 0 : i32
    %parallel_loop3A_15 = arith.constant 64 : i32
    %parallel_loop3A_16 = arith.constant 1 : i32
    scf.for %parallel_loop3A_23 = %parallel_loop3A to %parallel_loop3A_15 step %parallel_loop3A_16  : i32 {
      %parallel_loop3A_24 = arith.constant 512 : i32
      %parallel_loop3A_25 = arith.muli %parallel_loop3A_23, %parallel_loop3A_24 : i32
      %parallel_loop3A_26 = arith.constant 0 : i32
      %parallel_loop3A_27 = arith.addi %parallel_loop3A_25, %parallel_loop3A_26 : i32
      %parallel_loop3A_28 = arith.index_cast %parallel_loop3A_27 : i32 to index
      %parallel_loop3A_29 = tpu.vector_load %arg8[%parallel_loop3A_28] {strides = array<i32>} : memref<32768xf32, #tpu.memory_space<vmem>>, vector<16xf32>,
      %parallel_loop3A_30 = vector.shape_cast %parallel_loop3A_29 : vector<16xf32> to vector<16xf32>
      %parallel_loop3A_31 = vector.shape_cast %broadcast_in_dim3A_14 : vector<16xf32> to vector<16xf32>
      tpu.vector_store %arg8[%parallel_loop3A_28], %parallel_loop3A_31 {strides = array<i32>} : memref<32768xf32, #tpu.memory_space<vmem>>, vector<16xf32>,
      %parallel_loop3A_32 = arith.constant 16 : i32
      %parallel_loop3A_33 = arith.addi %parallel_loop3A_25, %parallel_loop3A_32 : i32
      %parallel_loop3A_34 = arith.index_cast %parallel_loop3A_33 : i32 to index
      %parallel_loop3A_35 = tpu.vector_load %arg8[%parallel_loop3A_34] {strides = array<i32>} : memref<32768xf32, #tpu.memory_space<vmem>>, vector<16xf32>,
      %parallel_loop3A_36 = vector.shape_cast %parallel_loop3A_35 : vector<16xf32> to vector<16xf32>
      %parallel_loop3A_37 = vector.shape_cast %broadcast_in_dim3A_14 : vector<16xf32> to vector<16xf32>
      tpu.vector_store %arg8[%parallel_loop3A_34], %parallel_loop3A_37 {strides = array<i32>} : memref<32768xf32, #tpu.memory_space<vmem>>, vector<16xf32>,
      %parallel_loop3A_38 = arith.constant 32 : i32
      %parallel_loop3A_39 = arith.addi %parallel_loop3A_25, %parallel_loop3A_38 : i32
      %parallel_loop3A_40 = arith.index_cast %parallel_loop3A_39 : i32 to index
      %parallel_loop3A_41 = tpu.vector_load %arg8[%parallel_loop3A_40] {strides = array<i32>} : memref<32768xf32, #tpu.memory_space<vmem>>, vector<16xf32>,
      %parallel_loop3A_42 = vector.shape_cast %parallel_loop3A_41 : vector<16xf32> to vector<16xf32>
      %parallel_loop3A_43 = vector.shape_cast %broadcast_in_dim3A_14 : vector<16xf32> to vector<16xf32>
      tpu.vector_store %arg8[%parallel_loop3A_40], %parallel_loop3A_43 {strides = array<i32>} : memref<32768xf32, #tpu.memory_space<vmem>>, vector<16xf32>,
      %parallel_loop3A_44 = arith.constant 48 : i32
      %parallel_loop3A_45 = arith.addi %parallel_loop3A_25, %parallel_loop3A_44 : i32
      %parallel_loop3A_46 = arith.index_cast %parallel_loop3A_45 : i32 to index
      %parallel_loop3A_47 = tpu.vector_load %arg8[%parallel_loop3A_46] {strides = array<i32>} : memref<32768xf32, #tpu.memory_space<vmem>>, vector<16xf32>,
      %parallel_loop3A_48 = vector.shape_cast %parallel_loop3A_47 : vector<16xf32> to vector<16xf32>
      %parallel_loop3A_49 = vector.shape_cast %broadcast_in_dim3A_14 : vector<16xf32> to vector<16xf32>
      tpu.vector_store %arg8[%parallel_loop3A_46], %parallel_loop3A_49 {strides = array<i32>} : memref<32768xf32, #tpu.memory_space<vmem>>, vector<16xf32>,
      %parallel_loop3A_50 = arith.constant 64 : i32
      %parallel_loop3A_51 = arith.addi %parallel_loop3A_25, %parallel_loop3A_50 : i32
      %parallel_loop3A_52 = arith.index_cast %parallel_loop3A_51 : i32 to index
      %parallel_loop3A_53 = tpu.vector_load %arg8[%parallel_loop3A_52] {strides = array<i32>} : memref<32768xf32, #tpu.memory_space<vmem>>, vector<16xf32>,
      %parallel_loop3A_54 = vector.shape_cast %parallel_loop3A_53 : vector<16xf32> to vector<16xf32>
      %parallel_loop3A_55 = vector.shape_cast %broadcast_in_dim3A_14 : vector<16xf32> to vector<16xf32>
      tpu.vector_store %arg8[%parallel_loop3A_52], %parallel_loop3A_55 {strides = array<i32>} : memref<32768xf32, #tpu.memory_space<vmem>>, vector<16xf32>,
      %parallel_loop3A_56 = arith.constant 80 : i32
      %parallel_loop3A_57 = arith.addi %parallel_loop3A_25, %parallel_loop3A_56 : i32
      %parallel_loop3A_58 = arith.index_cast %parallel_loop3A_57 : i32 to index
      %parallel_loop3A_59 = tpu.vector_load %arg8[%parallel_loop3A_58] {strides = array<i32>} : memref<32768xf32, #tpu.memory_space<vmem>>, vector<16xf32>,
      %parallel_loop3A_60 = vector.shape_cast %parallel_loop3A_59 : vector<16xf32> to vector<16xf32>
      %parallel_loop3A_61 = vector.shape_cast %broadcast_in_dim3A_14 : vector<16xf32> to vector<16xf32>
      tpu.vector_store %arg8[%parallel_loop3A_58], %parallel_loop3A_61 {strides = array<i32>} : memref<32768xf32, #tpu.memory_space<vmem>>, vector<16xf32>,
      %parallel_loop3A_62 = arith.constant 96 : i32
      %parallel_loop3A_63 = arith.addi %parallel_loop3A_25, %parallel_loop3A_62 : i32
      %parallel_loop3A_64 = arith.index_cast %parallel_loop3A_63 : i32 to index
      %parallel_loop3A_65 = tpu.vector_load %arg8[%parallel_loop3A_64] {strides = array<i32>} : memref<32768xf32, #tpu.memory_space<vmem>>, vector<16xf32>,
      %parallel_loop3A_66 = vector.shape_cast %parallel_loop3A_65 : vector<16xf32> to vector<16xf32>
      %parallel_loop3A_67 = vector.shape_cast %broadcast_in_dim3A_14 : vector<16xf32> to vector<16xf32>
      tpu.vector_store %arg8[%parallel_loop3A_64], %parallel_loop3A_67 {strides = array<i32>} : memref<32768xf32, #tpu.memory_space<vmem>>, vector<16xf32>,
      %parallel_loop3A_68 = arith.constant 112 : i32
      %parallel_loop3A_69 = arith.addi %parallel_loop3A_25, %parallel_loop3A_68 : i32
      %parallel_loop3A_70 = arith.index_cast %parallel_loop3A_69 : i32 to index
      %parallel_loop3A_71 = tpu.vector_load %arg8[%parallel_loop3A_70] {strides = array<i32>} : memref<32768xf32, #tpu.memory_space<vmem>>, vector<16xf32>,
      %parallel_loop3A_72 = vector.shape_cast %parallel_loop3A_71 : vector<16xf32> to vector<16xf32>
      %parallel_loop3A_73 = vector.shape_cast %broadcast_in_dim3A_14 : vector<16xf32> to vector<16xf32>
      tpu.vector_store %arg8[%parallel_loop3A_70], %parallel_loop3A_73 {strides = array<i32>} : memref<32768xf32, #tpu.memory_space<vmem>>, vector<16xf32>,
      %parallel_loop3A_74 = arith.constant 128 : i32
      %parallel_loop3A_75 = arith.addi %parallel_loop3A_25, %parallel_loop3A_74 : i32
      %parallel_loop3A_76 = arith.index_cast %parallel_loop3A_75 : i32 to index
      %parallel_loop3A_77 = tpu.vector_load %arg8[%parallel_loop3A_76] {strides = array<i32>} : memref<32768xf32, #tpu.memory_space<vmem>>, vector<16xf32>,
      %parallel_loop3A_78 = vector.shape_cast %parallel_loop3A_77 : vector<16xf32> to vector<16xf32>
      %parallel_loop3A_79 = vector.shape_cast %broadcast_in_dim3A_14 : vector<16xf32> to vector<16xf32>
      tpu.vector_store %arg8[%parallel_loop3A_76], %parallel_loop3A_79 {strides = array<i32>} : memref<32768xf32, #tpu.memory_space<vmem>>, vector<16xf32>,
      %parallel_loop3A_80 = arith.constant 144 : i32
      %parallel_loop3A_81 = arith.addi %parallel_loop3A_25, %parallel_loop3A_80 : i32
      %parallel_loop3A_82 = arith.index_cast %parallel_loop3A_81 : i32 to index
      %parallel_loop3A_83 = tpu.vector_load %arg8[%parallel_loop3A_82] {strides = array<i32>} : memref<32768xf32, #tpu.memory_space<vmem>>, vector<16xf32>,
      %parallel_loop3A_84 = vector.shape_cast %parallel_loop3A_83 : vector<16xf32> to vector<16xf32>
      %parallel_loop3A_85 = vector.shape_cast %broadcast_in_dim3A_14 : vector<16xf32> to vector<16xf32>
      tpu.vector_store %arg8[%parallel_loop3A_82], %parallel_loop3A_85 {strides = array<i32>} : memref<32768xf32, #tpu.memory_space<vmem>>, vector<16xf32>,
      %parallel_loop3A_86 = arith.constant 160 : i32
      %parallel_loop3A_87 = arith.addi %parallel_loop3A_25, %parallel_loop3A_86 : i32
      %parallel_loop3A_88 = arith.index_cast %parallel_loop3A_87 : i32 to index
      %parallel_loop3A_89 = tpu.vector_load %arg8[%parallel_loop3A_88] {strides = array<i32>} : memref<32768xf32, #tpu.memory_space<vmem>>, vector<16xf32>,
      %parallel_loop3A_90 = vector.shape_cast %parallel_loop3A_89 : vector<16xf32> to vector<16xf32>
      %parallel_loop3A_91 = vector.shape_cast %broadcast_in_dim3A_14 : vector<16xf32> to vector<16xf32>
      tpu.vector_store %arg8[%parallel_loop3A_88], %parallel_loop3A_91 {strides = array<i32>} : memref<32768xf32, #tpu.memory_space<vmem>>, vector<16xf32>,
      %parallel_loop3A_92 = arith.constant 176 : i32
      %parallel_loop3A_93 = arith.addi %parallel_loop3A_25, %parallel_loop3A_92 : i32
      %parallel_loop3A_94 = arith.index_cast %parallel_loop3A_93 : i32 to index
      %parallel_loop3A_95 = tpu.vector_load %arg8[%parallel_loop3A_94] {strides = array<i32>} : memref<32768xf32, #tpu.memory_space<vmem>>, vector<16xf32>,
      %parallel_loop3A_96 = vector.shape_cast %parallel_loop3A_95 : vector<16xf32> to vector<16xf32>
      %parallel_loop3A_97 = vector.shape_cast %broadcast_in_dim3A_14 : vector<16xf32> to vector<16xf32>
      tpu.vector_store %arg8[%parallel_loop3A_94], %parallel_loop3A_97 {strides = array<i32>} : memref<32768xf32, #tpu.memory_space<vmem>>, vector<16xf32>,
      %parallel_loop3A_98 = arith.constant 192 : i32
      %parallel_loop3A_99 = arith.addi %parallel_loop3A_25, %parallel_loop3A_98 : i32
      %parallel_loop3A_100 = arith.index_cast %parallel_loop3A_99 : i32 to index
      %parallel_loop3A_101 = tpu.vector_load %arg8[%parallel_loop3A_100] {strides = array<i32>} : memref<32768xf32, #tpu.memory_space<vmem>>, vector<16xf32>,
      %parallel_loop3A_102 = vector.shape_cast %parallel_loop3A_101 : vector<16xf32> to vector<16xf32>
      %parallel_loop3A_103 = vector.shape_cast %broadcast_in_dim3A_14 : vector<16xf32> to vector<16xf32>
      tpu.vector_store %arg8[%parallel_loop3A_100], %parallel_loop3A_103 {strides = array<i32>} : memref<32768xf32, #tpu.memory_space<vmem>>, vector<16xf32>,
      %parallel_loop3A_104 = arith.constant 208 : i32
      %parallel_loop3A_105 = arith.addi %parallel_loop3A_25, %parallel_loop3A_104 : i32
      %parallel_loop3A_106 = arith.index_cast %parallel_loop3A_105 : i32 to index
      %parallel_loop3A_107 = tpu.vector_load %arg8[%parallel_loop3A_106] {strides = array<i32>} : memref<32768xf32, #tpu.memory_space<vmem>>, vector<16xf32>,
      %parallel_loop3A_108 = vector.shape_cast %parallel_loop3A_107 : vector<16xf32> to vector<16xf32>
      %parallel_loop3A_109 = vector.shape_cast %broadcast_in_dim3A_14 : vector<16xf32> to vector<16xf32>
      tpu.vector_store %arg8[%parallel_loop3A_106], %parallel_loop3A_109 {strides = array<i32>} : memref<32768xf32, #tpu.memory_space<vmem>>, vector<16xf32>,
      %parallel_loop3A_110 = arith.constant 224 : i32
      %parallel_loop3A_111 = arith.addi %parallel_loop3A_25, %parallel_loop3A_110 : i32
      %parallel_loop3A_112 = arith.index_cast %parallel_loop3A_111 : i32 to index
      %parallel_loop3A_113 = tpu.vector_load %arg8[%parallel_loop3A_112] {strides = array<i32>} : memref<32768xf32, #tpu.memory_space<vmem>>, vector<16xf32>,
      %parallel_loop3A_114 = vector.shape_cast %parallel_loop3A_113 : vector<16xf32> to vector<16xf32>
      %parallel_loop3A_115 = vector.shape_cast %broadcast_in_dim3A_14 : vector<16xf32> to vector<16xf32>
      tpu.vector_store %arg8[%parallel_loop3A_112], %parallel_loop3A_115 {strides = array<i32>} : memref<32768xf32, #tpu.memory_space<vmem>>, vector<16xf32>,
      %parallel_loop3A_116 = arith.constant 240 : i32
      %parallel_loop3A_117 = arith.addi %parallel_loop3A_25, %parallel_loop3A_116 : i32
      %parallel_loop3A_118 = arith.index_cast %parallel_loop3A_117 : i32 to index
      %parallel_loop3A_119 = tpu.vector_load %arg8[%parallel_loop3A_118] {strides = array<i32>} : memref<32768xf32, #tpu.memory_space<vmem>>, vector<16xf32>,
      %parallel_loop3A_120 = vector.shape_cast %parallel_loop3A_119 : vector<16xf32> to vector<16xf32>
      %parallel_loop3A_121 = vector.shape_cast %broadcast_in_dim3A_14 : vector<16xf32> to vector<16xf32>
      tpu.vector_store %arg8[%parallel_loop3A_118], %parallel_loop3A_121 {strides = array<i32>} : memref<32768xf32, #tpu.memory_space<vmem>>, vector<16xf32>,
      %parallel_loop3A_122 = arith.constant 256 : i32
      %parallel_loop3A_123 = arith.addi %parallel_loop3A_25, %parallel_loop3A_122 : i32
      %parallel_loop3A_124 = arith.index_cast %parallel_loop3A_123 : i32 to index
      %parallel_loop3A_125 = tpu.vector_load %arg8[%parallel_loop3A_124] {strides = array<i32>} : memref<32768xf32, #tpu.memory_space<vmem>>, vector<16xf32>,
      %parallel_loop3A_126 = vector.shape_cast %parallel_loop3A_125 : vector<16xf32> to vector<16xf32>
      %parallel_loop3A_127 = vector.shape_cast %broadcast_in_dim3A_14 : vector<16xf32> to vector<16xf32>
      tpu.vector_store %arg8[%parallel_loop3A_124], %parallel_loop3A_127 {strides = array<i32>} : memref<32768xf32, #tpu.memory_space<vmem>>, vector<16xf32>,
      %parallel_loop3A_128 = arith.constant 272 : i32
      %parallel_loop3A_129 = arith.addi %parallel_loop3A_25, %parallel_loop3A_128 : i32
      %parallel_loop3A_130 = arith.index_cast %parallel_loop3A_129 : i32 to index
      %parallel_loop3A_131 = tpu.vector_load %arg8[%parallel_loop3A_130] {strides = array<i32>} : memref<32768xf32, #tpu.memory_space<vmem>>, vector<16xf32>,
      %parallel_loop3A_132 = vector.shape_cast %parallel_loop3A_131 : vector<16xf32> to vector<16xf32>
      %parallel_loop3A_133 = vector.shape_cast %broadcast_in_dim3A_14 : vector<16xf32> to vector<16xf32>
      tpu.vector_store %arg8[%parallel_loop3A_130], %parallel_loop3A_133 {strides = array<i32>} : memref<32768xf32, #tpu.memory_space<vmem>>, vector<16xf32>,
      %parallel_loop3A_134 = arith.constant 288 : i32
      %parallel_loop3A_135 = arith.addi %parallel_loop3A_25, %parallel_loop3A_134 : i32
      %parallel_loop3A_136 = arith.index_cast %parallel_loop3A_135 : i32 to index
      %parallel_loop3A_137 = tpu.vector_load %arg8[%parallel_loop3A_136] {strides = array<i32>} : memref<32768xf32, #tpu.memory_space<vmem>>, vector<16xf32>,
      %parallel_loop3A_138 = vector.shape_cast %parallel_loop3A_137 : vector<16xf32> to vector<16xf32>
      %parallel_loop3A_139 = vector.shape_cast %broadcast_in_dim3A_14 : vector<16xf32> to vector<16xf32>
      tpu.vector_store %arg8[%parallel_loop3A_136], %parallel_loop3A_139 {strides = array<i32>} : memref<32768xf32, #tpu.memory_space<vmem>>, vector<16xf32>,
      %parallel_loop3A_140 = arith.constant 304 : i32
      %parallel_loop3A_141 = arith.addi %parallel_loop3A_25, %parallel_loop3A_140 : i32
      %parallel_loop3A_142 = arith.index_cast %parallel_loop3A_141 : i32 to index
      %parallel_loop3A_143 = tpu.vector_load %arg8[%parallel_loop3A_142] {strides = array<i32>} : memref<32768xf32, #tpu.memory_space<vmem>>, vector<16xf32>,
      %parallel_loop3A_144 = vector.shape_cast %parallel_loop3A_143 : vector<16xf32> to vector<16xf32>
      %parallel_loop3A_145 = vector.shape_cast %broadcast_in_dim3A_14 : vector<16xf32> to vector<16xf32>
      tpu.vector_store %arg8[%parallel_loop3A_142], %parallel_loop3A_145 {strides = array<i32>} : memref<32768xf32, #tpu.memory_space<vmem>>, vector<16xf32>,
      %parallel_loop3A_146 = arith.constant 320 : i32
      %parallel_loop3A_147 = arith.addi %parallel_loop3A_25, %parallel_loop3A_146 : i32
      %parallel_loop3A_148 = arith.index_cast %parallel_loop3A_147 : i32 to index
      %parallel_loop3A_149 = tpu.vector_load %arg8[%parallel_loop3A_148] {strides = array<i32>} : memref<32768xf32, #tpu.memory_space<vmem>>, vector<16xf32>,
      %parallel_loop3A_150 = vector.shape_cast %parallel_loop3A_149 : vector<16xf32> to vector<16xf32>
      %parallel_loop3A_151 = vector.shape_cast %broadcast_in_dim3A_14 : vector<16xf32> to vector<16xf32>
      tpu.vector_store %arg8[%parallel_loop3A_148], %parallel_loop3A_151 {strides = array<i32>} : memref<32768xf32, #tpu.memory_space<vmem>>, vector<16xf32>,
      %parallel_loop3A_152 = arith.constant 336 : i32
      %parallel_loop3A_153 = arith.addi %parallel_loop3A_25, %parallel_loop3A_152 : i32
      %parallel_loop3A_154 = arith.index_cast %parallel_loop3A_153 : i32 to index
      %parallel_loop3A_155 = tpu.vector_load %arg8[%parallel_loop3A_154] {strides = array<i32>} : memref<32768xf32, #tpu.memory_space<vmem>>, vector<16xf32>,
      %parallel_loop3A_156 = vector.shape_cast %parallel_loop3A_155 : vector<16xf32> to vector<16xf32>
      %parallel_loop3A_157 = vector.shape_cast %broadcast_in_dim3A_14 : vector<16xf32> to vector<16xf32>
      tpu.vector_store %arg8[%parallel_loop3A_154], %parallel_loop3A_157 {strides = array<i32>} : memref<32768xf32, #tpu.memory_space<vmem>>, vector<16xf32>,
      %parallel_loop3A_158 = arith.constant 352 : i32
      %parallel_loop3A_159 = arith.addi %parallel_loop3A_25, %parallel_loop3A_158 : i32
      %parallel_loop3A_160 = arith.index_cast %parallel_loop3A_159 : i32 to index
      %parallel_loop3A_161 = tpu.vector_load %arg8[%parallel_loop3A_160] {strides = array<i32>} : memref<32768xf32, #tpu.memory_space<vmem>>, vector<16xf32>,
      %parallel_loop3A_162 = vector.shape_cast %parallel_loop3A_161 : vector<16xf32> to vector<16xf32>
      %parallel_loop3A_163 = vector.shape_cast %broadcast_in_dim3A_14 : vector<16xf32> to vector<16xf32>
      tpu.vector_store %arg8[%parallel_loop3A_160], %parallel_loop3A_163 {strides = array<i32>} : memref<32768xf32, #tpu.memory_space<vmem>>, vector<16xf32>,
      %parallel_loop3A_164 = arith.constant 368 : i32
      %parallel_loop3A_165 = arith.addi %parallel_loop3A_25, %parallel_loop3A_164 : i32
      %parallel_loop3A_166 = arith.index_cast %parallel_loop3A_165 : i32 to index
      %parallel_loop3A_167 = tpu.vector_load %arg8[%parallel_loop3A_166] {strides = array<i32>} : memref<32768xf32, #tpu.memory_space<vmem>>, vector<16xf32>,
      %parallel_loop3A_168 = vector.shape_cast %parallel_loop3A_167 : vector<16xf32> to vector<16xf32>
      %parallel_loop3A_169 = vector.shape_cast %broadcast_in_dim3A_14 : vector<16xf32> to vector<16xf32>
      tpu.vector_store %arg8[%parallel_loop3A_166], %parallel_loop3A_169 {strides = array<i32>} : memref<32768xf32, #tpu.memory_space<vmem>>, vector<16xf32>,
      %parallel_loop3A_170 = arith.constant 384 : i32
      %parallel_loop3A_171 = arith.addi %parallel_loop3A_25, %parallel_loop3A_170 : i32
      %parallel_loop3A_172 = arith.index_cast %parallel_loop3A_171 : i32 to index
      %parallel_loop3A_173 = tpu.vector_load %arg8[%parallel_loop3A_172] {strides = array<i32>} : memref<32768xf32, #tpu.memory_space<vmem>>, vector<16xf32>,
      %parallel_loop3A_174 = vector.shape_cast %parallel_loop3A_173 : vector<16xf32> to vector<16xf32>
      %parallel_loop3A_175 = vector.shape_cast %broadcast_in_dim3A_14 : vector<16xf32> to vector<16xf32>
      tpu.vector_store %arg8[%parallel_loop3A_172], %parallel_loop3A_175 {strides = array<i32>} : memref<32768xf32, #tpu.memory_space<vmem>>, vector<16xf32>,
      %parallel_loop3A_176 = arith.constant 400 : i32
      %parallel_loop3A_177 = arith.addi %parallel_loop3A_25, %parallel_loop3A_176 : i32
      %parallel_loop3A_178 = arith.index_cast %parallel_loop3A_177 : i32 to index
      %parallel_loop3A_179 = tpu.vector_load %arg8[%parallel_loop3A_178] {strides = array<i32>} : memref<32768xf32, #tpu.memory_space<vmem>>, vector<16xf32>,
      %parallel_loop3A_180 = vector.shape_cast %parallel_loop3A_179 : vector<16xf32> to vector<16xf32>
      %parallel_loop3A_181 = vector.shape_cast %broadcast_in_dim3A_14 : vector<16xf32> to vector<16xf32>
      tpu.vector_store %arg8[%parallel_loop3A_178], %parallel_loop3A_181 {strides = array<i32>} : memref<32768xf32, #tpu.memory_space<vmem>>, vector<16xf32>,
      %parallel_loop3A_182 = arith.constant 416 : i32
      %parallel_loop3A_183 = arith.addi %parallel_loop3A_25, %parallel_loop3A_182 : i32
      %parallel_loop3A_184 = arith.index_cast %parallel_loop3A_183 : i32 to index
      %parallel_loop3A_185 = tpu.vector_load %arg8[%parallel_loop3A_184] {strides = array<i32>} : memref<32768xf32, #tpu.memory_space<vmem>>, vector<16xf32>,
      %parallel_loop3A_186 = vector.shape_cast %parallel_loop3A_185 : vector<16xf32> to vector<16xf32>
      %parallel_loop3A_187 = vector.shape_cast %broadcast_in_dim3A_14 : vector<16xf32> to vector<16xf32>
      tpu.vector_store %arg8[%parallel_loop3A_184], %parallel_loop3A_187 {strides = array<i32>} : memref<32768xf32, #tpu.memory_space<vmem>>, vector<16xf32>,
      %parallel_loop3A_188 = arith.constant 432 : i32
      %parallel_loop3A_189 = arith.addi %parallel_loop3A_25, %parallel_loop3A_188 : i32
      %parallel_loop3A_190 = arith.index_cast %parallel_loop3A_189 : i32 to index
      %parallel_loop3A_191 = tpu.vector_load %arg8[%parallel_loop3A_190] {strides = array<i32>} : memref<32768xf32, #tpu.memory_space<vmem>>, vector<16xf32>,
      %parallel_loop3A_192 = vector.shape_cast %parallel_loop3A_191 : vector<16xf32> to vector<16xf32>
      %parallel_loop3A_193 = vector.shape_cast %broadcast_in_dim3A_14 : vector<16xf32> to vector<16xf32>
      tpu.vector_store %arg8[%parallel_loop3A_190], %parallel_loop3A_193 {strides = array<i32>} : memref<32768xf32, #tpu.memory_space<vmem>>, vector<16xf32>,
      %parallel_loop3A_194 = arith.constant 448 : i32
      %parallel_loop3A_195 = arith.addi %parallel_loop3A_25, %parallel_loop3A_194 : i32
      %parallel_loop3A_196 = arith.index_cast %parallel_loop3A_195 : i32 to index
      %parallel_loop3A_197 = tpu.vector_load %arg8[%parallel_loop3A_196] {strides = array<i32>} : memref<32768xf32, #tpu.memory_space<vmem>>, vector<16xf32>,
      %parallel_loop3A_198 = vector.shape_cast %parallel_loop3A_197 : vector<16xf32> to vector<16xf32>
      %parallel_loop3A_199 = vector.shape_cast %broadcast_in_dim3A_14 : vector<16xf32> to vector<16xf32>
      tpu.vector_store %arg8[%parallel_loop3A_196], %parallel_loop3A_199 {strides = array<i32>} : memref<32768xf32, #tpu.memory_space<vmem>>, vector<16xf32>,
      %parallel_loop3A_200 = arith.constant 464 : i32
      %parallel_loop3A_201 = arith.addi %parallel_loop3A_25, %parallel_loop3A_200 : i32
      %parallel_loop3A_202 = arith.index_cast %parallel_loop3A_201 : i32 to index
      %parallel_loop3A_203 = tpu.vector_load %arg8[%parallel_loop3A_202] {strides = array<i32>} : memref<32768xf32, #tpu.memory_space<vmem>>, vector<16xf32>,
      %parallel_loop3A_204 = vector.shape_cast %parallel_loop3A_203 : vector<16xf32> to vector<16xf32>
      %parallel_loop3A_205 = vector.shape_cast %broadcast_in_dim3A_14 : vector<16xf32> to vector<16xf32>
      tpu.vector_store %arg8[%parallel_loop3A_202], %parallel_loop3A_205 {strides = array<i32>} : memref<32768xf32, #tpu.memory_space<vmem>>, vector<16xf32>,
      %parallel_loop3A_206 = arith.constant 480 : i32
      %parallel_loop3A_207 = arith.addi %parallel_loop3A_25, %parallel_loop3A_206 : i32
      %parallel_loop3A_208 = arith.index_cast %parallel_loop3A_207 : i32 to index
      %parallel_loop3A_209 = tpu.vector_load %arg8[%parallel_loop3A_208] {strides = array<i32>} : memref<32768xf32, #tpu.memory_space<vmem>>, vector<16xf32>,
      %parallel_loop3A_210 = vector.shape_cast %parallel_loop3A_209 : vector<16xf32> to vector<16xf32>
      %parallel_loop3A_211 = vector.shape_cast %broadcast_in_dim3A_14 : vector<16xf32> to vector<16xf32>
      tpu.vector_store %arg8[%parallel_loop3A_208], %parallel_loop3A_211 {strides = array<i32>} : memref<32768xf32, #tpu.memory_space<vmem>>, vector<16xf32>,
      %parallel_loop3A_212 = arith.constant 496 : i32
      %parallel_loop3A_213 = arith.addi %parallel_loop3A_25, %parallel_loop3A_212 : i32
      %parallel_loop3A_214 = arith.index_cast %parallel_loop3A_213 : i32 to index
      %parallel_loop3A_215 = tpu.vector_load %arg8[%parallel_loop3A_214] {strides = array<i32>} : memref<32768xf32, #tpu.memory_space<vmem>>, vector<16xf32>,
      %parallel_loop3A_216 = vector.shape_cast %parallel_loop3A_215 : vector<16xf32> to vector<16xf32>
      %parallel_loop3A_217 = vector.shape_cast %broadcast_in_dim3A_14 : vector<16xf32> to vector<16xf32>
      tpu.vector_store %arg8[%parallel_loop3A_214], %parallel_loop3A_217 {strides = array<i32>} : memref<32768xf32, #tpu.memory_space<vmem>>, vector<16xf32>,
    } {sc.loop_unroll_factor = 1 : i64, sc.parallel_access}
    %scan3A_17 = arith.constant 0 : i32
    %scan3A_18 = arith.constant 0 : i32
    %scan3A_19 = arith.constant 8 : i32
    %scan3A_20 = arith.addi %scan3A_18, %scan3A_19 : i32
    %scan3A_21 = arith.constant 1 : i32
    scf.for %scan3A_23 = %scan3A_18 to %scan3A_20 step %scan3A_21  : i32 {
      %mul3A_24 = arith.constant 2 : i32
      %mul3A_25 = arith.muli %mul3A_24, %scan3A_23 : i32
      %add3A_26 = arith.constant 1 : i32
      %add3A_27 = arith.addi %mul3A_25, %add3A_26 : i32
      %mul3A_28 = arith.constant 64 : i32
      %mul3A_29 = arith.muli %add3A_27, %mul3A_28 : i32
      %dma_start3A_30 = arith.constant 1 : i32
      %dma_start3A_31 = arith.constant 0 : i32
      %dma_start3A_32 = tpu.memref_slice %arg3[%mul3A_29, %dma_start3A_31] : memref<1024x256xi32, #tpu.memory_space<hbm>> -> memref<64x256xi32, #tpu.memory_space<hbm>>
      %dma_start3A_33 = tpu.memref_slice %arg10[%dma_start3A_30] : memref<2x!tpu.dma_semaphore, #tpu.memory_space<semaphore_mem>> -> memref<1x!tpu.dma_semaphore, #tpu.memory_space<semaphore_mem>>
      %dma_start3A_34 = tpu.memref_squeeze %dma_start3A_33 : memref<1x!tpu.dma_semaphore, #tpu.memory_space<semaphore_mem>> -> memref<!tpu.dma_semaphore, #tpu.memory_space<semaphore_mem>>
      %dma_start3A_35 = arith.constant 0 : i32
      %dma_start3A_36 = tpu.memref_slice %arg3[%mul3A_29, %dma_start3A_35] : memref<1024x256xi32, #tpu.memory_space<hbm>> -> memref<64x256xi32, #tpu.memory_space<hbm>>
      tpu.enqueue_dma source(%dma_start3A_36 : memref<64x256xi32, #tpu.memory_space<hbm>>) target(%arg7 : memref<64x256xi32, #tpu.memory_space<vmem>>) target_semaphore(%dma_start3A_34 : memref<!tpu.dma_semaphore, #tpu.memory_space<semaphore_mem>>)
      %mul3A_37 = arith.constant 64 : i32
      %mul3A_38 = arith.muli %mul3A_25, %mul3A_37 : i32
      %dma_wait3A = arith.constant 0 : i32
      %dma_wait3A_39 = arith.constant 0 : i32
      %dma_wait3A_40 = tpu.memref_slice %arg3[%mul3A_38, %dma_wait3A_39] : memref<1024x256xi32, #tpu.memory_space<hbm>> -> memref<64x256xi32, #tpu.memory_space<hbm>>
      %dma_wait3A_41 = tpu.memref_slice %arg10[%dma_wait3A] : memref<2x!tpu.dma_semaphore, #tpu.memory_space<semaphore_mem>> -> memref<1x!tpu.dma_semaphore, #tpu.memory_space<semaphore_mem>>
      %dma_wait3A_42 = tpu.memref_squeeze %dma_wait3A_41 : memref<1x!tpu.dma_semaphore, #tpu.memory_space<semaphore_mem>> -> memref<!tpu.dma_semaphore, #tpu.memory_space<semaphore_mem>>
      %dma_wait3A_43 = arith.constant 0 : i32
      %dma_wait3A_44 = tpu.memref_slice %arg3[%mul3A_38, %dma_wait3A_43] : memref<1024x256xi32, #tpu.memory_space<hbm>> -> memref<64x256xi32, #tpu.memory_space<hbm>>
      tpu.wait_dma2 semaphore(%dma_wait3A_42 : memref<!tpu.dma_semaphore, #tpu.memory_space<semaphore_mem>>) src(%dma_wait3A_44 : memref<64x256xi32, #tpu.memory_space<hbm>>) dst(%arg6 : memref<64x256xi32, #tpu.memory_space<vmem>>)
      %parallel_loop3A_45 = arith.constant 0 : i32
      %parallel_loop3A_46 = arith.constant 64 : i32
      %parallel_loop3A_47 = arith.constant 1 : i32
      scf.for %parallel_loop3A_68 = %parallel_loop3A_45 to %parallel_loop3A_46 step %parallel_loop3A_47  : i32 {
        %parallel_loop3A_69 = arith.constant 64 : i32
        %parallel_loop3A_70 = arith.muli %mul3A_25, %parallel_loop3A_69 : i32
        %parallel_loop3A_71 = arith.addi %parallel_loop3A_70, %parallel_loop3A_68 : i32
        %parallel_loop3A_72 = arith.index_cast %parallel_loop3A_71 : i32 to index
        %parallel_loop3A_73 = memref.load %arg9[%parallel_loop3A_72] : memref<1024xi32, #tpu.memory_space<smem>>
        %parallel_loop3A_74 = arith.constant 512 : i32
        %parallel_loop3A_75 = arith.muli %parallel_loop3A_73, %parallel_loop3A_74 : i32
        %parallel_loop3A_76 = arith.index_cast %parallel_loop3A_68 : i32 to index
        %parallel_loop3A_77 = arith.constant 0 : index
        %parallel_loop3A_78 = tpu.vector_load %arg6[%parallel_loop3A_76, %parallel_loop3A_77] {strides = array<i32>} : memref<64x256xi32, #tpu.memory_space<vmem>>, vector<1x16xi32>,
        %parallel_loop3A_79 = vector.shape_cast %parallel_loop3A_78 : vector<1x16xi32> to vector<16xi32>
        %parallel_loop3A_80 = arith.constant 16 : i32
        %parallel_loop3A_81 = vector.broadcast %parallel_loop3A_80 : i32 to vector<16xi32>
        %parallel_loop3A_82 = arith.shli %parallel_loop3A_79, %parallel_loop3A_81 : vector<16xi32>
        %parallel_loop3A_83 = tpu.bitcast %parallel_loop3A_82 : vector<16xi32> -> vector<16xf32>
        %parallel_loop3A_84 = arith.constant -65536 : i32
        %parallel_loop3A_85 = vector.broadcast %parallel_loop3A_84 : i32 to vector<16xi32>
        %parallel_loop3A_86 = arith.andi %parallel_loop3A_79, %parallel_loop3A_85 : vector<16xi32>
        %parallel_loop3A_87 = tpu.bitcast %parallel_loop3A_86 : vector<16xi32> -> vector<16xf32>
        %parallel_loop3A_88 = arith.constant 0 : i32
        %parallel_loop3A_89 = arith.addi %parallel_loop3A_75, %parallel_loop3A_88 : i32
        %parallel_loop3A_90 = arith.index_cast %parallel_loop3A_89 : i32 to index
        %parallel_loop3A_91 = tpu.vector_load %arg8[%parallel_loop3A_90] {strides = array<i32>} : memref<32768xf32, #tpu.memory_space<vmem>>, vector<16xf32>,
        %parallel_loop3A_92 = vector.shape_cast %parallel_loop3A_91 : vector<16xf32> to vector<16xf32>
        %parallel_loop3A_93 = vector.shape_cast %parallel_loop3A_83 : vector<16xf32> to vector<16xf32>
        tpu.vector_store %arg8[%parallel_loop3A_90], %parallel_loop3A_93 {add = true, strides = array<i32>} : memref<32768xf32, #tpu.memory_space<vmem>>, vector<16xf32>,
        %parallel_loop3A_94 = arith.constant 0 : i32
        %parallel_loop3A_95 = arith.addi %parallel_loop3A_75, %parallel_loop3A_94 : i32
        %parallel_loop3A_96 = arith.constant 16 : i32
        %parallel_loop3A_97 = arith.addi %parallel_loop3A_95, %parallel_loop3A_96 : i32
        %parallel_loop3A_98 = arith.index_cast %parallel_loop3A_97 : i32 to index
        %parallel_loop3A_99 = tpu.vector_load %arg8[%parallel_loop3A_98] {strides = array<i32>} : memref<32768xf32, #tpu.memory_space<vmem>>, vector<16xf32>,
        %parallel_loop3A_100 = vector.shape_cast %parallel_loop3A_99 : vector<16xf32> to vector<16xf32>
        %parallel_loop3A_101 = vector.shape_cast %parallel_loop3A_87 : vector<16xf32> to vector<16xf32>
        tpu.vector_store %arg8[%parallel_loop3A_98], %parallel_loop3A_101 {add = true, strides = array<i32>} : memref<32768xf32, #tpu.memory_space<vmem>>, vector<16xf32>,
        %parallel_loop3A_102 = arith.index_cast %parallel_loop3A_68 : i32 to index
        %parallel_loop3A_103 = arith.constant 16 : index
        %parallel_loop3A_104 = tpu.vector_load %arg6[%parallel_loop3A_102, %parallel_loop3A_103] {strides = array<i32>} : memref<64x256xi32, #tpu.memory_space<vmem>>, vector<1x16xi32>,
        %parallel_loop3A_105 = vector.shape_cast %parallel_loop3A_104 : vector<1x16xi32> to vector<16xi32>
        %parallel_loop3A_106 = arith.constant 16 : i32
        %parallel_loop3A_107 = vector.broadcast %parallel_loop3A_106 : i32 to vector<16xi32>
        %parallel_loop3A_108 = arith.shli %parallel_loop3A_105, %parallel_loop3A_107 : vector<16xi32>
        %parallel_loop3A_109 = tpu.bitcast %parallel_loop3A_108 : vector<16xi32> -> vector<16xf32>
        %parallel_loop3A_110 = arith.constant -65536 : i32
        %parallel_loop3A_111 = vector.broadcast %parallel_loop3A_110 : i32 to vector<16xi32>
        %parallel_loop3A_112 = arith.andi %parallel_loop3A_105, %parallel_loop3A_111 : vector<16xi32>
        %parallel_loop3A_113 = tpu.bitcast %parallel_loop3A_112 : vector<16xi32> -> vector<16xf32>
        %parallel_loop3A_114 = arith.constant 32 : i32
        %parallel_loop3A_115 = arith.addi %parallel_loop3A_75, %parallel_loop3A_114 : i32
        %parallel_loop3A_116 = arith.index_cast %parallel_loop3A_115 : i32 to index
        %parallel_loop3A_117 = tpu.vector_load %arg8[%parallel_loop3A_116] {strides = array<i32>} : memref<32768xf32, #tpu.memory_space<vmem>>, vector<16xf32>,
        %parallel_loop3A_118 = vector.shape_cast %parallel_loop3A_117 : vector<16xf32> to vector<16xf32>
        %parallel_loop3A_119 = vector.shape_cast %parallel_loop3A_109 : vector<16xf32> to vector<16xf32>
        tpu.vector_store %arg8[%parallel_loop3A_116], %parallel_loop3A_119 {add = true, strides = array<i32>} : memref<32768xf32, #tpu.memory_space<vmem>>, vector<16xf32>,
        %parallel_loop3A_120 = arith.constant 32 : i32
        %parallel_loop3A_121 = arith.addi %parallel_loop3A_75, %parallel_loop3A_120 : i32
        %parallel_loop3A_122 = arith.constant 16 : i32
        %parallel_loop3A_123 = arith.addi %parallel_loop3A_121, %parallel_loop3A_122 : i32
        %parallel_loop3A_124 = arith.index_cast %parallel_loop3A_123 : i32 to index
        %parallel_loop3A_125 = tpu.vector_load %arg8[%parallel_loop3A_124] {strides = array<i32>} : memref<32768xf32, #tpu.memory_space<vmem>>, vector<16xf32>,
        %parallel_loop3A_126 = vector.shape_cast %parallel_loop3A_125 : vector<16xf32> to vector<16xf32>
        %parallel_loop3A_127 = vector.shape_cast %parallel_loop3A_113 : vector<16xf32> to vector<16xf32>
        tpu.vector_store %arg8[%parallel_loop3A_124], %parallel_loop3A_127 {add = true, strides = array<i32>} : memref<32768xf32, #tpu.memory_space<vmem>>, vector<16xf32>,
        %parallel_loop3A_128 = arith.index_cast %parallel_loop3A_68 : i32 to index
        %parallel_loop3A_129 = arith.constant 32 : index
        %parallel_loop3A_130 = tpu.vector_load %arg6[%parallel_loop3A_128, %parallel_loop3A_129] {strides = array<i32>} : memref<64x256xi32, #tpu.memory_space<vmem>>, vector<1x16xi32>,
        %parallel_loop3A_131 = vector.shape_cast %parallel_loop3A_130 : vector<1x16xi32> to vector<16xi32>
        %parallel_loop3A_132 = arith.constant 16 : i32
        %parallel_loop3A_133 = vector.broadcast %parallel_loop3A_132 : i32 to vector<16xi32>
        %parallel_loop3A_134 = arith.shli %parallel_loop3A_131, %parallel_loop3A_133 : vector<16xi32>
        %parallel_loop3A_135 = tpu.bitcast %parallel_loop3A_134 : vector<16xi32> -> vector<16xf32>
        %parallel_loop3A_136 = arith.constant -65536 : i32
        %parallel_loop3A_137 = vector.broadcast %parallel_loop3A_136 : i32 to vector<16xi32>
        %parallel_loop3A_138 = arith.andi %parallel_loop3A_131, %parallel_loop3A_137 : vector<16xi32>
        %parallel_loop3A_139 = tpu.bitcast %parallel_loop3A_138 : vector<16xi32> -> vector<16xf32>
        %parallel_loop3A_140 = arith.constant 64 : i32
        %parallel_loop3A_141 = arith.addi %parallel_loop3A_75, %parallel_loop3A_140 : i32
        %parallel_loop3A_142 = arith.index_cast %parallel_loop3A_141 : i32 to index
        %parallel_loop3A_143 = tpu.vector_load %arg8[%parallel_loop3A_142] {strides = array<i32>} : memref<32768xf32, #tpu.memory_space<vmem>>, vector<16xf32>,
        %parallel_loop3A_144 = vector.shape_cast %parallel_loop3A_143 : vector<16xf32> to vector<16xf32>
        %parallel_loop3A_145 = vector.shape_cast %parallel_loop3A_135 : vector<16xf32> to vector<16xf32>
        tpu.vector_store %arg8[%parallel_loop3A_142], %parallel_loop3A_145 {add = true, strides = array<i32>} : memref<32768xf32, #tpu.memory_space<vmem>>, vector<16xf32>,
        %parallel_loop3A_146 = arith.constant 64 : i32
        %parallel_loop3A_147 = arith.addi %parallel_loop3A_75, %parallel_loop3A_146 : i32
        %parallel_loop3A_148 = arith.constant 16 : i32
        %parallel_loop3A_149 = arith.addi %parallel_loop3A_147, %parallel_loop3A_148 : i32
        %parallel_loop3A_150 = arith.index_cast %parallel_loop3A_149 : i32 to index
        %parallel_loop3A_151 = tpu.vector_load %arg8[%parallel_loop3A_150] {strides = array<i32>} : memref<32768xf32, #tpu.memory_space<vmem>>, vector<16xf32>,
        %parallel_loop3A_152 = vector.shape_cast %parallel_loop3A_151 : vector<16xf32> to vector<16xf32>
        %parallel_loop3A_153 = vector.shape_cast %parallel_loop3A_139 : vector<16xf32> to vector<16xf32>
        tpu.vector_store %arg8[%parallel_loop3A_150], %parallel_loop3A_153 {add = true, strides = array<i32>} : memref<32768xf32, #tpu.memory_space<vmem>>, vector<16xf32>,
        %parallel_loop3A_154 = arith.index_cast %parallel_loop3A_68 : i32 to index
        %parallel_loop3A_155 = arith.constant 48 : index
        %parallel_loop3A_156 = tpu.vector_load %arg6[%parallel_loop3A_154, %parallel_loop3A_155] {strides = array<i32>} : memref<64x256xi32, #tpu.memory_space<vmem>>, vector<1x16xi32>,
        %parallel_loop3A_157 = vector.shape_cast %parallel_loop3A_156 : vector<1x16xi32> to vector<16xi32>
        %parallel_loop3A_158 = arith.constant 16 : i32
        %parallel_loop3A_159 = vector.broadcast %parallel_loop3A_158 : i32 to vector<16xi32>
        %parallel_loop3A_160 = arith.shli %parallel_loop3A_157, %parallel_loop3A_159 : vector<16xi32>
        %parallel_loop3A_161 = tpu.bitcast %parallel_loop3A_160 : vector<16xi32> -> vector<16xf32>
        %parallel_loop3A_162 = arith.constant -65536 : i32
        %parallel_loop3A_163 = vector.broadcast %parallel_loop3A_162 : i32 to vector<16xi32>
        %parallel_loop3A_164 = arith.andi %parallel_loop3A_157, %parallel_loop3A_163 : vector<16xi32>
        %parallel_loop3A_165 = tpu.bitcast %parallel_loop3A_164 : vector<16xi32> -> vector<16xf32>
        %parallel_loop3A_166 = arith.constant 96 : i32
        %parallel_loop3A_167 = arith.addi %parallel_loop3A_75, %parallel_loop3A_166 : i32
        %parallel_loop3A_168 = arith.index_cast %parallel_loop3A_167 : i32 to index
        %parallel_loop3A_169 = tpu.vector_load %arg8[%parallel_loop3A_168] {strides = array<i32>} : memref<32768xf32, #tpu.memory_space<vmem>>, vector<16xf32>,
        %parallel_loop3A_170 = vector.shape_cast %parallel_loop3A_169 : vector<16xf32> to vector<16xf32>
        %parallel_loop3A_171 = vector.shape_cast %parallel_loop3A_161 : vector<16xf32> to vector<16xf32>
        tpu.vector_store %arg8[%parallel_loop3A_168], %parallel_loop3A_171 {add = true, strides = array<i32>} : memref<32768xf32, #tpu.memory_space<vmem>>, vector<16xf32>,
        %parallel_loop3A_172 = arith.constant 96 : i32
        %parallel_loop3A_173 = arith.addi %parallel_loop3A_75, %parallel_loop3A_172 : i32
        %parallel_loop3A_174 = arith.constant 16 : i32
        %parallel_loop3A_175 = arith.addi %parallel_loop3A_173, %parallel_loop3A_174 : i32
        %parallel_loop3A_176 = arith.index_cast %parallel_loop3A_175 : i32 to index
        %parallel_loop3A_177 = tpu.vector_load %arg8[%parallel_loop3A_176] {strides = array<i32>} : memref<32768xf32, #tpu.memory_space<vmem>>, vector<16xf32>,
        %parallel_loop3A_178 = vector.shape_cast %parallel_loop3A_177 : vector<16xf32> to vector<16xf32>
        %parallel_loop3A_179 = vector.shape_cast %parallel_loop3A_165 : vector<16xf32> to vector<16xf32>
        tpu.vector_store %arg8[%parallel_loop3A_176], %parallel_loop3A_179 {add = true, strides = array<i32>} : memref<32768xf32, #tpu.memory_space<vmem>>, vector<16xf32>,
        %parallel_loop3A_180 = arith.index_cast %parallel_loop3A_68 : i32 to index
        %parallel_loop3A_181 = arith.constant 64 : index
        %parallel_loop3A_182 = tpu.vector_load %arg6[%parallel_loop3A_180, %parallel_loop3A_181] {strides = array<i32>} : memref<64x256xi32, #tpu.memory_space<vmem>>, vector<1x16xi32>,
        %parallel_loop3A_183 = vector.shape_cast %parallel_loop3A_182 : vector<1x16xi32> to vector<16xi32>
        %parallel_loop3A_184 = arith.constant 16 : i32
        %parallel_loop3A_185 = vector.broadcast %parallel_loop3A_184 : i32 to vector<16xi32>
        %parallel_loop3A_186 = arith.shli %parallel_loop3A_183, %parallel_loop3A_185 : vector<16xi32>
        %parallel_loop3A_187 = tpu.bitcast %parallel_loop3A_186 : vector<16xi32> -> vector<16xf32>
        %parallel_loop3A_188 = arith.constant -65536 : i32
        %parallel_loop3A_189 = vector.broadcast %parallel_loop3A_188 : i32 to vector<16xi32>
        %parallel_loop3A_190 = arith.andi %parallel_loop3A_183, %parallel_loop3A_189 : vector<16xi32>
        %parallel_loop3A_191 = tpu.bitcast %parallel_loop3A_190 : vector<16xi32> -> vector<16xf32>
        %parallel_loop3A_192 = arith.constant 128 : i32
        %parallel_loop3A_193 = arith.addi %parallel_loop3A_75, %parallel_loop3A_192 : i32
        %parallel_loop3A_194 = arith.index_cast %parallel_loop3A_193 : i32 to index
        %parallel_loop3A_195 = tpu.vector_load %arg8[%parallel_loop3A_194] {strides = array<i32>} : memref<32768xf32, #tpu.memory_space<vmem>>, vector<16xf32>,
        %parallel_loop3A_196 = vector.shape_cast %parallel_loop3A_195 : vector<16xf32> to vector<16xf32>
        %parallel_loop3A_197 = vector.shape_cast %parallel_loop3A_187 : vector<16xf32> to vector<16xf32>
        tpu.vector_store %arg8[%parallel_loop3A_194], %parallel_loop3A_197 {add = true, strides = array<i32>} : memref<32768xf32, #tpu.memory_space<vmem>>, vector<16xf32>,
        %parallel_loop3A_198 = arith.constant 128 : i32
        %parallel_loop3A_199 = arith.addi %parallel_loop3A_75, %parallel_loop3A_198 : i32
        %parallel_loop3A_200 = arith.constant 16 : i32
        %parallel_loop3A_201 = arith.addi %parallel_loop3A_199, %parallel_loop3A_200 : i32
        %parallel_loop3A_202 = arith.index_cast %parallel_loop3A_201 : i32 to index
        %parallel_loop3A_203 = tpu.vector_load %arg8[%parallel_loop3A_202] {strides = array<i32>} : memref<32768xf32, #tpu.memory_space<vmem>>, vector<16xf32>,
        %parallel_loop3A_204 = vector.shape_cast %parallel_loop3A_203 : vector<16xf32> to vector<16xf32>
        %parallel_loop3A_205 = vector.shape_cast %parallel_loop3A_191 : vector<16xf32> to vector<16xf32>
        tpu.vector_store %arg8[%parallel_loop3A_202], %parallel_loop3A_205 {add = true, strides = array<i32>} : memref<32768xf32, #tpu.memory_space<vmem>>, vector<16xf32>,
        %parallel_loop3A_206 = arith.index_cast %parallel_loop3A_68 : i32 to index
        %parallel_loop3A_207 = arith.constant 80 : index
        %parallel_loop3A_208 = tpu.vector_load %arg6[%parallel_loop3A_206, %parallel_loop3A_207] {strides = array<i32>} : memref<64x256xi32, #tpu.memory_space<vmem>>, vector<1x16xi32>,
        %parallel_loop3A_209 = vector.shape_cast %parallel_loop3A_208 : vector<1x16xi32> to vector<16xi32>
        %parallel_loop3A_210 = arith.constant 16 : i32
        %parallel_loop3A_211 = vector.broadcast %parallel_loop3A_210 : i32 to vector<16xi32>
        %parallel_loop3A_212 = arith.shli %parallel_loop3A_209, %parallel_loop3A_211 : vector<16xi32>
        %parallel_loop3A_213 = tpu.bitcast %parallel_loop3A_212 : vector<16xi32> -> vector<16xf32>
        %parallel_loop3A_214 = arith.constant -65536 : i32
        %parallel_loop3A_215 = vector.broadcast %parallel_loop3A_214 : i32 to vector<16xi32>
        %parallel_loop3A_216 = arith.andi %parallel_loop3A_209, %parallel_loop3A_215 : vector<16xi32>
        %parallel_loop3A_217 = tpu.bitcast %parallel_loop3A_216 : vector<16xi32> -> vector<16xf32>
        %parallel_loop3A_218 = arith.constant 160 : i32
        %parallel_loop3A_219 = arith.addi %parallel_loop3A_75, %parallel_loop3A_218 : i32
        %parallel_loop3A_220 = arith.index_cast %parallel_loop3A_219 : i32 to index
        %parallel_loop3A_221 = tpu.vector_load %arg8[%parallel_loop3A_220] {strides = array<i32>} : memref<32768xf32, #tpu.memory_space<vmem>>, vector<16xf32>,
        %parallel_loop3A_222 = vector.shape_cast %parallel_loop3A_221 : vector<16xf32> to vector<16xf32>
        %parallel_loop3A_223 = vector.shape_cast %parallel_loop3A_213 : vector<16xf32> to vector<16xf32>
        tpu.vector_store %arg8[%parallel_loop3A_220], %parallel_loop3A_223 {add = true, strides = array<i32>} : memref<32768xf32, #tpu.memory_space<vmem>>, vector<16xf32>,
        %parallel_loop3A_224 = arith.constant 160 : i32
        %parallel_loop3A_225 = arith.addi %parallel_loop3A_75, %parallel_loop3A_224 : i32
        %parallel_loop3A_226 = arith.constant 16 : i32
        %parallel_loop3A_227 = arith.addi %parallel_loop3A_225, %parallel_loop3A_226 : i32
        %parallel_loop3A_228 = arith.index_cast %parallel_loop3A_227 : i32 to index
        %parallel_loop3A_229 = tpu.vector_load %arg8[%parallel_loop3A_228] {strides = array<i32>} : memref<32768xf32, #tpu.memory_space<vmem>>, vector<16xf32>,
        %parallel_loop3A_230 = vector.shape_cast %parallel_loop3A_229 : vector<16xf32> to vector<16xf32>
        %parallel_loop3A_231 = vector.shape_cast %parallel_loop3A_217 : vector<16xf32> to vector<16xf32>
        tpu.vector_store %arg8[%parallel_loop3A_228], %parallel_loop3A_231 {add = true, strides = array<i32>} : memref<32768xf32, #tpu.memory_space<vmem>>, vector<16xf32>,
        %parallel_loop3A_232 = arith.index_cast %parallel_loop3A_68 : i32 to index
        %parallel_loop3A_233 = arith.constant 96 : index
        %parallel_loop3A_234 = tpu.vector_load %arg6[%parallel_loop3A_232, %parallel_loop3A_233] {strides = array<i32>} : memref<64x256xi32, #tpu.memory_space<vmem>>, vector<1x16xi32>,
        %parallel_loop3A_235 = vector.shape_cast %parallel_loop3A_234 : vector<1x16xi32> to vector<16xi32>
        %parallel_loop3A_236 = arith.constant 16 : i32
        %parallel_loop3A_237 = vector.broadcast %parallel_loop3A_236 : i32 to vector<16xi32>
        %parallel_loop3A_238 = arith.shli %parallel_loop3A_235, %parallel_loop3A_237 : vector<16xi32>
        %parallel_loop3A_239 = tpu.bitcast %parallel_loop3A_238 : vector<16xi32> -> vector<16xf32>
        %parallel_loop3A_240 = arith.constant -65536 : i32
        %parallel_loop3A_241 = vector.broadcast %parallel_loop3A_240 : i32 to vector<16xi32>
        %parallel_loop3A_242 = arith.andi %parallel_loop3A_235, %parallel_loop3A_241 : vector<16xi32>
        %parallel_loop3A_243 = tpu.bitcast %parallel_loop3A_242 : vector<16xi32> -> vector<16xf32>
        %parallel_loop3A_244 = arith.constant 192 : i32
        %parallel_loop3A_245 = arith.addi %parallel_loop3A_75, %parallel_loop3A_244 : i32
        %parallel_loop3A_246 = arith.index_cast %parallel_loop3A_245 : i32 to index
        %parallel_loop3A_247 = tpu.vector_load %arg8[%parallel_loop3A_246] {strides = array<i32>} : memref<32768xf32, #tpu.memory_space<vmem>>, vector<16xf32>,
        %parallel_loop3A_248 = vector.shape_cast %parallel_loop3A_247 : vector<16xf32> to vector<16xf32>
        %parallel_loop3A_249 = vector.shape_cast %parallel_loop3A_239 : vector<16xf32> to vector<16xf32>
        tpu.vector_store %arg8[%parallel_loop3A_246], %parallel_loop3A_249 {add = true, strides = array<i32>} : memref<32768xf32, #tpu.memory_space<vmem>>, vector<16xf32>,
        %parallel_loop3A_250 = arith.constant 192 : i32
        %parallel_loop3A_251 = arith.addi %parallel_loop3A_75, %parallel_loop3A_250 : i32
        %parallel_loop3A_252 = arith.constant 16 : i32
        %parallel_loop3A_253 = arith.addi %parallel_loop3A_251, %parallel_loop3A_252 : i32
        %parallel_loop3A_254 = arith.index_cast %parallel_loop3A_253 : i32 to index
        %parallel_loop3A_255 = tpu.vector_load %arg8[%parallel_loop3A_254] {strides = array<i32>} : memref<32768xf32, #tpu.memory_space<vmem>>, vector<16xf32>,
        %parallel_loop3A_256 = vector.shape_cast %parallel_loop3A_255 : vector<16xf32> to vector<16xf32>
        %parallel_loop3A_257 = vector.shape_cast %parallel_loop3A_243 : vector<16xf32> to vector<16xf32>
        tpu.vector_store %arg8[%parallel_loop3A_254], %parallel_loop3A_257 {add = true, strides = array<i32>} : memref<32768xf32, #tpu.memory_space<vmem>>, vector<16xf32>,
        %parallel_loop3A_258 = arith.index_cast %parallel_loop3A_68 : i32 to index
        %parallel_loop3A_259 = arith.constant 112 : index
        %parallel_loop3A_260 = tpu.vector_load %arg6[%parallel_loop3A_258, %parallel_loop3A_259] {strides = array<i32>} : memref<64x256xi32, #tpu.memory_space<vmem>>, vector<1x16xi32>,
        %parallel_loop3A_261 = vector.shape_cast %parallel_loop3A_260 : vector<1x16xi32> to vector<16xi32>
        %parallel_loop3A_262 = arith.constant 16 : i32
        %parallel_loop3A_263 = vector.broadcast %parallel_loop3A_262 : i32 to vector<16xi32>
        %parallel_loop3A_264 = arith.shli %parallel_loop3A_261, %parallel_loop3A_263 : vector<16xi32>
        %parallel_loop3A_265 = tpu.bitcast %parallel_loop3A_264 : vector<16xi32> -> vector<16xf32>
        %parallel_loop3A_266 = arith.constant -65536 : i32
        %parallel_loop3A_267 = vector.broadcast %parallel_loop3A_266 : i32 to vector<16xi32>
        %parallel_loop3A_268 = arith.andi %parallel_loop3A_261, %parallel_loop3A_267 : vector<16xi32>
        %parallel_loop3A_269 = tpu.bitcast %parallel_loop3A_268 : vector<16xi32> -> vector<16xf32>
        %parallel_loop3A_270 = arith.constant 224 : i32
        %parallel_loop3A_271 = arith.addi %parallel_loop3A_75, %parallel_loop3A_270 : i32
        %parallel_loop3A_272 = arith.index_cast %parallel_loop3A_271 : i32 to index
        %parallel_loop3A_273 = tpu.vector_load %arg8[%parallel_loop3A_272] {strides = array<i32>} : memref<32768xf32, #tpu.memory_space<vmem>>, vector<16xf32>,
        %parallel_loop3A_274 = vector.shape_cast %parallel_loop3A_273 : vector<16xf32> to vector<16xf32>
        %parallel_loop3A_275 = vector.shape_cast %parallel_loop3A_265 : vector<16xf32> to vector<16xf32>
        tpu.vector_store %arg8[%parallel_loop3A_272], %parallel_loop3A_275 {add = true, strides = array<i32>} : memref<32768xf32, #tpu.memory_space<vmem>>, vector<16xf32>,
        %parallel_loop3A_276 = arith.constant 224 : i32
        %parallel_loop3A_277 = arith.addi %parallel_loop3A_75, %parallel_loop3A_276 : i32
        %parallel_loop3A_278 = arith.constant 16 : i32
        %parallel_loop3A_279 = arith.addi %parallel_loop3A_277, %parallel_loop3A_278 : i32
        %parallel_loop3A_280 = arith.index_cast %parallel_loop3A_279 : i32 to index
        %parallel_loop3A_281 = tpu.vector_load %arg8[%parallel_loop3A_280] {strides = array<i32>} : memref<32768xf32, #tpu.memory_space<vmem>>, vector<16xf32>,
        %parallel_loop3A_282 = vector.shape_cast %parallel_loop3A_281 : vector<16xf32> to vector<16xf32>
        %parallel_loop3A_283 = vector.shape_cast %parallel_loop3A_269 : vector<16xf32> to vector<16xf32>
        tpu.vector_store %arg8[%parallel_loop3A_280], %parallel_loop3A_283 {add = true, strides = array<i32>} : memref<32768xf32, #tpu.memory_space<vmem>>, vector<16xf32>,
        %parallel_loop3A_284 = arith.index_cast %parallel_loop3A_68 : i32 to index
        %parallel_loop3A_285 = arith.constant 128 : index
        %parallel_loop3A_286 = tpu.vector_load %arg6[%parallel_loop3A_284, %parallel_loop3A_285] {strides = array<i32>} : memref<64x256xi32, #tpu.memory_space<vmem>>, vector<1x16xi32>,
        %parallel_loop3A_287 = vector.shape_cast %parallel_loop3A_286 : vector<1x16xi32> to vector<16xi32>
        %parallel_loop3A_288 = arith.constant 16 : i32
        %parallel_loop3A_289 = vector.broadcast %parallel_loop3A_288 : i32 to vector<16xi32>
        %parallel_loop3A_290 = arith.shli %parallel_loop3A_287, %parallel_loop3A_289 : vector<16xi32>
        %parallel_loop3A_291 = tpu.bitcast %parallel_loop3A_290 : vector<16xi32> -> vector<16xf32>
        %parallel_loop3A_292 = arith.constant -65536 : i32
        %parallel_loop3A_293 = vector.broadcast %parallel_loop3A_292 : i32 to vector<16xi32>
        %parallel_loop3A_294 = arith.andi %parallel_loop3A_287, %parallel_loop3A_293 : vector<16xi32>
        %parallel_loop3A_295 = tpu.bitcast %parallel_loop3A_294 : vector<16xi32> -> vector<16xf32>
        %parallel_loop3A_296 = arith.constant 256 : i32
        %parallel_loop3A_297 = arith.addi %parallel_loop3A_75, %parallel_loop3A_296 : i32
        %parallel_loop3A_298 = arith.index_cast %parallel_loop3A_297 : i32 to index
        %parallel_loop3A_299 = tpu.vector_load %arg8[%parallel_loop3A_298] {strides = array<i32>} : memref<32768xf32, #tpu.memory_space<vmem>>, vector<16xf32>,
        %parallel_loop3A_300 = vector.shape_cast %parallel_loop3A_299 : vector<16xf32> to vector<16xf32>
        %parallel_loop3A_301 = vector.shape_cast %parallel_loop3A_291 : vector<16xf32> to vector<16xf32>
        tpu.vector_store %arg8[%parallel_loop3A_298], %parallel_loop3A_301 {add = true, strides = array<i32>} : memref<32768xf32, #tpu.memory_space<vmem>>, vector<16xf32>,
        %parallel_loop3A_302 = arith.constant 256 : i32
        %parallel_loop3A_303 = arith.addi %parallel_loop3A_75, %parallel_loop3A_302 : i32
        %parallel_loop3A_304 = arith.constant 16 : i32
        %parallel_loop3A_305 = arith.addi %parallel_loop3A_303, %parallel_loop3A_304 : i32
        %parallel_loop3A_306 = arith.index_cast %parallel_loop3A_305 : i32 to index
        %parallel_loop3A_307 = tpu.vector_load %arg8[%parallel_loop3A_306] {strides = array<i32>} : memref<32768xf32, #tpu.memory_space<vmem>>, vector<16xf32>,
        %parallel_loop3A_308 = vector.shape_cast %parallel_loop3A_307 : vector<16xf32> to vector<16xf32>
        %parallel_loop3A_309 = vector.shape_cast %parallel_loop3A_295 : vector<16xf32> to vector<16xf32>
        tpu.vector_store %arg8[%parallel_loop3A_306], %parallel_loop3A_309 {add = true, strides = array<i32>} : memref<32768xf32, #tpu.memory_space<vmem>>, vector<16xf32>,
        %parallel_loop3A_310 = arith.index_cast %parallel_loop3A_68 : i32 to index
        %parallel_loop3A_311 = arith.constant 144 : index
        %parallel_loop3A_312 = tpu.vector_load %arg6[%parallel_loop3A_310, %parallel_loop3A_311] {strides = array<i32>} : memref<64x256xi32, #tpu.memory_space<vmem>>, vector<1x16xi32>,
        %parallel_loop3A_313 = vector.shape_cast %parallel_loop3A_312 : vector<1x16xi32> to vector<16xi32>
        %parallel_loop3A_314 = arith.constant 16 : i32
        %parallel_loop3A_315 = vector.broadcast %parallel_loop3A_314 : i32 to vector<16xi32>
        %parallel_loop3A_316 = arith.shli %parallel_loop3A_313, %parallel_loop3A_315 : vector<16xi32>
        %parallel_loop3A_317 = tpu.bitcast %parallel_loop3A_316 : vector<16xi32> -> vector<16xf32>
        %parallel_loop3A_318 = arith.constant -65536 : i32
        %parallel_loop3A_319 = vector.broadcast %parallel_loop3A_318 : i32 to vector<16xi32>
        %parallel_loop3A_320 = arith.andi %parallel_loop3A_313, %parallel_loop3A_319 : vector<16xi32>
        %parallel_loop3A_321 = tpu.bitcast %parallel_loop3A_320 : vector<16xi32> -> vector<16xf32>
        %parallel_loop3A_322 = arith.constant 288 : i32
        %parallel_loop3A_323 = arith.addi %parallel_loop3A_75, %parallel_loop3A_322 : i32
        %parallel_loop3A_324 = arith.index_cast %parallel_loop3A_323 : i32 to index
        %parallel_loop3A_325 = tpu.vector_load %arg8[%parallel_loop3A_324] {strides = array<i32>} : memref<32768xf32, #tpu.memory_space<vmem>>, vector<16xf32>,
        %parallel_loop3A_326 = vector.shape_cast %parallel_loop3A_325 : vector<16xf32> to vector<16xf32>
        %parallel_loop3A_327 = vector.shape_cast %parallel_loop3A_317 : vector<16xf32> to vector<16xf32>
        tpu.vector_store %arg8[%parallel_loop3A_324], %parallel_loop3A_327 {add = true, strides = array<i32>} : memref<32768xf32, #tpu.memory_space<vmem>>, vector<16xf32>,
        %parallel_loop3A_328 = arith.constant 288 : i32
        %parallel_loop3A_329 = arith.addi %parallel_loop3A_75, %parallel_loop3A_328 : i32
        %parallel_loop3A_330 = arith.constant 16 : i32
        %parallel_loop3A_331 = arith.addi %parallel_loop3A_329, %parallel_loop3A_330 : i32
        %parallel_loop3A_332 = arith.index_cast %parallel_loop3A_331 : i32 to index
        %parallel_loop3A_333 = tpu.vector_load %arg8[%parallel_loop3A_332] {strides = array<i32>} : memref<32768xf32, #tpu.memory_space<vmem>>, vector<16xf32>,
        %parallel_loop3A_334 = vector.shape_cast %parallel_loop3A_333 : vector<16xf32> to vector<16xf32>
        %parallel_loop3A_335 = vector.shape_cast %parallel_loop3A_321 : vector<16xf32> to vector<16xf32>
        tpu.vector_store %arg8[%parallel_loop3A_332], %parallel_loop3A_335 {add = true, strides = array<i32>} : memref<32768xf32, #tpu.memory_space<vmem>>, vector<16xf32>,
        %parallel_loop3A_336 = arith.index_cast %parallel_loop3A_68 : i32 to index
        %parallel_loop3A_337 = arith.constant 160 : index
        %parallel_loop3A_338 = tpu.vector_load %arg6[%parallel_loop3A_336, %parallel_loop3A_337] {strides = array<i32>} : memref<64x256xi32, #tpu.memory_space<vmem>>, vector<1x16xi32>,
        %parallel_loop3A_339 = vector.shape_cast %parallel_loop3A_338 : vector<1x16xi32> to vector<16xi32>
        %parallel_loop3A_340 = arith.constant 16 : i32
        %parallel_loop3A_341 = vector.broadcast %parallel_loop3A_340 : i32 to vector<16xi32>
        %parallel_loop3A_342 = arith.shli %parallel_loop3A_339, %parallel_loop3A_341 : vector<16xi32>
        %parallel_loop3A_343 = tpu.bitcast %parallel_loop3A_342 : vector<16xi32> -> vector<16xf32>
        %parallel_loop3A_344 = arith.constant -65536 : i32
        %parallel_loop3A_345 = vector.broadcast %parallel_loop3A_344 : i32 to vector<16xi32>
        %parallel_loop3A_346 = arith.andi %parallel_loop3A_339, %parallel_loop3A_345 : vector<16xi32>
        %parallel_loop3A_347 = tpu.bitcast %parallel_loop3A_346 : vector<16xi32> -> vector<16xf32>
        %parallel_loop3A_348 = arith.constant 320 : i32
        %parallel_loop3A_349 = arith.addi %parallel_loop3A_75, %parallel_loop3A_348 : i32
        %parallel_loop3A_350 = arith.index_cast %parallel_loop3A_349 : i32 to index
        %parallel_loop3A_351 = tpu.vector_load %arg8[%parallel_loop3A_350] {strides = array<i32>} : memref<32768xf32, #tpu.memory_space<vmem>>, vector<16xf32>,
        %parallel_loop3A_352 = vector.shape_cast %parallel_loop3A_351 : vector<16xf32> to vector<16xf32>
        %parallel_loop3A_353 = vector.shape_cast %parallel_loop3A_343 : vector<16xf32> to vector<16xf32>
        tpu.vector_store %arg8[%parallel_loop3A_350], %parallel_loop3A_353 {add = true, strides = array<i32>} : memref<32768xf32, #tpu.memory_space<vmem>>, vector<16xf32>,
        %parallel_loop3A_354 = arith.constant 320 : i32
        %parallel_loop3A_355 = arith.addi %parallel_loop3A_75, %parallel_loop3A_354 : i32
        %parallel_loop3A_356 = arith.constant 16 : i32
        %parallel_loop3A_357 = arith.addi %parallel_loop3A_355, %parallel_loop3A_356 : i32
        %parallel_loop3A_358 = arith.index_cast %parallel_loop3A_357 : i32 to index
        %parallel_loop3A_359 = tpu.vector_load %arg8[%parallel_loop3A_358] {strides = array<i32>} : memref<32768xf32, #tpu.memory_space<vmem>>, vector<16xf32>,
        %parallel_loop3A_360 = vector.shape_cast %parallel_loop3A_359 : vector<16xf32> to vector<16xf32>
        %parallel_loop3A_361 = vector.shape_cast %parallel_loop3A_347 : vector<16xf32> to vector<16xf32>
        tpu.vector_store %arg8[%parallel_loop3A_358], %parallel_loop3A_361 {add = true, strides = array<i32>} : memref<32768xf32, #tpu.memory_space<vmem>>, vector<16xf32>,
        %parallel_loop3A_362 = arith.index_cast %parallel_loop3A_68 : i32 to index
        %parallel_loop3A_363 = arith.constant 176 : index
        %parallel_loop3A_364 = tpu.vector_load %arg6[%parallel_loop3A_362, %parallel_loop3A_363] {strides = array<i32>} : memref<64x256xi32, #tpu.memory_space<vmem>>, vector<1x16xi32>,
        %parallel_loop3A_365 = vector.shape_cast %parallel_loop3A_364 : vector<1x16xi32> to vector<16xi32>
        %parallel_loop3A_366 = arith.constant 16 : i32
        %parallel_loop3A_367 = vector.broadcast %parallel_loop3A_366 : i32 to vector<16xi32>
        %parallel_loop3A_368 = arith.shli %parallel_loop3A_365, %parallel_loop3A_367 : vector<16xi32>
        %parallel_loop3A_369 = tpu.bitcast %parallel_loop3A_368 : vector<16xi32> -> vector<16xf32>
        %parallel_loop3A_370 = arith.constant -65536 : i32
        %parallel_loop3A_371 = vector.broadcast %parallel_loop3A_370 : i32 to vector<16xi32>
        %parallel_loop3A_372 = arith.andi %parallel_loop3A_365, %parallel_loop3A_371 : vector<16xi32>
        %parallel_loop3A_373 = tpu.bitcast %parallel_loop3A_372 : vector<16xi32> -> vector<16xf32>
        %parallel_loop3A_374 = arith.constant 352 : i32
        %parallel_loop3A_375 = arith.addi %parallel_loop3A_75, %parallel_loop3A_374 : i32
        %parallel_loop3A_376 = arith.index_cast %parallel_loop3A_375 : i32 to index
        %parallel_loop3A_377 = tpu.vector_load %arg8[%parallel_loop3A_376] {strides = array<i32>} : memref<32768xf32, #tpu.memory_space<vmem>>, vector<16xf32>,
        %parallel_loop3A_378 = vector.shape_cast %parallel_loop3A_377 : vector<16xf32> to vector<16xf32>
        %parallel_loop3A_379 = vector.shape_cast %parallel_loop3A_369 : vector<16xf32> to vector<16xf32>
        tpu.vector_store %arg8[%parallel_loop3A_376], %parallel_loop3A_379 {add = true, strides = array<i32>} : memref<32768xf32, #tpu.memory_space<vmem>>, vector<16xf32>,
        %parallel_loop3A_380 = arith.constant 352 : i32
        %parallel_loop3A_381 = arith.addi %parallel_loop3A_75, %parallel_loop3A_380 : i32
        %parallel_loop3A_382 = arith.constant 16 : i32
        %parallel_loop3A_383 = arith.addi %parallel_loop3A_381, %parallel_loop3A_382 : i32
        %parallel_loop3A_384 = arith.index_cast %parallel_loop3A_383 : i32 to index
        %parallel_loop3A_385 = tpu.vector_load %arg8[%parallel_loop3A_384] {strides = array<i32>} : memref<32768xf32, #tpu.memory_space<vmem>>, vector<16xf32>,
        %parallel_loop3A_386 = vector.shape_cast %parallel_loop3A_385 : vector<16xf32> to vector<16xf32>
        %parallel_loop3A_387 = vector.shape_cast %parallel_loop3A_373 : vector<16xf32> to vector<16xf32>
        tpu.vector_store %arg8[%parallel_loop3A_384], %parallel_loop3A_387 {add = true, strides = array<i32>} : memref<32768xf32, #tpu.memory_space<vmem>>, vector<16xf32>,
        %parallel_loop3A_388 = arith.index_cast %parallel_loop3A_68 : i32 to index
        %parallel_loop3A_389 = arith.constant 192 : index
        %parallel_loop3A_390 = tpu.vector_load %arg6[%parallel_loop3A_388, %parallel_loop3A_389] {strides = array<i32>} : memref<64x256xi32, #tpu.memory_space<vmem>>, vector<1x16xi32>,
        %parallel_loop3A_391 = vector.shape_cast %parallel_loop3A_390 : vector<1x16xi32> to vector<16xi32>
        %parallel_loop3A_392 = arith.constant 16 : i32
        %parallel_loop3A_393 = vector.broadcast %parallel_loop3A_392 : i32 to vector<16xi32>
        %parallel_loop3A_394 = arith.shli %parallel_loop3A_391, %parallel_loop3A_393 : vector<16xi32>
        %parallel_loop3A_395 = tpu.bitcast %parallel_loop3A_394 : vector<16xi32> -> vector<16xf32>
        %parallel_loop3A_396 = arith.constant -65536 : i32
        %parallel_loop3A_397 = vector.broadcast %parallel_loop3A_396 : i32 to vector<16xi32>
        %parallel_loop3A_398 = arith.andi %parallel_loop3A_391, %parallel_loop3A_397 : vector<16xi32>
        %parallel_loop3A_399 = tpu.bitcast %parallel_loop3A_398 : vector<16xi32> -> vector<16xf32>
        %parallel_loop3A_400 = arith.constant 384 : i32
        %parallel_loop3A_401 = arith.addi %parallel_loop3A_75, %parallel_loop3A_400 : i32
        %parallel_loop3A_402 = arith.index_cast %parallel_loop3A_401 : i32 to index
        %parallel_loop3A_403 = tpu.vector_load %arg8[%parallel_loop3A_402] {strides = array<i32>} : memref<32768xf32, #tpu.memory_space<vmem>>, vector<16xf32>,
        %parallel_loop3A_404 = vector.shape_cast %parallel_loop3A_403 : vector<16xf32> to vector<16xf32>
        %parallel_loop3A_405 = vector.shape_cast %parallel_loop3A_395 : vector<16xf32> to vector<16xf32>
        tpu.vector_store %arg8[%parallel_loop3A_402], %parallel_loop3A_405 {add = true, strides = array<i32>} : memref<32768xf32, #tpu.memory_space<vmem>>, vector<16xf32>,
        %parallel_loop3A_406 = arith.constant 384 : i32
        %parallel_loop3A_407 = arith.addi %parallel_loop3A_75, %parallel_loop3A_406 : i32
        %parallel_loop3A_408 = arith.constant 16 : i32
        %parallel_loop3A_409 = arith.addi %parallel_loop3A_407, %parallel_loop3A_408 : i32
        %parallel_loop3A_410 = arith.index_cast %parallel_loop3A_409 : i32 to index
        %parallel_loop3A_411 = tpu.vector_load %arg8[%parallel_loop3A_410] {strides = array<i32>} : memref<32768xf32, #tpu.memory_space<vmem>>, vector<16xf32>,
        %parallel_loop3A_412 = vector.shape_cast %parallel_loop3A_411 : vector<16xf32> to vector<16xf32>
        %parallel_loop3A_413 = vector.shape_cast %parallel_loop3A_399 : vector<16xf32> to vector<16xf32>
        tpu.vector_store %arg8[%parallel_loop3A_410], %parallel_loop3A_413 {add = true, strides = array<i32>} : memref<32768xf32, #tpu.memory_space<vmem>>, vector<16xf32>,
        %parallel_loop3A_414 = arith.index_cast %parallel_loop3A_68 : i32 to index
        %parallel_loop3A_415 = arith.constant 208 : index
        %parallel_loop3A_416 = tpu.vector_load %arg6[%parallel_loop3A_414, %parallel_loop3A_415] {strides = array<i32>} : memref<64x256xi32, #tpu.memory_space<vmem>>, vector<1x16xi32>,
        %parallel_loop3A_417 = vector.shape_cast %parallel_loop3A_416 : vector<1x16xi32> to vector<16xi32>
        %parallel_loop3A_418 = arith.constant 16 : i32
        %parallel_loop3A_419 = vector.broadcast %parallel_loop3A_418 : i32 to vector<16xi32>
        %parallel_loop3A_420 = arith.shli %parallel_loop3A_417, %parallel_loop3A_419 : vector<16xi32>
        %parallel_loop3A_421 = tpu.bitcast %parallel_loop3A_420 : vector<16xi32> -> vector<16xf32>
        %parallel_loop3A_422 = arith.constant -65536 : i32
        %parallel_loop3A_423 = vector.broadcast %parallel_loop3A_422 : i32 to vector<16xi32>
        %parallel_loop3A_424 = arith.andi %parallel_loop3A_417, %parallel_loop3A_423 : vector<16xi32>
        %parallel_loop3A_425 = tpu.bitcast %parallel_loop3A_424 : vector<16xi32> -> vector<16xf32>
        %parallel_loop3A_426 = arith.constant 416 : i32
        %parallel_loop3A_427 = arith.addi %parallel_loop3A_75, %parallel_loop3A_426 : i32
        %parallel_loop3A_428 = arith.index_cast %parallel_loop3A_427 : i32 to index
        %parallel_loop3A_429 = tpu.vector_load %arg8[%parallel_loop3A_428] {strides = array<i32>} : memref<32768xf32, #tpu.memory_space<vmem>>, vector<16xf32>,
        %parallel_loop3A_430 = vector.shape_cast %parallel_loop3A_429 : vector<16xf32> to vector<16xf32>
        %parallel_loop3A_431 = vector.shape_cast %parallel_loop3A_421 : vector<16xf32> to vector<16xf32>
        tpu.vector_store %arg8[%parallel_loop3A_428], %parallel_loop3A_431 {add = true, strides = array<i32>} : memref<32768xf32, #tpu.memory_space<vmem>>, vector<16xf32>,
        %parallel_loop3A_432 = arith.constant 416 : i32
        %parallel_loop3A_433 = arith.addi %parallel_loop3A_75, %parallel_loop3A_432 : i32
        %parallel_loop3A_434 = arith.constant 16 : i32
        %parallel_loop3A_435 = arith.addi %parallel_loop3A_433, %parallel_loop3A_434 : i32
        %parallel_loop3A_436 = arith.index_cast %parallel_loop3A_435 : i32 to index
        %parallel_loop3A_437 = tpu.vector_load %arg8[%parallel_loop3A_436] {strides = array<i32>} : memref<32768xf32, #tpu.memory_space<vmem>>, vector<16xf32>,
        %parallel_loop3A_438 = vector.shape_cast %parallel_loop3A_437 : vector<16xf32> to vector<16xf32>
        %parallel_loop3A_439 = vector.shape_cast %parallel_loop3A_425 : vector<16xf32> to vector<16xf32>
        tpu.vector_store %arg8[%parallel_loop3A_436], %parallel_loop3A_439 {add = true, strides = array<i32>} : memref<32768xf32, #tpu.memory_space<vmem>>, vector<16xf32>,
        %parallel_loop3A_440 = arith.index_cast %parallel_loop3A_68 : i32 to index
        %parallel_loop3A_441 = arith.constant 224 : index
        %parallel_loop3A_442 = tpu.vector_load %arg6[%parallel_loop3A_440, %parallel_loop3A_441] {strides = array<i32>} : memref<64x256xi32, #tpu.memory_space<vmem>>, vector<1x16xi32>,
        %parallel_loop3A_443 = vector.shape_cast %parallel_loop3A_442 : vector<1x16xi32> to vector<16xi32>
        %parallel_loop3A_444 = arith.constant 16 : i32
        %parallel_loop3A_445 = vector.broadcast %parallel_loop3A_444 : i32 to vector<16xi32>
        %parallel_loop3A_446 = arith.shli %parallel_loop3A_443, %parallel_loop3A_445 : vector<16xi32>
        %parallel_loop3A_447 = tpu.bitcast %parallel_loop3A_446 : vector<16xi32> -> vector<16xf32>
        %parallel_loop3A_448 = arith.constant -65536 : i32
        %parallel_loop3A_449 = vector.broadcast %parallel_loop3A_448 : i32 to vector<16xi32>
        %parallel_loop3A_450 = arith.andi %parallel_loop3A_443, %parallel_loop3A_449 : vector<16xi32>
        %parallel_loop3A_451 = tpu.bitcast %parallel_loop3A_450 : vector<16xi32> -> vector<16xf32>
        %parallel_loop3A_452 = arith.constant 448 : i32
        %parallel_loop3A_453 = arith.addi %parallel_loop3A_75, %parallel_loop3A_452 : i32
        %parallel_loop3A_454 = arith.index_cast %parallel_loop3A_453 : i32 to index
        %parallel_loop3A_455 = tpu.vector_load %arg8[%parallel_loop3A_454] {strides = array<i32>} : memref<32768xf32, #tpu.memory_space<vmem>>, vector<16xf32>,
        %parallel_loop3A_456 = vector.shape_cast %parallel_loop3A_455 : vector<16xf32> to vector<16xf32>
        %parallel_loop3A_457 = vector.shape_cast %parallel_loop3A_447 : vector<16xf32> to vector<16xf32>
        tpu.vector_store %arg8[%parallel_loop3A_454], %parallel_loop3A_457 {add = true, strides = array<i32>} : memref<32768xf32, #tpu.memory_space<vmem>>, vector<16xf32>,
        %parallel_loop3A_458 = arith.constant 448 : i32
        %parallel_loop3A_459 = arith.addi %parallel_loop3A_75, %parallel_loop3A_458 : i32
        %parallel_loop3A_460 = arith.constant 16 : i32
        %parallel_loop3A_461 = arith.addi %parallel_loop3A_459, %parallel_loop3A_460 : i32
        %parallel_loop3A_462 = arith.index_cast %parallel_loop3A_461 : i32 to index
        %parallel_loop3A_463 = tpu.vector_load %arg8[%parallel_loop3A_462] {strides = array<i32>} : memref<32768xf32, #tpu.memory_space<vmem>>, vector<16xf32>,
        %parallel_loop3A_464 = vector.shape_cast %parallel_loop3A_463 : vector<16xf32> to vector<16xf32>
        %parallel_loop3A_465 = vector.shape_cast %parallel_loop3A_451 : vector<16xf32> to vector<16xf32>
        tpu.vector_store %arg8[%parallel_loop3A_462], %parallel_loop3A_465 {add = true, strides = array<i32>} : memref<32768xf32, #tpu.memory_space<vmem>>, vector<16xf32>,
        %parallel_loop3A_466 = arith.index_cast %parallel_loop3A_68 : i32 to index
        %parallel_loop3A_467 = arith.constant 240 : index
        %parallel_loop3A_468 = tpu.vector_load %arg6[%parallel_loop3A_466, %parallel_loop3A_467] {strides = array<i32>} : memref<64x256xi32, #tpu.memory_space<vmem>>, vector<1x16xi32>,
        %parallel_loop3A_469 = vector.shape_cast %parallel_loop3A_468 : vector<1x16xi32> to vector<16xi32>
        %parallel_loop3A_470 = arith.constant 16 : i32
        %parallel_loop3A_471 = vector.broadcast %parallel_loop3A_470 : i32 to vector<16xi32>
        %parallel_loop3A_472 = arith.shli %parallel_loop3A_469, %parallel_loop3A_471 : vector<16xi32>
        %parallel_loop3A_473 = tpu.bitcast %parallel_loop3A_472 : vector<16xi32> -> vector<16xf32>
        %parallel_loop3A_474 = arith.constant -65536 : i32
        %parallel_loop3A_475 = vector.broadcast %parallel_loop3A_474 : i32 to vector<16xi32>
        %parallel_loop3A_476 = arith.andi %parallel_loop3A_469, %parallel_loop3A_475 : vector<16xi32>
        %parallel_loop3A_477 = tpu.bitcast %parallel_loop3A_476 : vector<16xi32> -> vector<16xf32>
        %parallel_loop3A_478 = arith.constant 480 : i32
        %parallel_loop3A_479 = arith.addi %parallel_loop3A_75, %parallel_loop3A_478 : i32
        %parallel_loop3A_480 = arith.index_cast %parallel_loop3A_479 : i32 to index
        %parallel_loop3A_481 = tpu.vector_load %arg8[%parallel_loop3A_480] {strides = array<i32>} : memref<32768xf32, #tpu.memory_space<vmem>>, vector<16xf32>,
        %parallel_loop3A_482 = vector.shape_cast %parallel_loop3A_481 : vector<16xf32> to vector<16xf32>
        %parallel_loop3A_483 = vector.shape_cast %parallel_loop3A_473 : vector<16xf32> to vector<16xf32>
        tpu.vector_store %arg8[%parallel_loop3A_480], %parallel_loop3A_483 {add = true, strides = array<i32>} : memref<32768xf32, #tpu.memory_space<vmem>>, vector<16xf32>,
        %parallel_loop3A_484 = arith.constant 480 : i32
        %parallel_loop3A_485 = arith.addi %parallel_loop3A_75, %parallel_loop3A_484 : i32
        %parallel_loop3A_486 = arith.constant 16 : i32
        %parallel_loop3A_487 = arith.addi %parallel_loop3A_485, %parallel_loop3A_486 : i32
        %parallel_loop3A_488 = arith.index_cast %parallel_loop3A_487 : i32 to index
        %parallel_loop3A_489 = tpu.vector_load %arg8[%parallel_loop3A_488] {strides = array<i32>} : memref<32768xf32, #tpu.memory_space<vmem>>, vector<16xf32>,
        %parallel_loop3A_490 = vector.shape_cast %parallel_loop3A_489 : vector<16xf32> to vector<16xf32>
        %parallel_loop3A_491 = vector.shape_cast %parallel_loop3A_477 : vector<16xf32> to vector<16xf32>
        tpu.vector_store %arg8[%parallel_loop3A_488], %parallel_loop3A_491 {add = true, strides = array<i32>} : memref<32768xf32, #tpu.memory_space<vmem>>, vector<16xf32>,
      } {sc.loop_unroll_factor = 4 : i64, sc.parallel_access}
      %add3A_48 = arith.constant 2 : i32
      %add3A_49 = arith.addi %mul3A_25, %add3A_48 : i32
      %lt3A = arith.constant 16 : i32
      %lt3A_50 = arith.cmpi slt, %add3A_49, %lt3A : i32
      %convert_element_type3A = arith.extui %lt3A_50 : i1 to i32
      %cond3A = arith.constant 0 : i32
      %cond3A_51 = arith.cmpi ne, %convert_element_type3A, %cond3A : i32
      scf.if %cond3A_51 {
        %add3A_68 = arith.constant 2 : i32
        %add3A_69 = arith.addi %mul3A_25, %add3A_68 : i32
        %mul3A_70 = arith.constant 64 : i32
        %mul3A_71 = arith.muli %add3A_69, %mul3A_70 : i32
        %dma_start3A_72 = arith.constant 0 : i32
        %dma_start3A_73 = arith.constant 0 : i32
        %dma_start3A_74 = tpu.memref_slice %arg3[%mul3A_71, %dma_start3A_73] : memref<1024x256xi32, #tpu.memory_space<hbm>> -> memref<64x256xi32, #tpu.memory_space<hbm>>
        %dma_start3A_75 = tpu.memref_slice %arg10[%dma_start3A_72] : memref<2x!tpu.dma_semaphore, #tpu.memory_space<semaphore_mem>> -> memref<1x!tpu.dma_semaphore, #tpu.memory_space<semaphore_mem>>
        %dma_start3A_76 = tpu.memref_squeeze %dma_start3A_75 : memref<1x!tpu.dma_semaphore, #tpu.memory_space<semaphore_mem>> -> memref<!tpu.dma_semaphore, #tpu.memory_space<semaphore_mem>>
        %dma_start3A_77 = arith.constant 0 : i32
        %dma_start3A_78 = tpu.memref_slice %arg3[%mul3A_71, %dma_start3A_77] : memref<1024x256xi32, #tpu.memory_space<hbm>> -> memref<64x256xi32, #tpu.memory_space<hbm>>
        tpu.enqueue_dma source(%dma_start3A_78 : memref<64x256xi32, #tpu.memory_space<hbm>>) target(%arg6 : memref<64x256xi32, #tpu.memory_space<vmem>>) target_semaphore(%dma_start3A_76 : memref<!tpu.dma_semaphore, #tpu.memory_space<semaphore_mem>>)
      } else {
      }
      %add3A_52 = arith.constant 1 : i32
      %add3A_53 = arith.addi %mul3A_25, %add3A_52 : i32
      %mul3A_54 = arith.constant 64 : i32
      %mul3A_55 = arith.muli %add3A_53, %mul3A_54 : i32
      %dma_wait3A_56 = arith.constant 1 : i32
      %dma_wait3A_57 = arith.constant 0 : i32
      %dma_wait3A_58 = tpu.memref_slice %arg3[%mul3A_55, %dma_wait3A_57] : memref<1024x256xi32, #tpu.memory_space<hbm>> -> memref<64x256xi32, #tpu.memory_space<hbm>>
      %dma_wait3A_59 = tpu.memref_slice %arg10[%dma_wait3A_56] : memref<2x!tpu.dma_semaphore, #tpu.memory_space<semaphore_mem>> -> memref<1x!tpu.dma_semaphore, #tpu.memory_space<semaphore_mem>>
      %dma_wait3A_60 = tpu.memref_squeeze %dma_wait3A_59 : memref<1x!tpu.dma_semaphore, #tpu.memory_space<semaphore_mem>> -> memref<!tpu.dma_semaphore, #tpu.memory_space<semaphore_mem>>
      %dma_wait3A_61 = arith.constant 0 : i32
      %dma_wait3A_62 = tpu.memref_slice %arg3[%mul3A_55, %dma_wait3A_61] : memref<1024x256xi32, #tpu.memory_space<hbm>> -> memref<64x256xi32, #tpu.memory_space<hbm>>
      tpu.wait_dma2 semaphore(%dma_wait3A_60 : memref<!tpu.dma_semaphore, #tpu.memory_space<semaphore_mem>>) src(%dma_wait3A_62 : memref<64x256xi32, #tpu.memory_space<hbm>>) dst(%arg7 : memref<64x256xi32, #tpu.memory_space<vmem>>)
      %add3A_63 = arith.constant 1 : i32
      %add3A_64 = arith.addi %mul3A_25, %add3A_63 : i32
      %parallel_loop3A_65 = arith.constant 0 : i32
      %parallel_loop3A_66 = arith.constant 64 : i32
      %parallel_loop3A_67 = arith.constant 1 : i32
      scf.for %parallel_loop3A_68 = %parallel_loop3A_65 to %parallel_loop3A_66 step %parallel_loop3A_67  : i32 {
        %parallel_loop3A_69 = arith.constant 64 : i32
        %parallel_loop3A_70 = arith.muli %add3A_64, %parallel_loop3A_69 : i32
        %parallel_loop3A_71 = arith.addi %parallel_loop3A_70, %parallel_loop3A_68 : i32
        %parallel_loop3A_72 = arith.index_cast %parallel_loop3A_71 : i32 to index
        %parallel_loop3A_73 = memref.load %arg9[%parallel_loop3A_72] : memref<1024xi32, #tpu.memory_space<smem>>
        %parallel_loop3A_74 = arith.constant 512 : i32
        %parallel_loop3A_75 = arith.muli %parallel_loop3A_73, %parallel_loop3A_74 : i32
        %parallel_loop3A_76 = arith.index_cast %parallel_loop3A_68 : i32 to index
        %parallel_loop3A_77 = arith.constant 0 : index
        %parallel_loop3A_78 = tpu.vector_load %arg7[%parallel_loop3A_76, %parallel_loop3A_77] {strides = array<i32>} : memref<64x256xi32, #tpu.memory_space<vmem>>, vector<1x16xi32>,
        %parallel_loop3A_79 = vector.shape_cast %parallel_loop3A_78 : vector<1x16xi32> to vector<16xi32>
        %parallel_loop3A_80 = arith.constant 16 : i32
        %parallel_loop3A_81 = vector.broadcast %parallel_loop3A_80 : i32 to vector<16xi32>
        %parallel_loop3A_82 = arith.shli %parallel_loop3A_79, %parallel_loop3A_81 : vector<16xi32>
        %parallel_loop3A_83 = tpu.bitcast %parallel_loop3A_82 : vector<16xi32> -> vector<16xf32>
        %parallel_loop3A_84 = arith.constant -65536 : i32
        %parallel_loop3A_85 = vector.broadcast %parallel_loop3A_84 : i32 to vector<16xi32>
        %parallel_loop3A_86 = arith.andi %parallel_loop3A_79, %parallel_loop3A_85 : vector<16xi32>
        %parallel_loop3A_87 = tpu.bitcast %parallel_loop3A_86 : vector<16xi32> -> vector<16xf32>
        %parallel_loop3A_88 = arith.constant 0 : i32
        %parallel_loop3A_89 = arith.addi %parallel_loop3A_75, %parallel_loop3A_88 : i32
        %parallel_loop3A_90 = arith.index_cast %parallel_loop3A_89 : i32 to index
        %parallel_loop3A_91 = tpu.vector_load %arg8[%parallel_loop3A_90] {strides = array<i32>} : memref<32768xf32, #tpu.memory_space<vmem>>, vector<16xf32>,
        %parallel_loop3A_92 = vector.shape_cast %parallel_loop3A_91 : vector<16xf32> to vector<16xf32>
        %parallel_loop3A_93 = vector.shape_cast %parallel_loop3A_83 : vector<16xf32> to vector<16xf32>
        tpu.vector_store %arg8[%parallel_loop3A_90], %parallel_loop3A_93 {add = true, strides = array<i32>} : memref<32768xf32, #tpu.memory_space<vmem>>, vector<16xf32>,
        %parallel_loop3A_94 = arith.constant 0 : i32
        %parallel_loop3A_95 = arith.addi %parallel_loop3A_75, %parallel_loop3A_94 : i32
        %parallel_loop3A_96 = arith.constant 16 : i32
        %parallel_loop3A_97 = arith.addi %parallel_loop3A_95, %parallel_loop3A_96 : i32
        %parallel_loop3A_98 = arith.index_cast %parallel_loop3A_97 : i32 to index
        %parallel_loop3A_99 = tpu.vector_load %arg8[%parallel_loop3A_98] {strides = array<i32>} : memref<32768xf32, #tpu.memory_space<vmem>>, vector<16xf32>,
        %parallel_loop3A_100 = vector.shape_cast %parallel_loop3A_99 : vector<16xf32> to vector<16xf32>
        %parallel_loop3A_101 = vector.shape_cast %parallel_loop3A_87 : vector<16xf32> to vector<16xf32>
        tpu.vector_store %arg8[%parallel_loop3A_98], %parallel_loop3A_101 {add = true, strides = array<i32>} : memref<32768xf32, #tpu.memory_space<vmem>>, vector<16xf32>,
        %parallel_loop3A_102 = arith.index_cast %parallel_loop3A_68 : i32 to index
        %parallel_loop3A_103 = arith.constant 16 : index
        %parallel_loop3A_104 = tpu.vector_load %arg7[%parallel_loop3A_102, %parallel_loop3A_103] {strides = array<i32>} : memref<64x256xi32, #tpu.memory_space<vmem>>, vector<1x16xi32>,
        %parallel_loop3A_105 = vector.shape_cast %parallel_loop3A_104 : vector<1x16xi32> to vector<16xi32>
        %parallel_loop3A_106 = arith.constant 16 : i32
        %parallel_loop3A_107 = vector.broadcast %parallel_loop3A_106 : i32 to vector<16xi32>
        %parallel_loop3A_108 = arith.shli %parallel_loop3A_105, %parallel_loop3A_107 : vector<16xi32>
        %parallel_loop3A_109 = tpu.bitcast %parallel_loop3A_108 : vector<16xi32> -> vector<16xf32>
        %parallel_loop3A_110 = arith.constant -65536 : i32
        %parallel_loop3A_111 = vector.broadcast %parallel_loop3A_110 : i32 to vector<16xi32>
        %parallel_loop3A_112 = arith.andi %parallel_loop3A_105, %parallel_loop3A_111 : vector<16xi32>
        %parallel_loop3A_113 = tpu.bitcast %parallel_loop3A_112 : vector<16xi32> -> vector<16xf32>
        %parallel_loop3A_114 = arith.constant 32 : i32
        %parallel_loop3A_115 = arith.addi %parallel_loop3A_75, %parallel_loop3A_114 : i32
        %parallel_loop3A_116 = arith.index_cast %parallel_loop3A_115 : i32 to index
        %parallel_loop3A_117 = tpu.vector_load %arg8[%parallel_loop3A_116] {strides = array<i32>} : memref<32768xf32, #tpu.memory_space<vmem>>, vector<16xf32>,
        %parallel_loop3A_118 = vector.shape_cast %parallel_loop3A_117 : vector<16xf32> to vector<16xf32>
        %parallel_loop3A_119 = vector.shape_cast %parallel_loop3A_109 : vector<16xf32> to vector<16xf32>
        tpu.vector_store %arg8[%parallel_loop3A_116], %parallel_loop3A_119 {add = true, strides = array<i32>} : memref<32768xf32, #tpu.memory_space<vmem>>, vector<16xf32>,
        %parallel_loop3A_120 = arith.constant 32 : i32
        %parallel_loop3A_121 = arith.addi %parallel_loop3A_75, %parallel_loop3A_120 : i32
        %parallel_loop3A_122 = arith.constant 16 : i32
        %parallel_loop3A_123 = arith.addi %parallel_loop3A_121, %parallel_loop3A_122 : i32
        %parallel_loop3A_124 = arith.index_cast %parallel_loop3A_123 : i32 to index
        %parallel_loop3A_125 = tpu.vector_load %arg8[%parallel_loop3A_124] {strides = array<i32>} : memref<32768xf32, #tpu.memory_space<vmem>>, vector<16xf32>,
        %parallel_loop3A_126 = vector.shape_cast %parallel_loop3A_125 : vector<16xf32> to vector<16xf32>
        %parallel_loop3A_127 = vector.shape_cast %parallel_loop3A_113 : vector<16xf32> to vector<16xf32>
        tpu.vector_store %arg8[%parallel_loop3A_124], %parallel_loop3A_127 {add = true, strides = array<i32>} : memref<32768xf32, #tpu.memory_space<vmem>>, vector<16xf32>,
        %parallel_loop3A_128 = arith.index_cast %parallel_loop3A_68 : i32 to index
        %parallel_loop3A_129 = arith.constant 32 : index
        %parallel_loop3A_130 = tpu.vector_load %arg7[%parallel_loop3A_128, %parallel_loop3A_129] {strides = array<i32>} : memref<64x256xi32, #tpu.memory_space<vmem>>, vector<1x16xi32>,
        %parallel_loop3A_131 = vector.shape_cast %parallel_loop3A_130 : vector<1x16xi32> to vector<16xi32>
        %parallel_loop3A_132 = arith.constant 16 : i32
        %parallel_loop3A_133 = vector.broadcast %parallel_loop3A_132 : i32 to vector<16xi32>
        %parallel_loop3A_134 = arith.shli %parallel_loop3A_131, %parallel_loop3A_133 : vector<16xi32>
        %parallel_loop3A_135 = tpu.bitcast %parallel_loop3A_134 : vector<16xi32> -> vector<16xf32>
        %parallel_loop3A_136 = arith.constant -65536 : i32
        %parallel_loop3A_137 = vector.broadcast %parallel_loop3A_136 : i32 to vector<16xi32>
        %parallel_loop3A_138 = arith.andi %parallel_loop3A_131, %parallel_loop3A_137 : vector<16xi32>
        %parallel_loop3A_139 = tpu.bitcast %parallel_loop3A_138 : vector<16xi32> -> vector<16xf32>
        %parallel_loop3A_140 = arith.constant 64 : i32
        %parallel_loop3A_141 = arith.addi %parallel_loop3A_75, %parallel_loop3A_140 : i32
        %parallel_loop3A_142 = arith.index_cast %parallel_loop3A_141 : i32 to index
        %parallel_loop3A_143 = tpu.vector_load %arg8[%parallel_loop3A_142] {strides = array<i32>} : memref<32768xf32, #tpu.memory_space<vmem>>, vector<16xf32>,
        %parallel_loop3A_144 = vector.shape_cast %parallel_loop3A_143 : vector<16xf32> to vector<16xf32>
        %parallel_loop3A_145 = vector.shape_cast %parallel_loop3A_135 : vector<16xf32> to vector<16xf32>
        tpu.vector_store %arg8[%parallel_loop3A_142], %parallel_loop3A_145 {add = true, strides = array<i32>} : memref<32768xf32, #tpu.memory_space<vmem>>, vector<16xf32>,
        %parallel_loop3A_146 = arith.constant 64 : i32
        %parallel_loop3A_147 = arith.addi %parallel_loop3A_75, %parallel_loop3A_146 : i32
        %parallel_loop3A_148 = arith.constant 16 : i32
        %parallel_loop3A_149 = arith.addi %parallel_loop3A_147, %parallel_loop3A_148 : i32
        %parallel_loop3A_150 = arith.index_cast %parallel_loop3A_149 : i32 to index
        %parallel_loop3A_151 = tpu.vector_load %arg8[%parallel_loop3A_150] {strides = array<i32>} : memref<32768xf32, #tpu.memory_space<vmem>>, vector<16xf32>,
        %parallel_loop3A_152 = vector.shape_cast %parallel_loop3A_151 : vector<16xf32> to vector<16xf32>
        %parallel_loop3A_153 = vector.shape_cast %parallel_loop3A_139 : vector<16xf32> to vector<16xf32>
        tpu.vector_store %arg8[%parallel_loop3A_150], %parallel_loop3A_153 {add = true, strides = array<i32>} : memref<32768xf32, #tpu.memory_space<vmem>>, vector<16xf32>,
        %parallel_loop3A_154 = arith.index_cast %parallel_loop3A_68 : i32 to index
        %parallel_loop3A_155 = arith.constant 48 : index
        %parallel_loop3A_156 = tpu.vector_load %arg7[%parallel_loop3A_154, %parallel_loop3A_155] {strides = array<i32>} : memref<64x256xi32, #tpu.memory_space<vmem>>, vector<1x16xi32>,
        %parallel_loop3A_157 = vector.shape_cast %parallel_loop3A_156 : vector<1x16xi32> to vector<16xi32>
        %parallel_loop3A_158 = arith.constant 16 : i32
        %parallel_loop3A_159 = vector.broadcast %parallel_loop3A_158 : i32 to vector<16xi32>
        %parallel_loop3A_160 = arith.shli %parallel_loop3A_157, %parallel_loop3A_159 : vector<16xi32>
        %parallel_loop3A_161 = tpu.bitcast %parallel_loop3A_160 : vector<16xi32> -> vector<16xf32>
        %parallel_loop3A_162 = arith.constant -65536 : i32
        %parallel_loop3A_163 = vector.broadcast %parallel_loop3A_162 : i32 to vector<16xi32>
        %parallel_loop3A_164 = arith.andi %parallel_loop3A_157, %parallel_loop3A_163 : vector<16xi32>
        %parallel_loop3A_165 = tpu.bitcast %parallel_loop3A_164 : vector<16xi32> -> vector<16xf32>
        %parallel_loop3A_166 = arith.constant 96 : i32
        %parallel_loop3A_167 = arith.addi %parallel_loop3A_75, %parallel_loop3A_166 : i32
        %parallel_loop3A_168 = arith.index_cast %parallel_loop3A_167 : i32 to index
        %parallel_loop3A_169 = tpu.vector_load %arg8[%parallel_loop3A_168] {strides = array<i32>} : memref<32768xf32, #tpu.memory_space<vmem>>, vector<16xf32>,
        %parallel_loop3A_170 = vector.shape_cast %parallel_loop3A_169 : vector<16xf32> to vector<16xf32>
        %parallel_loop3A_171 = vector.shape_cast %parallel_loop3A_161 : vector<16xf32> to vector<16xf32>
        tpu.vector_store %arg8[%parallel_loop3A_168], %parallel_loop3A_171 {add = true, strides = array<i32>} : memref<32768xf32, #tpu.memory_space<vmem>>, vector<16xf32>,
        %parallel_loop3A_172 = arith.constant 96 : i32
        %parallel_loop3A_173 = arith.addi %parallel_loop3A_75, %parallel_loop3A_172 : i32
        %parallel_loop3A_174 = arith.constant 16 : i32
        %parallel_loop3A_175 = arith.addi %parallel_loop3A_173, %parallel_loop3A_174 : i32
        %parallel_loop3A_176 = arith.index_cast %parallel_loop3A_175 : i32 to index
        %parallel_loop3A_177 = tpu.vector_load %arg8[%parallel_loop3A_176] {strides = array<i32>} : memref<32768xf32, #tpu.memory_space<vmem>>, vector<16xf32>,
        %parallel_loop3A_178 = vector.shape_cast %parallel_loop3A_177 : vector<16xf32> to vector<16xf32>
        %parallel_loop3A_179 = vector.shape_cast %parallel_loop3A_165 : vector<16xf32> to vector<16xf32>
        tpu.vector_store %arg8[%parallel_loop3A_176], %parallel_loop3A_179 {add = true, strides = array<i32>} : memref<32768xf32, #tpu.memory_space<vmem>>, vector<16xf32>,
        %parallel_loop3A_180 = arith.index_cast %parallel_loop3A_68 : i32 to index
        %parallel_loop3A_181 = arith.constant 64 : index
        %parallel_loop3A_182 = tpu.vector_load %arg7[%parallel_loop3A_180, %parallel_loop3A_181] {strides = array<i32>} : memref<64x256xi32, #tpu.memory_space<vmem>>, vector<1x16xi32>,
        %parallel_loop3A_183 = vector.shape_cast %parallel_loop3A_182 : vector<1x16xi32> to vector<16xi32>
        %parallel_loop3A_184 = arith.constant 16 : i32
        %parallel_loop3A_185 = vector.broadcast %parallel_loop3A_184 : i32 to vector<16xi32>
        %parallel_loop3A_186 = arith.shli %parallel_loop3A_183, %parallel_loop3A_185 : vector<16xi32>
        %parallel_loop3A_187 = tpu.bitcast %parallel_loop3A_186 : vector<16xi32> -> vector<16xf32>
        %parallel_loop3A_188 = arith.constant -65536 : i32
        %parallel_loop3A_189 = vector.broadcast %parallel_loop3A_188 : i32 to vector<16xi32>
        %parallel_loop3A_190 = arith.andi %parallel_loop3A_183, %parallel_loop3A_189 : vector<16xi32>
        %parallel_loop3A_191 = tpu.bitcast %parallel_loop3A_190 : vector<16xi32> -> vector<16xf32>
        %parallel_loop3A_192 = arith.constant 128 : i32
        %parallel_loop3A_193 = arith.addi %parallel_loop3A_75, %parallel_loop3A_192 : i32
        %parallel_loop3A_194 = arith.index_cast %parallel_loop3A_193 : i32 to index
        %parallel_loop3A_195 = tpu.vector_load %arg8[%parallel_loop3A_194] {strides = array<i32>} : memref<32768xf32, #tpu.memory_space<vmem>>, vector<16xf32>,
        %parallel_loop3A_196 = vector.shape_cast %parallel_loop3A_195 : vector<16xf32> to vector<16xf32>
        %parallel_loop3A_197 = vector.shape_cast %parallel_loop3A_187 : vector<16xf32> to vector<16xf32>
        tpu.vector_store %arg8[%parallel_loop3A_194], %parallel_loop3A_197 {add = true, strides = array<i32>} : memref<32768xf32, #tpu.memory_space<vmem>>, vector<16xf32>,
        %parallel_loop3A_198 = arith.constant 128 : i32
        %parallel_loop3A_199 = arith.addi %parallel_loop3A_75, %parallel_loop3A_198 : i32
        %parallel_loop3A_200 = arith.constant 16 : i32
        %parallel_loop3A_201 = arith.addi %parallel_loop3A_199, %parallel_loop3A_200 : i32
        %parallel_loop3A_202 = arith.index_cast %parallel_loop3A_201 : i32 to index
        %parallel_loop3A_203 = tpu.vector_load %arg8[%parallel_loop3A_202] {strides = array<i32>} : memref<32768xf32, #tpu.memory_space<vmem>>, vector<16xf32>,
        %parallel_loop3A_204 = vector.shape_cast %parallel_loop3A_203 : vector<16xf32> to vector<16xf32>
        %parallel_loop3A_205 = vector.shape_cast %parallel_loop3A_191 : vector<16xf32> to vector<16xf32>
        tpu.vector_store %arg8[%parallel_loop3A_202], %parallel_loop3A_205 {add = true, strides = array<i32>} : memref<32768xf32, #tpu.memory_space<vmem>>, vector<16xf32>,
        %parallel_loop3A_206 = arith.index_cast %parallel_loop3A_68 : i32 to index
        %parallel_loop3A_207 = arith.constant 80 : index
        %parallel_loop3A_208 = tpu.vector_load %arg7[%parallel_loop3A_206, %parallel_loop3A_207] {strides = array<i32>} : memref<64x256xi32, #tpu.memory_space<vmem>>, vector<1x16xi32>,
        %parallel_loop3A_209 = vector.shape_cast %parallel_loop3A_208 : vector<1x16xi32> to vector<16xi32>
        %parallel_loop3A_210 = arith.constant 16 : i32
        %parallel_loop3A_211 = vector.broadcast %parallel_loop3A_210 : i32 to vector<16xi32>
        %parallel_loop3A_212 = arith.shli %parallel_loop3A_209, %parallel_loop3A_211 : vector<16xi32>
        %parallel_loop3A_213 = tpu.bitcast %parallel_loop3A_212 : vector<16xi32> -> vector<16xf32>
        %parallel_loop3A_214 = arith.constant -65536 : i32
        %parallel_loop3A_215 = vector.broadcast %parallel_loop3A_214 : i32 to vector<16xi32>
        %parallel_loop3A_216 = arith.andi %parallel_loop3A_209, %parallel_loop3A_215 : vector<16xi32>
        %parallel_loop3A_217 = tpu.bitcast %parallel_loop3A_216 : vector<16xi32> -> vector<16xf32>
        %parallel_loop3A_218 = arith.constant 160 : i32
        %parallel_loop3A_219 = arith.addi %parallel_loop3A_75, %parallel_loop3A_218 : i32
        %parallel_loop3A_220 = arith.index_cast %parallel_loop3A_219 : i32 to index
        %parallel_loop3A_221 = tpu.vector_load %arg8[%parallel_loop3A_220] {strides = array<i32>} : memref<32768xf32, #tpu.memory_space<vmem>>, vector<16xf32>,
        %parallel_loop3A_222 = vector.shape_cast %parallel_loop3A_221 : vector<16xf32> to vector<16xf32>
        %parallel_loop3A_223 = vector.shape_cast %parallel_loop3A_213 : vector<16xf32> to vector<16xf32>
        tpu.vector_store %arg8[%parallel_loop3A_220], %parallel_loop3A_223 {add = true, strides = array<i32>} : memref<32768xf32, #tpu.memory_space<vmem>>, vector<16xf32>,
        %parallel_loop3A_224 = arith.constant 160 : i32
        %parallel_loop3A_225 = arith.addi %parallel_loop3A_75, %parallel_loop3A_224 : i32
        %parallel_loop3A_226 = arith.constant 16 : i32
        %parallel_loop3A_227 = arith.addi %parallel_loop3A_225, %parallel_loop3A_226 : i32
        %parallel_loop3A_228 = arith.index_cast %parallel_loop3A_227 : i32 to index
        %parallel_loop3A_229 = tpu.vector_load %arg8[%parallel_loop3A_228] {strides = array<i32>} : memref<32768xf32, #tpu.memory_space<vmem>>, vector<16xf32>,
        %parallel_loop3A_230 = vector.shape_cast %parallel_loop3A_229 : vector<16xf32> to vector<16xf32>
        %parallel_loop3A_231 = vector.shape_cast %parallel_loop3A_217 : vector<16xf32> to vector<16xf32>
        tpu.vector_store %arg8[%parallel_loop3A_228], %parallel_loop3A_231 {add = true, strides = array<i32>} : memref<32768xf32, #tpu.memory_space<vmem>>, vector<16xf32>,
        %parallel_loop3A_232 = arith.index_cast %parallel_loop3A_68 : i32 to index
        %parallel_loop3A_233 = arith.constant 96 : index
        %parallel_loop3A_234 = tpu.vector_load %arg7[%parallel_loop3A_232, %parallel_loop3A_233] {strides = array<i32>} : memref<64x256xi32, #tpu.memory_space<vmem>>, vector<1x16xi32>,
        %parallel_loop3A_235 = vector.shape_cast %parallel_loop3A_234 : vector<1x16xi32> to vector<16xi32>
        %parallel_loop3A_236 = arith.constant 16 : i32
        %parallel_loop3A_237 = vector.broadcast %parallel_loop3A_236 : i32 to vector<16xi32>
        %parallel_loop3A_238 = arith.shli %parallel_loop3A_235, %parallel_loop3A_237 : vector<16xi32>
        %parallel_loop3A_239 = tpu.bitcast %parallel_loop3A_238 : vector<16xi32> -> vector<16xf32>
        %parallel_loop3A_240 = arith.constant -65536 : i32
        %parallel_loop3A_241 = vector.broadcast %parallel_loop3A_240 : i32 to vector<16xi32>
        %parallel_loop3A_242 = arith.andi %parallel_loop3A_235, %parallel_loop3A_241 : vector<16xi32>
        %parallel_loop3A_243 = tpu.bitcast %parallel_loop3A_242 : vector<16xi32> -> vector<16xf32>
        %parallel_loop3A_244 = arith.constant 192 : i32
        %parallel_loop3A_245 = arith.addi %parallel_loop3A_75, %parallel_loop3A_244 : i32
        %parallel_loop3A_246 = arith.index_cast %parallel_loop3A_245 : i32 to index
        %parallel_loop3A_247 = tpu.vector_load %arg8[%parallel_loop3A_246] {strides = array<i32>} : memref<32768xf32, #tpu.memory_space<vmem>>, vector<16xf32>,
        %parallel_loop3A_248 = vector.shape_cast %parallel_loop3A_247 : vector<16xf32> to vector<16xf32>
        %parallel_loop3A_249 = vector.shape_cast %parallel_loop3A_239 : vector<16xf32> to vector<16xf32>
        tpu.vector_store %arg8[%parallel_loop3A_246], %parallel_loop3A_249 {add = true, strides = array<i32>} : memref<32768xf32, #tpu.memory_space<vmem>>, vector<16xf32>,
        %parallel_loop3A_250 = arith.constant 192 : i32
        %parallel_loop3A_251 = arith.addi %parallel_loop3A_75, %parallel_loop3A_250 : i32
        %parallel_loop3A_252 = arith.constant 16 : i32
        %parallel_loop3A_253 = arith.addi %parallel_loop3A_251, %parallel_loop3A_252 : i32
        %parallel_loop3A_254 = arith.index_cast %parallel_loop3A_253 : i32 to index
        %parallel_loop3A_255 = tpu.vector_load %arg8[%parallel_loop3A_254] {strides = array<i32>} : memref<32768xf32, #tpu.memory_space<vmem>>, vector<16xf32>,
        %parallel_loop3A_256 = vector.shape_cast %parallel_loop3A_255 : vector<16xf32> to vector<16xf32>
        %parallel_loop3A_257 = vector.shape_cast %parallel_loop3A_243 : vector<16xf32> to vector<16xf32>
        tpu.vector_store %arg8[%parallel_loop3A_254], %parallel_loop3A_257 {add = true, strides = array<i32>} : memref<32768xf32, #tpu.memory_space<vmem>>, vector<16xf32>,
        %parallel_loop3A_258 = arith.index_cast %parallel_loop3A_68 : i32 to index
        %parallel_loop3A_259 = arith.constant 112 : index
        %parallel_loop3A_260 = tpu.vector_load %arg7[%parallel_loop3A_258, %parallel_loop3A_259] {strides = array<i32>} : memref<64x256xi32, #tpu.memory_space<vmem>>, vector<1x16xi32>,
        %parallel_loop3A_261 = vector.shape_cast %parallel_loop3A_260 : vector<1x16xi32> to vector<16xi32>
        %parallel_loop3A_262 = arith.constant 16 : i32
        %parallel_loop3A_263 = vector.broadcast %parallel_loop3A_262 : i32 to vector<16xi32>
        %parallel_loop3A_264 = arith.shli %parallel_loop3A_261, %parallel_loop3A_263 : vector<16xi32>
        %parallel_loop3A_265 = tpu.bitcast %parallel_loop3A_264 : vector<16xi32> -> vector<16xf32>
        %parallel_loop3A_266 = arith.constant -65536 : i32
        %parallel_loop3A_267 = vector.broadcast %parallel_loop3A_266 : i32 to vector<16xi32>
        %parallel_loop3A_268 = arith.andi %parallel_loop3A_261, %parallel_loop3A_267 : vector<16xi32>
        %parallel_loop3A_269 = tpu.bitcast %parallel_loop3A_268 : vector<16xi32> -> vector<16xf32>
        %parallel_loop3A_270 = arith.constant 224 : i32
        %parallel_loop3A_271 = arith.addi %parallel_loop3A_75, %parallel_loop3A_270 : i32
        %parallel_loop3A_272 = arith.index_cast %parallel_loop3A_271 : i32 to index
        %parallel_loop3A_273 = tpu.vector_load %arg8[%parallel_loop3A_272] {strides = array<i32>} : memref<32768xf32, #tpu.memory_space<vmem>>, vector<16xf32>,
        %parallel_loop3A_274 = vector.shape_cast %parallel_loop3A_273 : vector<16xf32> to vector<16xf32>
        %parallel_loop3A_275 = vector.shape_cast %parallel_loop3A_265 : vector<16xf32> to vector<16xf32>
        tpu.vector_store %arg8[%parallel_loop3A_272], %parallel_loop3A_275 {add = true, strides = array<i32>} : memref<32768xf32, #tpu.memory_space<vmem>>, vector<16xf32>,
        %parallel_loop3A_276 = arith.constant 224 : i32
        %parallel_loop3A_277 = arith.addi %parallel_loop3A_75, %parallel_loop3A_276 : i32
        %parallel_loop3A_278 = arith.constant 16 : i32
        %parallel_loop3A_279 = arith.addi %parallel_loop3A_277, %parallel_loop3A_278 : i32
        %parallel_loop3A_280 = arith.index_cast %parallel_loop3A_279 : i32 to index
        %parallel_loop3A_281 = tpu.vector_load %arg8[%parallel_loop3A_280] {strides = array<i32>} : memref<32768xf32, #tpu.memory_space<vmem>>, vector<16xf32>,
        %parallel_loop3A_282 = vector.shape_cast %parallel_loop3A_281 : vector<16xf32> to vector<16xf32>
        %parallel_loop3A_283 = vector.shape_cast %parallel_loop3A_269 : vector<16xf32> to vector<16xf32>
        tpu.vector_store %arg8[%parallel_loop3A_280], %parallel_loop3A_283 {add = true, strides = array<i32>} : memref<32768xf32, #tpu.memory_space<vmem>>, vector<16xf32>,
        %parallel_loop3A_284 = arith.index_cast %parallel_loop3A_68 : i32 to index
        %parallel_loop3A_285 = arith.constant 128 : index
        %parallel_loop3A_286 = tpu.vector_load %arg7[%parallel_loop3A_284, %parallel_loop3A_285] {strides = array<i32>} : memref<64x256xi32, #tpu.memory_space<vmem>>, vector<1x16xi32>,
        %parallel_loop3A_287 = vector.shape_cast %parallel_loop3A_286 : vector<1x16xi32> to vector<16xi32>
        %parallel_loop3A_288 = arith.constant 16 : i32
        %parallel_loop3A_289 = vector.broadcast %parallel_loop3A_288 : i32 to vector<16xi32>
        %parallel_loop3A_290 = arith.shli %parallel_loop3A_287, %parallel_loop3A_289 : vector<16xi32>
        %parallel_loop3A_291 = tpu.bitcast %parallel_loop3A_290 : vector<16xi32> -> vector<16xf32>
        %parallel_loop3A_292 = arith.constant -65536 : i32
        %parallel_loop3A_293 = vector.broadcast %parallel_loop3A_292 : i32 to vector<16xi32>
        %parallel_loop3A_294 = arith.andi %parallel_loop3A_287, %parallel_loop3A_293 : vector<16xi32>
        %parallel_loop3A_295 = tpu.bitcast %parallel_loop3A_294 : vector<16xi32> -> vector<16xf32>
        %parallel_loop3A_296 = arith.constant 256 : i32
        %parallel_loop3A_297 = arith.addi %parallel_loop3A_75, %parallel_loop3A_296 : i32
        %parallel_loop3A_298 = arith.index_cast %parallel_loop3A_297 : i32 to index
        %parallel_loop3A_299 = tpu.vector_load %arg8[%parallel_loop3A_298] {strides = array<i32>} : memref<32768xf32, #tpu.memory_space<vmem>>, vector<16xf32>,
        %parallel_loop3A_300 = vector.shape_cast %parallel_loop3A_299 : vector<16xf32> to vector<16xf32>
        %parallel_loop3A_301 = vector.shape_cast %parallel_loop3A_291 : vector<16xf32> to vector<16xf32>
        tpu.vector_store %arg8[%parallel_loop3A_298], %parallel_loop3A_301 {add = true, strides = array<i32>} : memref<32768xf32, #tpu.memory_space<vmem>>, vector<16xf32>,
        %parallel_loop3A_302 = arith.constant 256 : i32
        %parallel_loop3A_303 = arith.addi %parallel_loop3A_75, %parallel_loop3A_302 : i32
        %parallel_loop3A_304 = arith.constant 16 : i32
        %parallel_loop3A_305 = arith.addi %parallel_loop3A_303, %parallel_loop3A_304 : i32
        %parallel_loop3A_306 = arith.index_cast %parallel_loop3A_305 : i32 to index
        %parallel_loop3A_307 = tpu.vector_load %arg8[%parallel_loop3A_306] {strides = array<i32>} : memref<32768xf32, #tpu.memory_space<vmem>>, vector<16xf32>,
        %parallel_loop3A_308 = vector.shape_cast %parallel_loop3A_307 : vector<16xf32> to vector<16xf32>
        %parallel_loop3A_309 = vector.shape_cast %parallel_loop3A_295 : vector<16xf32> to vector<16xf32>
        tpu.vector_store %arg8[%parallel_loop3A_306], %parallel_loop3A_309 {add = true, strides = array<i32>} : memref<32768xf32, #tpu.memory_space<vmem>>, vector<16xf32>,
        %parallel_loop3A_310 = arith.index_cast %parallel_loop3A_68 : i32 to index
        %parallel_loop3A_311 = arith.constant 144 : index
        %parallel_loop3A_312 = tpu.vector_load %arg7[%parallel_loop3A_310, %parallel_loop3A_311] {strides = array<i32>} : memref<64x256xi32, #tpu.memory_space<vmem>>, vector<1x16xi32>,
        %parallel_loop3A_313 = vector.shape_cast %parallel_loop3A_312 : vector<1x16xi32> to vector<16xi32>
        %parallel_loop3A_314 = arith.constant 16 : i32
        %parallel_loop3A_315 = vector.broadcast %parallel_loop3A_314 : i32 to vector<16xi32>
        %parallel_loop3A_316 = arith.shli %parallel_loop3A_313, %parallel_loop3A_315 : vector<16xi32>
        %parallel_loop3A_317 = tpu.bitcast %parallel_loop3A_316 : vector<16xi32> -> vector<16xf32>
        %parallel_loop3A_318 = arith.constant -65536 : i32
        %parallel_loop3A_319 = vector.broadcast %parallel_loop3A_318 : i32 to vector<16xi32>
        %parallel_loop3A_320 = arith.andi %parallel_loop3A_313, %parallel_loop3A_319 : vector<16xi32>
        %parallel_loop3A_321 = tpu.bitcast %parallel_loop3A_320 : vector<16xi32> -> vector<16xf32>
        %parallel_loop3A_322 = arith.constant 288 : i32
        %parallel_loop3A_323 = arith.addi %parallel_loop3A_75, %parallel_loop3A_322 : i32
        %parallel_loop3A_324 = arith.index_cast %parallel_loop3A_323 : i32 to index
        %parallel_loop3A_325 = tpu.vector_load %arg8[%parallel_loop3A_324] {strides = array<i32>} : memref<32768xf32, #tpu.memory_space<vmem>>, vector<16xf32>,
        %parallel_loop3A_326 = vector.shape_cast %parallel_loop3A_325 : vector<16xf32> to vector<16xf32>
        %parallel_loop3A_327 = vector.shape_cast %parallel_loop3A_317 : vector<16xf32> to vector<16xf32>
        tpu.vector_store %arg8[%parallel_loop3A_324], %parallel_loop3A_327 {add = true, strides = array<i32>} : memref<32768xf32, #tpu.memory_space<vmem>>, vector<16xf32>,
        %parallel_loop3A_328 = arith.constant 288 : i32
        %parallel_loop3A_329 = arith.addi %parallel_loop3A_75, %parallel_loop3A_328 : i32
        %parallel_loop3A_330 = arith.constant 16 : i32
        %parallel_loop3A_331 = arith.addi %parallel_loop3A_329, %parallel_loop3A_330 : i32
        %parallel_loop3A_332 = arith.index_cast %parallel_loop3A_331 : i32 to index
        %parallel_loop3A_333 = tpu.vector_load %arg8[%parallel_loop3A_332] {strides = array<i32>} : memref<32768xf32, #tpu.memory_space<vmem>>, vector<16xf32>,
        %parallel_loop3A_334 = vector.shape_cast %parallel_loop3A_333 : vector<16xf32> to vector<16xf32>
        %parallel_loop3A_335 = vector.shape_cast %parallel_loop3A_321 : vector<16xf32> to vector<16xf32>
        tpu.vector_store %arg8[%parallel_loop3A_332], %parallel_loop3A_335 {add = true, strides = array<i32>} : memref<32768xf32, #tpu.memory_space<vmem>>, vector<16xf32>,
        %parallel_loop3A_336 = arith.index_cast %parallel_loop3A_68 : i32 to index
        %parallel_loop3A_337 = arith.constant 160 : index
        %parallel_loop3A_338 = tpu.vector_load %arg7[%parallel_loop3A_336, %parallel_loop3A_337] {strides = array<i32>} : memref<64x256xi32, #tpu.memory_space<vmem>>, vector<1x16xi32>,
        %parallel_loop3A_339 = vector.shape_cast %parallel_loop3A_338 : vector<1x16xi32> to vector<16xi32>
        %parallel_loop3A_340 = arith.constant 16 : i32
        %parallel_loop3A_341 = vector.broadcast %parallel_loop3A_340 : i32 to vector<16xi32>
        %parallel_loop3A_342 = arith.shli %parallel_loop3A_339, %parallel_loop3A_341 : vector<16xi32>
        %parallel_loop3A_343 = tpu.bitcast %parallel_loop3A_342 : vector<16xi32> -> vector<16xf32>
        %parallel_loop3A_344 = arith.constant -65536 : i32
        %parallel_loop3A_345 = vector.broadcast %parallel_loop3A_344 : i32 to vector<16xi32>
        %parallel_loop3A_346 = arith.andi %parallel_loop3A_339, %parallel_loop3A_345 : vector<16xi32>
        %parallel_loop3A_347 = tpu.bitcast %parallel_loop3A_346 : vector<16xi32> -> vector<16xf32>
        %parallel_loop3A_348 = arith.constant 320 : i32
        %parallel_loop3A_349 = arith.addi %parallel_loop3A_75, %parallel_loop3A_348 : i32
        %parallel_loop3A_350 = arith.index_cast %parallel_loop3A_349 : i32 to index
        %parallel_loop3A_351 = tpu.vector_load %arg8[%parallel_loop3A_350] {strides = array<i32>} : memref<32768xf32, #tpu.memory_space<vmem>>, vector<16xf32>,
        %parallel_loop3A_352 = vector.shape_cast %parallel_loop3A_351 : vector<16xf32> to vector<16xf32>
        %parallel_loop3A_353 = vector.shape_cast %parallel_loop3A_343 : vector<16xf32> to vector<16xf32>
        tpu.vector_store %arg8[%parallel_loop3A_350], %parallel_loop3A_353 {add = true, strides = array<i32>} : memref<32768xf32, #tpu.memory_space<vmem>>, vector<16xf32>,
        %parallel_loop3A_354 = arith.constant 320 : i32
        %parallel_loop3A_355 = arith.addi %parallel_loop3A_75, %parallel_loop3A_354 : i32
        %parallel_loop3A_356 = arith.constant 16 : i32
        %parallel_loop3A_357 = arith.addi %parallel_loop3A_355, %parallel_loop3A_356 : i32
        %parallel_loop3A_358 = arith.index_cast %parallel_loop3A_357 : i32 to index
        %parallel_loop3A_359 = tpu.vector_load %arg8[%parallel_loop3A_358] {strides = array<i32>} : memref<32768xf32, #tpu.memory_space<vmem>>, vector<16xf32>,
        %parallel_loop3A_360 = vector.shape_cast %parallel_loop3A_359 : vector<16xf32> to vector<16xf32>
        %parallel_loop3A_361 = vector.shape_cast %parallel_loop3A_347 : vector<16xf32> to vector<16xf32>
        tpu.vector_store %arg8[%parallel_loop3A_358], %parallel_loop3A_361 {add = true, strides = array<i32>} : memref<32768xf32, #tpu.memory_space<vmem>>, vector<16xf32>,
        %parallel_loop3A_362 = arith.index_cast %parallel_loop3A_68 : i32 to index
        %parallel_loop3A_363 = arith.constant 176 : index
        %parallel_loop3A_364 = tpu.vector_load %arg7[%parallel_loop3A_362, %parallel_loop3A_363] {strides = array<i32>} : memref<64x256xi32, #tpu.memory_space<vmem>>, vector<1x16xi32>,
        %parallel_loop3A_365 = vector.shape_cast %parallel_loop3A_364 : vector<1x16xi32> to vector<16xi32>
        %parallel_loop3A_366 = arith.constant 16 : i32
        %parallel_loop3A_367 = vector.broadcast %parallel_loop3A_366 : i32 to vector<16xi32>
        %parallel_loop3A_368 = arith.shli %parallel_loop3A_365, %parallel_loop3A_367 : vector<16xi32>
        %parallel_loop3A_369 = tpu.bitcast %parallel_loop3A_368 : vector<16xi32> -> vector<16xf32>
        %parallel_loop3A_370 = arith.constant -65536 : i32
        %parallel_loop3A_371 = vector.broadcast %parallel_loop3A_370 : i32 to vector<16xi32>
        %parallel_loop3A_372 = arith.andi %parallel_loop3A_365, %parallel_loop3A_371 : vector<16xi32>
        %parallel_loop3A_373 = tpu.bitcast %parallel_loop3A_372 : vector<16xi32> -> vector<16xf32>
        %parallel_loop3A_374 = arith.constant 352 : i32
        %parallel_loop3A_375 = arith.addi %parallel_loop3A_75, %parallel_loop3A_374 : i32
        %parallel_loop3A_376 = arith.index_cast %parallel_loop3A_375 : i32 to index
        %parallel_loop3A_377 = tpu.vector_load %arg8[%parallel_loop3A_376] {strides = array<i32>} : memref<32768xf32, #tpu.memory_space<vmem>>, vector<16xf32>,
        %parallel_loop3A_378 = vector.shape_cast %parallel_loop3A_377 : vector<16xf32> to vector<16xf32>
        %parallel_loop3A_379 = vector.shape_cast %parallel_loop3A_369 : vector<16xf32> to vector<16xf32>
        tpu.vector_store %arg8[%parallel_loop3A_376], %parallel_loop3A_379 {add = true, strides = array<i32>} : memref<32768xf32, #tpu.memory_space<vmem>>, vector<16xf32>,
        %parallel_loop3A_380 = arith.constant 352 : i32
        %parallel_loop3A_381 = arith.addi %parallel_loop3A_75, %parallel_loop3A_380 : i32
        %parallel_loop3A_382 = arith.constant 16 : i32
        %parallel_loop3A_383 = arith.addi %parallel_loop3A_381, %parallel_loop3A_382 : i32
        %parallel_loop3A_384 = arith.index_cast %parallel_loop3A_383 : i32 to index
        %parallel_loop3A_385 = tpu.vector_load %arg8[%parallel_loop3A_384] {strides = array<i32>} : memref<32768xf32, #tpu.memory_space<vmem>>, vector<16xf32>,
        %parallel_loop3A_386 = vector.shape_cast %parallel_loop3A_385 : vector<16xf32> to vector<16xf32>
        %parallel_loop3A_387 = vector.shape_cast %parallel_loop3A_373 : vector<16xf32> to vector<16xf32>
        tpu.vector_store %arg8[%parallel_loop3A_384], %parallel_loop3A_387 {add = true, strides = array<i32>} : memref<32768xf32, #tpu.memory_space<vmem>>, vector<16xf32>,
        %parallel_loop3A_388 = arith.index_cast %parallel_loop3A_68 : i32 to index
        %parallel_loop3A_389 = arith.constant 192 : index
        %parallel_loop3A_390 = tpu.vector_load %arg7[%parallel_loop3A_388, %parallel_loop3A_389] {strides = array<i32>} : memref<64x256xi32, #tpu.memory_space<vmem>>, vector<1x16xi32>,
        %parallel_loop3A_391 = vector.shape_cast %parallel_loop3A_390 : vector<1x16xi32> to vector<16xi32>
        %parallel_loop3A_392 = arith.constant 16 : i32
        %parallel_loop3A_393 = vector.broadcast %parallel_loop3A_392 : i32 to vector<16xi32>
        %parallel_loop3A_394 = arith.shli %parallel_loop3A_391, %parallel_loop3A_393 : vector<16xi32>
        %parallel_loop3A_395 = tpu.bitcast %parallel_loop3A_394 : vector<16xi32> -> vector<16xf32>
        %parallel_loop3A_396 = arith.constant -65536 : i32
        %parallel_loop3A_397 = vector.broadcast %parallel_loop3A_396 : i32 to vector<16xi32>
        %parallel_loop3A_398 = arith.andi %parallel_loop3A_391, %parallel_loop3A_397 : vector<16xi32>
        %parallel_loop3A_399 = tpu.bitcast %parallel_loop3A_398 : vector<16xi32> -> vector<16xf32>
        %parallel_loop3A_400 = arith.constant 384 : i32
        %parallel_loop3A_401 = arith.addi %parallel_loop3A_75, %parallel_loop3A_400 : i32
        %parallel_loop3A_402 = arith.index_cast %parallel_loop3A_401 : i32 to index
        %parallel_loop3A_403 = tpu.vector_load %arg8[%parallel_loop3A_402] {strides = array<i32>} : memref<32768xf32, #tpu.memory_space<vmem>>, vector<16xf32>,
        %parallel_loop3A_404 = vector.shape_cast %parallel_loop3A_403 : vector<16xf32> to vector<16xf32>
        %parallel_loop3A_405 = vector.shape_cast %parallel_loop3A_395 : vector<16xf32> to vector<16xf32>
        tpu.vector_store %arg8[%parallel_loop3A_402], %parallel_loop3A_405 {add = true, strides = array<i32>} : memref<32768xf32, #tpu.memory_space<vmem>>, vector<16xf32>,
        %parallel_loop3A_406 = arith.constant 384 : i32
        %parallel_loop3A_407 = arith.addi %parallel_loop3A_75, %parallel_loop3A_406 : i32
        %parallel_loop3A_408 = arith.constant 16 : i32
        %parallel_loop3A_409 = arith.addi %parallel_loop3A_407, %parallel_loop3A_408 : i32
        %parallel_loop3A_410 = arith.index_cast %parallel_loop3A_409 : i32 to index
        %parallel_loop3A_411 = tpu.vector_load %arg8[%parallel_loop3A_410] {strides = array<i32>} : memref<32768xf32, #tpu.memory_space<vmem>>, vector<16xf32>,
        %parallel_loop3A_412 = vector.shape_cast %parallel_loop3A_411 : vector<16xf32> to vector<16xf32>
        %parallel_loop3A_413 = vector.shape_cast %parallel_loop3A_399 : vector<16xf32> to vector<16xf32>
        tpu.vector_store %arg8[%parallel_loop3A_410], %parallel_loop3A_413 {add = true, strides = array<i32>} : memref<32768xf32, #tpu.memory_space<vmem>>, vector<16xf32>,
        %parallel_loop3A_414 = arith.index_cast %parallel_loop3A_68 : i32 to index
        %parallel_loop3A_415 = arith.constant 208 : index
        %parallel_loop3A_416 = tpu.vector_load %arg7[%parallel_loop3A_414, %parallel_loop3A_415] {strides = array<i32>} : memref<64x256xi32, #tpu.memory_space<vmem>>, vector<1x16xi32>,
        %parallel_loop3A_417 = vector.shape_cast %parallel_loop3A_416 : vector<1x16xi32> to vector<16xi32>
        %parallel_loop3A_418 = arith.constant 16 : i32
        %parallel_loop3A_419 = vector.broadcast %parallel_loop3A_418 : i32 to vector<16xi32>
        %parallel_loop3A_420 = arith.shli %parallel_loop3A_417, %parallel_loop3A_419 : vector<16xi32>
        %parallel_loop3A_421 = tpu.bitcast %parallel_loop3A_420 : vector<16xi32> -> vector<16xf32>
        %parallel_loop3A_422 = arith.constant -65536 : i32
        %parallel_loop3A_423 = vector.broadcast %parallel_loop3A_422 : i32 to vector<16xi32>
        %parallel_loop3A_424 = arith.andi %parallel_loop3A_417, %parallel_loop3A_423 : vector<16xi32>
        %parallel_loop3A_425 = tpu.bitcast %parallel_loop3A_424 : vector<16xi32> -> vector<16xf32>
        %parallel_loop3A_426 = arith.constant 416 : i32
        %parallel_loop3A_427 = arith.addi %parallel_loop3A_75, %parallel_loop3A_426 : i32
        %parallel_loop3A_428 = arith.index_cast %parallel_loop3A_427 : i32 to index
        %parallel_loop3A_429 = tpu.vector_load %arg8[%parallel_loop3A_428] {strides = array<i32>} : memref<32768xf32, #tpu.memory_space<vmem>>, vector<16xf32>,
        %parallel_loop3A_430 = vector.shape_cast %parallel_loop3A_429 : vector<16xf32> to vector<16xf32>
        %parallel_loop3A_431 = vector.shape_cast %parallel_loop3A_421 : vector<16xf32> to vector<16xf32>
        tpu.vector_store %arg8[%parallel_loop3A_428], %parallel_loop3A_431 {add = true, strides = array<i32>} : memref<32768xf32, #tpu.memory_space<vmem>>, vector<16xf32>,
        %parallel_loop3A_432 = arith.constant 416 : i32
        %parallel_loop3A_433 = arith.addi %parallel_loop3A_75, %parallel_loop3A_432 : i32
        %parallel_loop3A_434 = arith.constant 16 : i32
        %parallel_loop3A_435 = arith.addi %parallel_loop3A_433, %parallel_loop3A_434 : i32
        %parallel_loop3A_436 = arith.index_cast %parallel_loop3A_435 : i32 to index
        %parallel_loop3A_437 = tpu.vector_load %arg8[%parallel_loop3A_436] {strides = array<i32>} : memref<32768xf32, #tpu.memory_space<vmem>>, vector<16xf32>,
        %parallel_loop3A_438 = vector.shape_cast %parallel_loop3A_437 : vector<16xf32> to vector<16xf32>
        %parallel_loop3A_439 = vector.shape_cast %parallel_loop3A_425 : vector<16xf32> to vector<16xf32>
        tpu.vector_store %arg8[%parallel_loop3A_436], %parallel_loop3A_439 {add = true, strides = array<i32>} : memref<32768xf32, #tpu.memory_space<vmem>>, vector<16xf32>,
        %parallel_loop3A_440 = arith.index_cast %parallel_loop3A_68 : i32 to index
        %parallel_loop3A_441 = arith.constant 224 : index
        %parallel_loop3A_442 = tpu.vector_load %arg7[%parallel_loop3A_440, %parallel_loop3A_441] {strides = array<i32>} : memref<64x256xi32, #tpu.memory_space<vmem>>, vector<1x16xi32>,
        %parallel_loop3A_443 = vector.shape_cast %parallel_loop3A_442 : vector<1x16xi32> to vector<16xi32>
        %parallel_loop3A_444 = arith.constant 16 : i32
        %parallel_loop3A_445 = vector.broadcast %parallel_loop3A_444 : i32 to vector<16xi32>
        %parallel_loop3A_446 = arith.shli %parallel_loop3A_443, %parallel_loop3A_445 : vector<16xi32>
        %parallel_loop3A_447 = tpu.bitcast %parallel_loop3A_446 : vector<16xi32> -> vector<16xf32>
        %parallel_loop3A_448 = arith.constant -65536 : i32
        %parallel_loop3A_449 = vector.broadcast %parallel_loop3A_448 : i32 to vector<16xi32>
        %parallel_loop3A_450 = arith.andi %parallel_loop3A_443, %parallel_loop3A_449 : vector<16xi32>
        %parallel_loop3A_451 = tpu.bitcast %parallel_loop3A_450 : vector<16xi32> -> vector<16xf32>
        %parallel_loop3A_452 = arith.constant 448 : i32
        %parallel_loop3A_453 = arith.addi %parallel_loop3A_75, %parallel_loop3A_452 : i32
        %parallel_loop3A_454 = arith.index_cast %parallel_loop3A_453 : i32 to index
        %parallel_loop3A_455 = tpu.vector_load %arg8[%parallel_loop3A_454] {strides = array<i32>} : memref<32768xf32, #tpu.memory_space<vmem>>, vector<16xf32>,
        %parallel_loop3A_456 = vector.shape_cast %parallel_loop3A_455 : vector<16xf32> to vector<16xf32>
        %parallel_loop3A_457 = vector.shape_cast %parallel_loop3A_447 : vector<16xf32> to vector<16xf32>
        tpu.vector_store %arg8[%parallel_loop3A_454], %parallel_loop3A_457 {add = true, strides = array<i32>} : memref<32768xf32, #tpu.memory_space<vmem>>, vector<16xf32>,
        %parallel_loop3A_458 = arith.constant 448 : i32
        %parallel_loop3A_459 = arith.addi %parallel_loop3A_75, %parallel_loop3A_458 : i32
        %parallel_loop3A_460 = arith.constant 16 : i32
        %parallel_loop3A_461 = arith.addi %parallel_loop3A_459, %parallel_loop3A_460 : i32
        %parallel_loop3A_462 = arith.index_cast %parallel_loop3A_461 : i32 to index
        %parallel_loop3A_463 = tpu.vector_load %arg8[%parallel_loop3A_462] {strides = array<i32>} : memref<32768xf32, #tpu.memory_space<vmem>>, vector<16xf32>,
        %parallel_loop3A_464 = vector.shape_cast %parallel_loop3A_463 : vector<16xf32> to vector<16xf32>
        %parallel_loop3A_465 = vector.shape_cast %parallel_loop3A_451 : vector<16xf32> to vector<16xf32>
        tpu.vector_store %arg8[%parallel_loop3A_462], %parallel_loop3A_465 {add = true, strides = array<i32>} : memref<32768xf32, #tpu.memory_space<vmem>>, vector<16xf32>,
        %parallel_loop3A_466 = arith.index_cast %parallel_loop3A_68 : i32 to index
        %parallel_loop3A_467 = arith.constant 240 : index
        %parallel_loop3A_468 = tpu.vector_load %arg7[%parallel_loop3A_466, %parallel_loop3A_467] {strides = array<i32>} : memref<64x256xi32, #tpu.memory_space<vmem>>, vector<1x16xi32>,
        %parallel_loop3A_469 = vector.shape_cast %parallel_loop3A_468 : vector<1x16xi32> to vector<16xi32>
        %parallel_loop3A_470 = arith.constant 16 : i32
        %parallel_loop3A_471 = vector.broadcast %parallel_loop3A_470 : i32 to vector<16xi32>
        %parallel_loop3A_472 = arith.shli %parallel_loop3A_469, %parallel_loop3A_471 : vector<16xi32>
        %parallel_loop3A_473 = tpu.bitcast %parallel_loop3A_472 : vector<16xi32> -> vector<16xf32>
        %parallel_loop3A_474 = arith.constant -65536 : i32
        %parallel_loop3A_475 = vector.broadcast %parallel_loop3A_474 : i32 to vector<16xi32>
        %parallel_loop3A_476 = arith.andi %parallel_loop3A_469, %parallel_loop3A_475 : vector<16xi32>
        %parallel_loop3A_477 = tpu.bitcast %parallel_loop3A_476 : vector<16xi32> -> vector<16xf32>
        %parallel_loop3A_478 = arith.constant 480 : i32
        %parallel_loop3A_479 = arith.addi %parallel_loop3A_75, %parallel_loop3A_478 : i32
        %parallel_loop3A_480 = arith.index_cast %parallel_loop3A_479 : i32 to index
        %parallel_loop3A_481 = tpu.vector_load %arg8[%parallel_loop3A_480] {strides = array<i32>} : memref<32768xf32, #tpu.memory_space<vmem>>, vector<16xf32>,
        %parallel_loop3A_482 = vector.shape_cast %parallel_loop3A_481 : vector<16xf32> to vector<16xf32>
        %parallel_loop3A_483 = vector.shape_cast %parallel_loop3A_473 : vector<16xf32> to vector<16xf32>
        tpu.vector_store %arg8[%parallel_loop3A_480], %parallel_loop3A_483 {add = true, strides = array<i32>} : memref<32768xf32, #tpu.memory_space<vmem>>, vector<16xf32>,
        %parallel_loop3A_484 = arith.constant 480 : i32
        %parallel_loop3A_485 = arith.addi %parallel_loop3A_75, %parallel_loop3A_484 : i32
        %parallel_loop3A_486 = arith.constant 16 : i32
        %parallel_loop3A_487 = arith.addi %parallel_loop3A_485, %parallel_loop3A_486 : i32
        %parallel_loop3A_488 = arith.index_cast %parallel_loop3A_487 : i32 to index
        %parallel_loop3A_489 = tpu.vector_load %arg8[%parallel_loop3A_488] {strides = array<i32>} : memref<32768xf32, #tpu.memory_space<vmem>>, vector<16xf32>,
        %parallel_loop3A_490 = vector.shape_cast %parallel_loop3A_489 : vector<16xf32> to vector<16xf32>
        %parallel_loop3A_491 = vector.shape_cast %parallel_loop3A_477 : vector<16xf32> to vector<16xf32>
        tpu.vector_store %arg8[%parallel_loop3A_488], %parallel_loop3A_491 {add = true, strides = array<i32>} : memref<32768xf32, #tpu.memory_space<vmem>>, vector<16xf32>,
      } {sc.loop_unroll_factor = 4 : i64, sc.parallel_access}
    }
    %scan3A_22 = arith.constant 8 : i32
    %run_scoped3A = arith.constant 0 : i32
    "tpu.region"() ({
      %run_scoped3A_23 = tpu.sem_alloc : memref<!tpu.dma_semaphore, #tpu.memory_space<semaphore_mem>>
      %dma_start3A_24 = arith.constant 0 : i32
      %dma_start3A_25 = tpu.memref_slice %arg4[%add3A, %run_scoped3A, %dma_start3A_24] : memref<32x1x32768xf32, #tpu.memory_space<hbm>> -> memref<1x1x32768xf32, #tpu.memory_space<hbm>>
      %dma_start3A_26 = tpu.memref_squeeze %dma_start3A_25 : memref<1x1x32768xf32, #tpu.memory_space<hbm>> -> memref<32768xf32, #tpu.memory_space<hbm>>
      %dma_start3A_27 = arith.constant 0 : i32
      %dma_start3A_28 = tpu.memref_slice %arg4[%add3A, %run_scoped3A, %dma_start3A_27] : memref<32x1x32768xf32, #tpu.memory_space<hbm>> -> memref<1x1x32768xf32, #tpu.memory_space<hbm>>
      %dma_start3A_29 = tpu.memref_squeeze %dma_start3A_28 : memref<1x1x32768xf32, #tpu.memory_space<hbm>> -> memref<32768xf32, #tpu.memory_space<hbm>>
      tpu.enqueue_dma source(%arg8 : memref<32768xf32, #tpu.memory_space<vmem>>) target(%dma_start3A_29 : memref<32768xf32, #tpu.memory_space<hbm>>) target_semaphore(%run_scoped3A_23 : memref<!tpu.dma_semaphore, #tpu.memory_space<semaphore_mem>>)
      %dma_wait3A = arith.constant 0 : i32
      %dma_wait3A_30 = tpu.memref_slice %arg4[%add3A, %run_scoped3A, %dma_wait3A] : memref<32x1x32768xf32, #tpu.memory_space<hbm>> -> memref<1x1x32768xf32, #tpu.memory_space<hbm>>
      %dma_wait3A_31 = tpu.memref_squeeze %dma_wait3A_30 : memref<1x1x32768xf32, #tpu.memory_space<hbm>> -> memref<32768xf32, #tpu.memory_space<hbm>>
      %dma_wait3A_32 = arith.constant 0 : i32
      %dma_wait3A_33 = tpu.memref_slice %arg4[%add3A, %run_scoped3A, %dma_wait3A_32] : memref<32x1x32768xf32, #tpu.memory_space<hbm>> -> memref<1x1x32768xf32, #tpu.memory_space<hbm>>
      %dma_wait3A_34 = tpu.memref_squeeze %dma_wait3A_33 : memref<1x1x32768xf32, #tpu.memory_space<hbm>> -> memref<32768xf32, #tpu.memory_space<hbm>>
      tpu.wait_dma2 semaphore(%run_scoped3A_23 : memref<!tpu.dma_semaphore, #tpu.memory_space<semaphore_mem>>) src(%arg8 : memref<32768xf32, #tpu.memory_space<vmem>>) dst(%dma_wait3A_34 : memref<32768xf32, #tpu.memory_space<hbm>>)
      tpu.yield
    }) : () -> ()
    return
  }
}

</mosaic_0001>

<sc_bundles>
// kernel: kernel.3.cloned.1.call-start
scs
__scs_entry_jumppad:
0x0: {  	(pc) =	sbr.rel $0x88, $3  }
0x1: {  	(tag) =	ssettag $0x0;
	lr =	simm.s32 $0x1  }
0x2: {  	[smem:$0x3F9F] =	sst lr;
	_ =	strace $0xD0000000  }
0x3: {  	_ = 	snop  }
0x4: {  	_ = 	snop  }
0x5: {  	_ = 	snop  }
0x6: {  	_ = 	snop  }
0x7: {  	_ = 	snop  }
__scs_overlays_trampoline_lowered:
0x8: {  	[smem:$0x3FAE] =	sst s0  }
0x9: {  	[smem:$0x3FAF] =	sst s1  }
0xa: {  	[smem:$0x3FB0] =	sst s2  }
0xb: {  	[smem:$0x3FB1] =	sst s3  }
0xc: {  	[smem:$0x3FB2] =	sst s4  }
0xd: {  	[smem:$0x3FB3] =	sst s5  }
0xe: {  	[smem:$0x3FB4] =	sst s6  }
0xf: {  	[smem:$0x3FB5] =	sst s7  }
0x10: {  	[smem:$0x3FB6] =	sst s8  }
0x11: {  	[smem:$0x3FB7] =	sst s9;
	s0 =	simm.s32 @!p0 $0x0  }
0x12: {  	s1 =	sld [smem:$0x3F9D];
	s0 =	simm.s32 @p0 $0x1  }
0x13: {  	[smem:$0x3FB8] =	sst s0;
	s0 =	simm.s32 @!p1 $0x0  }
0x14: {  	s2 =	sld [smem:$0x3F9C];
	s0 =	simm.s32 @p1 $0x1  }
0x15: {  	[smem:$0x3FB9] =	sst s0;
	s0 =	simm.s32 @!p2 $0x0  }
0x16: {  	s3 =	sld [smem:$0x3FDB];
	s0 =	simm.s32 @p2 $0x1  }
0x17: {  	s4 =	simm.s32 $0x1BF5;
	[smem:$0x3FBB] =	sst s0  }
0x18: {  	s0 =	sld [smem:$0x3F9E];
	_ =	swait.ge [sflag:s4], $0x0  }
0x19: {  	s7 =	sld [smem:$0x3F9F]  }
0x1a: {  	s8 =	sadd.s32 $0xFFFFE003, lr  }
0x1b: {  	s9 =	sadd.s32 $0xFFFFFEF7, lr;
	s5 =	simm.s32 $0xFFFFFFFF;
	p2 =	slt.u32 s8, $0xFFFFF086  }
0x1c: {  	p1 =	slt.u32 s9, $0xF7A;
	s5 =	simm.s32 @!p2 $0x0  }
0x1d: {  	s5 =	simm.s32 @p1 $0x1;
	p0 =	seq.s32 s7, s2  }
0x1e: {  	s7 =	smul.u32 @!p0 $0xF7A, s2;
	p2 =	seq.s32 @!p0 s5, $0x0  }
0x1f: {  	s9 =	smul.u32 $0xF7A, s1;
	s8 =	simm.s32 @!p0 $0x1BF5;
	p2 =	por !p2, p0  }
0x20: {  	[sflag:s8] =	ssyncset.s32 @!p0 $0xFFFFF086;
	s6 =	sadd.s32 @!p0 s3, s7;
	s7 =	simm.s32 @!p0 $0x108  }
0x21: {  	s3 =	sadd.s32 s3, s9;
	s6 =	sadd.s32 @!p0 $0x88, s6;
	s7 =	simm.s32 @p2 $0x1082  }
0x22: {  	[simem:s7], [sflag:s8] =	dma.local @!p0 [hbm:s6], $0xF7A  }
0x23: {  	s9 =	sor.u32 $0xD0000000, s2;
	s6 =	simm.s32 $0x108;
	_ =	swait.ge @!p0 [sflag:s8], $0x0  }
0x24: {  	s3 =	sadd.s32 $0x88, s3;
	s6 =	simm.s32 @!p1 $0x1082;
	[sflag:s4] =	ssyncset.s32 $0xFFFFF086  }
0x25: {  	[simem:s6], [sflag:s4] =	dma.local [hbm:s3], $0xF7A  }
0x26: {  	[smem:$0x3F9F] =	sst s1;
	(tag) =	ssettag s2;
	_ =	strace s9  }
0x27: {  	s1 =	sld [smem:$0x3FAF]  }
0x28: {  	s2 =	sld [smem:$0x3FB0]  }
0x29: {  	s4 =	sld [smem:$0x3FB2]  }
0x2a: {  	p0 =	seq.s32 s5, $0x0;
	s5 =	sld [smem:$0x3FB3]  }
0x2b: {  	s6 =	sld [smem:$0x3FB4]  }
0x2c: {  	s7 =	sld [smem:$0x3FB5]  }
0x2d: {  	s3 =	simm.s32 $0x108;
	s8 =	sld [smem:$0x3FB6]  }
0x2e: {  	s3 =	simm.s32 @!p0 $0x1082;
	s9 =	sld [smem:$0x3FB7]  }
0x2f: {  	lr =	sadd.s32 s0, s3;
	s0 =	sld [smem:$0x3FAE]  }
0x30: {  	s3 =	sld [smem:$0x3FB1]  }
0x31: {  	[smem:$0x3FBA] =	sst s10  }
0x32: {  	s10 =	sld [smem:$0x3FB8];
	_ =	sdelay $0x3  }
0x33: {  	p0 =	seq.s32 s10, $0x1;
	s10 =	sld [smem:$0x3FBA];
	_ =	sdelay $0x3  }
0x34: {  	[smem:$0x3FBA] =	sst s10  }
0x35: {  	s10 =	sld [smem:$0x3FB9];
	_ =	sdelay $0x3  }
0x36: {  	p1 =	seq.s32 s10, $0x1;
	s10 =	sld [smem:$0x3FBA];
	_ =	sdelay $0x3  }
0x37: {  	[smem:$0x3FBA] =	sst s10  }
0x38: {  	s10 =	sld [smem:$0x3FBB]  }
0x39: {  	_ = 	snop;
	(pc) =	sbr.ind lr, $3  }
0x3a: {  	_ = 	snop  }
0x3b: {  	_ = 	snop  }
0x3c: {  	p2 =	seq.s32 s10, $0x1;
	s10 =	sld [smem:$0x3FBA]  }
0x3d: {  	_ =	shalt  }
0x3e: {  	_ =	shalt  }
0x3f: {  	_ =	shalt  }
0x40: {  	_ =	shalt  }
0x41: {  	_ =	shalt  }
0x42: {  	_ =	shalt  }
0x43: {  	_ =	shalt  }
0x44: {  	_ =	shalt  }
0x45: {  	_ =	shalt  }
0x46: {  	_ =	shalt  }
0x47: {  	_ =	shalt  }
0x48: {  	_ =	shalt  }
0x49: {  	_ =	shalt  }
0x4a: {  	_ =	shalt  }
0x4b: {  	_ =	shalt  }
0x4c: {  	_ =	shalt  }
0x4d: {  	_ =	shalt  }
0x4e: {  	_ =	shalt  }
0x4f: {  	_ =	shalt  }
0x50: {  	_ =	shalt  }
0x51: {  	_ =	shalt  }
0x52: {  	_ =	shalt  }
0x53: {  	_ =	shalt  }
0x54: {  	_ =	shalt  }
0x55: {  	_ =	shalt  }
0x56: {  	_ =	shalt  }
0x57: {  	_ =	shalt  }
0x58: {  	_ =	shalt  }
0x59: {  	_ =	shalt  }
0x5a: {  	_ =	shalt  }
0x5b: {  	_ =	shalt  }
0x5c: {  	_ =	shalt  }
0x5d: {  	_ =	shalt  }
0x5e: {  	_ =	shalt  }
0x5f: {  	_ =	shalt  }
0x60: {  	_ =	shalt  }
0x61: {  	_ =	shalt  }
0x62: {  	_ =	shalt  }
0x63: {  	_ =	shalt  }
0x64: {  	_ =	shalt  }
0x65: {  	_ =	shalt  }
0x66: {  	_ =	shalt  }
0x67: {  	_ =	shalt  }
0x68: {  	_ =	shalt  }
0x69: {  	_ =	shalt  }
0x6a: {  	_ =	shalt  }
0x6b: {  	_ =	shalt  }
0x6c: {  	_ =	shalt  }
0x6d: {  	_ =	shalt  }
0x6e: {  	_ =	shalt  }
0x6f: {  	_ =	shalt  }
0x70: {  	_ =	shalt  }
0x71: {  	_ =	shalt  }
0x72: {  	_ =	shalt  }
0x73: {  	_ =	shalt  }
0x74: {  	_ =	shalt  }
0x75: {  	_ =	shalt  }
0x76: {  	_ =	shalt  }
0x77: {  	_ =	shalt  }
0x78: {  	_ =	shalt  }
0x79: {  	_ =	shalt  }
0x7a: {  	_ =	shalt  }
0x7b: {  	_ =	shalt  }
0x7c: {  	_ =	shalt  }
0x7d: {  	_ =	shalt  }
0x7e: {  	_ =	shalt  }
0x7f: {  	_ =	shalt  }
0x80: {  	_ =	shalt  }
0x81: {  	_ =	shalt  }
0x82: {  	_ =	shalt  }
0x83: {  	_ =	shalt  }
0x84: {  	_ =	shalt  }
0x85: {  	_ =	shalt  }
0x86: {  	_ =	shalt  }
0x87: {  	_ =	shalt  }
.Lfunc_end0:
.L_simem_size_0:
called_computation_lowered:
.L_overlay_start_0:
0x88: {  	s2 =	sld [smem:$0x3FD9]  }
0x89: {  	s3 =	sld [smem:$0x3FFE];
	_ =	sdelay $0x1  }
0x8a: {  	s1 =	srdreg.scid  }
0x8b: {  	s0 =	sand.u32 $0x1, s1  }
0x8c: {  	s17 =	sshll.u32 s0, $0xA;
	s2 =	sadd.s32 s3, s2  }
0x8d: {  	s2 =	sadd.s32 s2, s17  }
0x8e: {  	[smem:$0x3FC6] =	sst s2  }
0x8f: {  	_ = 	snop  }
0x90: {  	s2 =	sld [smem:$0x3FC9]  }
0x91: {  	s18 =	sld [smem:$0x3FD0];
	(tm) =	ssettm $0x1  }
0x92: {  	s4 =	sld [smem:$0x3FFB];
	_ =	sdelay $0x3  }
0x93: {  	_ =	strace s4  }
0x94: {  	s4 =	sld [smem:$0x3FFC];
	_ =	sdelay $0x3  }
0x95: {  	_ =	strace s4  }
0x96: {  	s4 =	sld [smem:$0x3FFD];
	_ =	sdelay $0x3  }
0x97: {  	_ =	strace s4  }
0x98: {  	_ =	strace $0x8FFFFFFF  }
0x99: {  	s19 =	sld [smem:$0x3FDB];
	_ =	sdelay $0x1  }
0x9a: {  	s5 =	simm.s32 $_scs_section_size  }
0x9b: {  	s6 =	simm.s32 $_size__tile_overlayer_lowered;
	s7 =	simm.s32 $_tile_overlayer_lowered  }
0x9c: {  	s22 =	simm.s32 $0x1BFF;
	s21 =	sshll.u32 s7, $0x1;
	s4 =	sadd.s32 s5, s19  }
0x9d: {  	s8 =	simm.s32 $0x0;
	s20 =	sshll.u32 s6, $0x1;
	s6 =	sadd.s32 s21, s4  }
0x9e: {  	[timem:s8], [sflag:s22] =	dma.local [hbm:s6], s20  }
0x9f: {  	_ =	swait.ge [sflag:s22], s20  }
0xa0: {  	s5 =	ssub.s32 $0x0, s20;
	[sflag:s22] =	ssyncset.done $0x0  }
0xa1: {  	[sflag:s22] =	ssyncadd.s32 s5;
	_ =	sdelay $0x1  }
0xa2: {  	s23 =	simm.s32 $0x1B8B  }
0xa3: {  	_ =	swait.ge [sflag:s23], $0x1  }
0xa4: {  	[sflag:s23] =	ssyncset.done $0x0  }
0xa5: {  	s25 =	simm.s32 $0x1B8E;
	s24 =	sld [smem:$0x3FFE];
	[sflag:s23] =	ssyncadd.s32 $0xFFFFFFFF  }
0xa6: {  	s26 =	simm.s32 $execute0_lowered;
	[smem:$0x3FD2] =	sst s25  }
0xa7: {  	s6 =	sshll.u32 s26, $0x1;
	_ =	strace $0x80000046;
	[dreg:$0x1] =	wrdreg $0xFFFFFFFF  }
0xa8: {  	s28 =	simm.s32 $_size_execute0_lowered;
	s4 =	sadd.s32 s4, s6;
	[dreg:$0x0] =	wrdreg $0x0  }
0xa9: {  	s6 =	sshll.u32 s28, $0x1;
	[dreg:$0x2] =	wrdreg s4  }
0xaa: {  	[dreg:$0x3] =	wrdreg s6  }
0xab: {  	[dreg:$0x4] =	wrdreg $0xC0  }
0xac: {  	_ =	task [dreg:s8], $0x5FFFF  }
0xad: {  	[dreg:$0x1] =	wrdreg $0xFFFFFFFF  }
0xae: {  	[dreg:$0x0] =	wrdreg $0x60  }
0xaf: {  	[dreg:$0x2] =	wrdreg s2  }
0xb0: {  	[dreg:$0x3] =	wrdreg s24  }
0xb1: {  	[dreg:$0x4] =	wrdreg s18  }
0xb2: {  	[dreg:$0x5] =	wrdreg $0x9  }
0xb3: {  	_ =	task.clear_ibuf [dreg:s8], $0x6FFFF;
	_ =	strace $0x90000046  }
0xb4: {  	s29 =	simm.s32 $0x9;
	_ =	strace $0x80000048  }
0xb5: {  	_ =	swait.ge [sflag:s29], $0x1  }
0xb6: {  	[sflag:s29] =	ssyncadd.s32 $0xFFFFFFFF  }
0xb7: {  	_ =	strace $0x90000048  }
0xb8: {  	_ =	sfence  }
0xb9: {  	s30 =	sld [smem:$0x0];
	_ =	sdelay $0x2  }
0xba: {  	s31 =	sshll.u32 s1, $0xD;
	s1 =	sshrl.u32 s1, $0x2  }
0xbb: {  	s3 =	sand.u32 $0x4000, s31;
	s1 =	sadd.s32 s1, s30  }
0xbc: {  	s0 =	sor.u32 s3, s0;
	s1 =	sshll.u32 s1, $0x11  }
0xbd: {  	s0 =	sor.u32 s1, s0  }
0xbe: {  	s0 =	sadd.s32 $0x8F2B, s0  }
0xbf: {  	[sflag:s0] =	ssyncadd.remote.s32 $0x1  }
0xc0: {  	_ =	sfence.sel $0xFFFF  }
0xc1: {  	[dreg:$0x0] =	wrdreg $0xFFFFFFFF;
	(pc) =	sbr.abs _section_cstart, $3  }
0xc2: {  	[dreg:$0x1] =	wrdreg $0xFFFFFFFF  }
0xc3: {  	_ =	task.clear_ibuf [dreg:s8], $0x2FFFF;
	_ =	strace $0x9FFFFFFF  }
0xc4: {  	(tm) =	ssettm $0x7FFFFFFF  }
0xc5: {  	_ =	shalt  }
tec
execute0_lowered:
.L_overlay_start_1:
0x0: {  	(tag) =	ssettag $0x1  }
0x1: {  	s0 =	rddreg [dreg:$0x0]  }
0x2: {  	s1 =	rddreg [dreg:$0x1]  }
0x3: {  	s2 =	rddreg [dreg:$0x2];
	s8 =	simm.s32 $0x0;
	s3 =	srdreg.scid  }
0x4: {  	s7 =	stileid.u32;
	[smem:$0x7FF] =	sst s8  }
0x5: {  	s3 =	sand.u32 $0x1, s3;
	s4 =	sadd.s32 $0x400, s1;
	s5 =	sshll.u32 s7, $0x1  }
0x6: {  	s26 =	sshll.u32 s7, $0x8;
	s29 =	sadd.s32 $0x1400, s1;
	_ =	strace $0x80000047  }
0x7: {  	[smem:$0x7F9] =	sst s4;
	s25 =	ssub.s32 $0x2, s3;
	s3 =	sor.u32 s3, s5  }
0x8: {  	s5 =	sand.u32 $0xC00, s26;
	[smem:$0x7FB] =	sst s29;
	s6 =	sshrl.u32 s25, $0x1  }
0x9: {  	s28 =	sshll.u32 s3, $0x4;
	s0 =	sadd.s32 s0, s5;
	s3 =	sshll.u32 s3, $0xC  }
0xa: {  	s4 =	ssub.s32 s25, s6;
	s6 =	sand.u32 $0x70, s28;
	s30 =	sadd.s32 s2, s3  }
0xb: {  	s0 =	sadd.s32 s6, s0;
	[smem:$0x7FC] =	sst s30  }
0xc: {  	s31 =	smax.u32 s4, $0x1;
	[smem:$0x7FA] =	sst s0  }
0xd: {  	v0 =	vimm.f32 $0.0e+00;
	s1 =	simm.s32 $0x0;
	s3 =	simm.s32 $0x3;
	[smem:$0x7FD] =	sst s31  }
.LBB2_1:
0xe: {  	s0 =	sld [smem:$0x7FA];
	_ =	sdelay $0x1  }
0xf: {  	[smem:$0x7F8] =	sst s1;
	s26 =	simm.s32 $0x80;
	s2 =	simm.s32 $0x400  }
0x10: {  	[tilespmem:s8], [sflag:$0x3] =	stream.strided.gather [hbm4b:s0+s26], $0x400, s2, s26, $0x38;
	[tilespmem:$0x10400] =	vst v63  }
0x11: {  	_ =	swait.ge [sflag:s3], $0x400  }
0x12: {  	s28 =	sld [smem:$0x7F9]  }
0x13: {  	[sflag:s3] =	ssyncset.done $0x0  }
0x14: {  	s1 =	simm.s32 $0x0;
	[sflag:s3] =	ssyncadd.s32 $0xFFFFFC00  }
0x15: {  	[tilespmem:s2], [sflag:$0x1] =	stream.linear.gather [hbm4b:s28+s8], $0x4000, $0x38;
	[tilespmem:$0x10400] =	vst v63  }
0x16: {  	v2 =	vld [tilespmem:s1+$0x0];
	_ =	sdelay $0x4  }
0x17: {  	(v2sf) =	vpush v2, $0x0  }
0x18: {  	(v2sf) =	vpush v2, $0x1;
	_ =	sdelay $0x1  }
0x19: {  	(v2sf) =	vpush v2, $0x2  }
0x1a: {  	(v2sf) =	vpush v2, $0x3  }
0x1b: {  	(v2sf) =	vpush v2, $0x4  }
0x1c: {  	(v2sf) =	vpush v2, $0x5  }
0x1d: {  	(v2sf) =	vpush v2, $0x6  }
0x1e: {  	(v2sf) =	vpush v2, $0x7  }
0x1f: {  	(v2sf) =	vpush v2, $0x8  }
0x20: {  	(v2sf) =	vpush v2, $0x9  }
0x21: {  	s0 =	simm.s32 $0x10;
	(v2sf) =	vpush v2, $0xA  }
0x22: {  	v1 =	vld [tilespmem:s0+$0x0];
	(v2sf) =	vpush v2, $0xB  }
0x23: {  	(v2sf) =	vpush v2, $0xC  }
0x24: {  	(v2sf) =	vpush v2, $0xD  }
0x25: {  	(v2sf) =	vpush v2, $0xE;
	s29 =	spop (v2sf)  }
0x26: {  	(v2sf) =	vpush v2, $0xF;
	[smem:s1] =	sst s29;
	s30 =	spop (v2sf)  }
0x27: {  	(v2sf) =	vpush v1, $0x0;
	[smem:$0x1] =	sst s30  }
0x28: {  	s2 =	spop (v2sf)  }
0x29: {  	(v2sf) =	vpush v1, $0x1;
	[smem:$0x2] =	sst s2  }
0x2a: {  	s2 =	spop (v2sf)  }
0x2b: {  	(v2sf) =	vpush v1, $0x2;
	[smem:$0x3] =	sst s2  }
0x2c: {  	s2 =	spop (v2sf)  }
0x2d: {  	(v2sf) =	vpush v1, $0x3;
	[smem:$0x4] =	sst s2  }
0x2e: {  	s2 =	spop (v2sf)  }
0x2f: {  	(v2sf) =	vpush v1, $0x4;
	[smem:$0x5] =	sst s2  }
0x30: {  	s2 =	spop (v2sf)  }
0x31: {  	(v2sf) =	vpush v1, $0x5;
	[smem:$0x6] =	sst s2  }
0x32: {  	s2 =	spop (v2sf)  }
0x33: {  	(v2sf) =	vpush v1, $0x6;
	[smem:$0x7] =	sst s2  }
0x34: {  	s2 =	spop (v2sf)  }
0x35: {  	(v2sf) =	vpush v1, $0x7;
	[smem:$0x8] =	sst s2  }
0x36: {  	s2 =	spop (v2sf)  }
0x37: {  	(v2sf) =	vpush v1, $0x8;
	[smem:$0x9] =	sst s2  }
0x38: {  	s2 =	spop (v2sf)  }
0x39: {  	(v2sf) =	vpush v1, $0x9;
	[smem:$0xA] =	sst s2  }
0x3a: {  	s2 =	spop (v2sf)  }
0x3b: {  	(v2sf) =	vpush v1, $0xA;
	[smem:$0xB] =	sst s2  }
0x3c: {  	s31 =	spop (v2sf)  }
0x3d: {  	(v2sf) =	vpush v1, $0xB;
	[smem:$0xC] =	sst s31  }
0x3e: {  	s2 =	simm.s32 $0x20;
	s3 =	spop (v2sf)  }
0x3f: {  	v2 =	vld [tilespmem:s2+$0x0];
	(v2sf) =	vpush v1, $0xC;
	[smem:$0xD] =	sst s3  }
0x40: {  	s3 =	spop (v2sf)  }
0x41: {  	(v2sf) =	vpush v1, $0xD;
	[smem:$0xE] =	sst s3  }
0x42: {  	s3 =	simm.s32 $0xC0;
	s4 =	spop (v2sf)  }
.LBB2_2:
0x43: {  	p0 =	sne.s32 s3, $0xFC0;
	[smem:s1+$0xF] =	sst s4;
	s4 =	smov.u32 s3  }
0x44: {  	(v2sf) =	vpush v1, $0xE;
	s3 =	sadd.s32 $0x40, s3;
	s1 =	smov.u32 s0;
	s0 =	smov.u32 s2  }
0x45: {  	s2 =	spop (v2sf);
	(v2sf) =	vpush v1, $0xF  }
0x46: {  	[smem:s1] =	sst s2;
	s2 =	spop (v2sf)  }
0x47: {  	(v2sf) =	vpush v2, $0x0;
	[smem:s1+$0x1] =	sst s2;
	s2 =	spop (v2sf);
	v1 =	vmov v2  }
0x48: {  	(v2sf) =	vpush v1, $0x1;
	[smem:s1+$0x2] =	sst s2;
	s2 =	spop (v2sf)  }
0x49: {  	(v2sf) =	vpush v1, $0x2;
	[smem:s1+$0x3] =	sst s2;
	s2 =	spop (v2sf)  }
0x4a: {  	(v2sf) =	vpush v1, $0x3;
	[smem:s1+$0x4] =	sst s2;
	s2 =	spop (v2sf)  }
0x4b: {  	(v2sf) =	vpush v1, $0x4;
	[smem:s1+$0x5] =	sst s2;
	s2 =	spop (v2sf)  }
0x4c: {  	(v2sf) =	vpush v1, $0x5;
	[smem:s1+$0x6] =	sst s2;
	s2 =	spop (v2sf)  }
0x4d: {  	(v2sf) =	vpush v1, $0x6;
	[smem:s1+$0x7] =	sst s2;
	s2 =	spop (v2sf)  }
0x4e: {  	(v2sf) =	vpush v1, $0x7;
	[smem:s1+$0x8] =	sst s2;
	s2 =	spop (v2sf)  }
0x4f: {  	(v2sf) =	vpush v1, $0x8;
	[smem:s1+$0x9] =	sst s2;
	s2 =	spop (v2sf)  }
0x50: {  	[smem:s1+$0xA] =	sst s2  }
.Ltmp0:
0x51: {  	(v2sf) =	vpush v1, $0x9;
	s2 =	spop (v2sf);
	(pc) =	sbr.rel @p0 .LBB2_2-.Ltmp0, $4  }
0x52: {  	(v2sf) =	vpush v1, $0xA;
	[smem:s1+$0xB] =	sst s2;
	s5 =	spop (v2sf)  }
0x53: {  	s2 =	sshra.s32 s4, $0x2;
	(v2sf) =	vpush v1, $0xB;
	[smem:s1+$0xC] =	sst s5;
	s4 =	spop (v2sf)  }
0x54: {  	v2 =	vld [tilespmem:s2+$0x0];
	(v2sf) =	vpush v1, $0xC;
	[smem:s1+$0xD] =	sst s4;
	s4 =	spop (v2sf)  }
0x55: {  	(v2sf) =	vpush v1, $0xD;
	[smem:s1+$0xE] =	sst s4;
	s4 =	spop (v2sf)  }
0x56: {  	_ = 	snop  }
0x57: {  	(v2sf) =	vpush v1, $0xE  }
0x58: {  	[smem:s1+$0xF] =	sst s4;
	s28 =	spop (v2sf);
	(v2sf) =	vpush v1, $0xF  }
0x59: {  	[smem:s0] =	sst s28;
	s29 =	spop (v2sf);
	(v2sf) =	vpush v2, $0x0  }
0x5a: {  	[smem:s0+$0x1] =	sst s29;
	s30 =	spop (v2sf);
	(v2sf) =	vpush v2, $0x1  }
0x5b: {  	[smem:s0+$0x2] =	sst s30;
	s31 =	spop (v2sf);
	(v2sf) =	vpush v2, $0x2  }
0x5c: {  	[smem:s0+$0x3] =	sst s31;
	s3 =	spop (v2sf);
	(v2sf) =	vpush v2, $0x3  }
0x5d: {  	[smem:s0+$0x4] =	sst s3;
	s4 =	spop (v2sf);
	(v2sf) =	vpush v2, $0x4  }
0x5e: {  	[smem:s0+$0x5] =	sst s4;
	s5 =	spop (v2sf);
	(v2sf) =	vpush v2, $0x5  }
0x5f: {  	[smem:s0+$0x6] =	sst s5;
	s6 =	spop (v2sf);
	(v2sf) =	vpush v2, $0x6  }
0x60: {  	[smem:s0+$0x7] =	sst s6;
	s7 =	spop (v2sf);
	(v2sf) =	vpush v2, $0x7  }
0x61: {  	[smem:s0+$0x8] =	sst s7;
	s8 =	spop (v2sf);
	(v2sf) =	vpush v2, $0x8  }
0x62: {  	[smem:s0+$0x9] =	sst s8;
	s9 =	spop (v2sf);
	(v2sf) =	vpush v2, $0x9  }
0x63: {  	[smem:s0+$0xA] =	sst s9;
	s10 =	spop (v2sf);
	(v2sf) =	vpush v2, $0xA  }
0x64: {  	[smem:s0+$0xB] =	sst s10;
	s11 =	spop (v2sf);
	(v2sf) =	vpush v2, $0xB  }
0x65: {  	[smem:s0+$0xC] =	sst s11;
	s12 =	spop (v2sf)  }
0x66: {  	(v2sf) =	vpush v2, $0xC;
	[smem:s0+$0xD] =	sst s12;
	s13 =	spop (v2sf)  }
0x67: {  	(v2sf) =	vpush v2, $0xD;
	[smem:s0+$0xE] =	sst s13;
	s14 =	spop (v2sf)  }
0x68: {  	(v2sf) =	vpush v2, $0xE;
	[smem:s0+$0xF] =	sst s14;
	s15 =	spop (v2sf)  }
0x69: {  	(v2sf) =	vpush v2, $0xF;
	[smem:s2] =	sst s15;
	s16 =	spop (v2sf)  }
0x6a: {  	[smem:s2+$0x1] =	sst s16;
	s17 =	spop (v2sf)  }
0x6b: {  	[smem:s2+$0x2] =	sst s17;
	s18 =	spop (v2sf)  }
0x6c: {  	[smem:s2+$0x3] =	sst s18;
	s19 =	spop (v2sf)  }
0x6d: {  	[smem:s2+$0x4] =	sst s19;
	s20 =	spop (v2sf)  }
0x6e: {  	[smem:s2+$0x5] =	sst s20;
	s21 =	spop (v2sf)  }
0x6f: {  	[smem:s2+$0x6] =	sst s21;
	s22 =	spop (v2sf)  }
0x70: {  	[smem:s2+$0x7] =	sst s22;
	s23 =	spop (v2sf)  }
0x71: {  	[smem:s2+$0x8] =	sst s23;
	s24 =	spop (v2sf)  }
0x72: {  	[smem:s2+$0x9] =	sst s24;
	s25 =	spop (v2sf)  }
0x73: {  	[smem:s2+$0xA] =	sst s25;
	s26 =	spop (v2sf)  }
0x74: {  	p0 =	por $0x1, $0x1;
	[smem:s2+$0xB] =	sst s26  }
.Ltmp1:
0x75: {  	s28 =	spop (v2sf);
	(pc) =	sbr.rel @!p0 .LBB2_5-.Ltmp1, $4  }
0x76: {  	[smem:s2+$0xC] =	sst s28;
	s29 =	spop (v2sf)  }
0x77: {  	[smem:s2+$0xD] =	sst s29;
	s30 =	spop (v2sf)  }
0x78: {  	s1 =	simm.s32 $0x800;
	[smem:s2+$0xE] =	sst s30;
	s31 =	spop (v2sf)  }
0x79: {  	s3 =	simm.s32 $0x0;
	s0 =	simm.s32 $0x0;
	[smem:s2+$0xF] =	sst s31  }
.LBB2_4:
0x7a: {  	p0 =	sne.s32 s1, $0x1F800;
	[tilespmem:s0+$0x85F0] =	vst v0  }
0x7b: {  	[tilespmem:s0+$0x8400] =	vst v0  }
0x7c: {  	[tilespmem:s0+$0x8410] =	vst v0  }
0x7d: {  	[tilespmem:s0+$0x8420] =	vst v0  }
0x7e: {  	[tilespmem:s0+$0x8430] =	vst v0  }
0x7f: {  	[tilespmem:s0+$0x8440] =	vst v0  }
0x80: {  	[tilespmem:s0+$0x8450] =	vst v0  }
0x81: {  	[tilespmem:s0+$0x8460] =	vst v0  }
0x82: {  	[tilespmem:s0+$0x8470] =	vst v0  }
0x83: {  	[tilespmem:s0+$0x8480] =	vst v0  }
0x84: {  	[tilespmem:s0+$0x8490] =	vst v0  }
0x85: {  	[tilespmem:s0+$0x84A0] =	vst v0  }
0x86: {  	[tilespmem:s0+$0x84B0] =	vst v0  }
0x87: {  	[tilespmem:s0+$0x84C0] =	vst v0  }
0x88: {  	[tilespmem:s0+$0x84D0] =	vst v0  }
0x89: {  	[tilespmem:s0+$0x84E0] =	vst v0  }
0x8a: {  	[tilespmem:s0+$0x84F0] =	vst v0  }
0x8b: {  	[tilespmem:s0+$0x8500] =	vst v0  }
0x8c: {  	[tilespmem:s0+$0x8510] =	vst v0  }
0x8d: {  	[tilespmem:s0+$0x8520] =	vst v0  }
0x8e: {  	[tilespmem:s0+$0x8530] =	vst v0  }
0x8f: {  	[tilespmem:s0+$0x8540] =	vst v0  }
0x90: {  	[tilespmem:s0+$0x8550] =	vst v0  }
0x91: {  	[tilespmem:s0+$0x8560] =	vst v0  }
0x92: {  	[tilespmem:s0+$0x8570] =	vst v0  }
0x93: {  	[tilespmem:s0+$0x8580] =	vst v0  }
0x94: {  	[tilespmem:s0+$0x8590] =	vst v0  }
.Ltmp2:
0x95: {  	[tilespmem:s0+$0x85A0] =	vst v0;
	(pc) =	sbr.rel @p0 .LBB2_4-.Ltmp2, $4  }
0x96: {  	[tilespmem:s0+$0x85B0] =	vst v0  }
0x97: {  	[tilespmem:s0+$0x85C0] =	vst v0  }
0x98: {  	[tilespmem:s0+$0x85D0] =	vst v0  }
0x99: {  	[tilespmem:s0+$0x85E0] =	vst v0;
	s0 =	sshra.s32 s1, $0x2;
	s1 =	sadd.s32 $0x800, s1  }
.LBB2_5:
0x9a: {  	[tilespmem:s0+$0x85F0] =	vst v0  }
0x9b: {  	[tilespmem:s0+$0x8400] =	vst v0  }
0x9c: {  	[tilespmem:s0+$0x8410] =	vst v0  }
0x9d: {  	[tilespmem:s0+$0x8420] =	vst v0  }
0x9e: {  	[tilespmem:s0+$0x8430] =	vst v0  }
0x9f: {  	[tilespmem:s0+$0x8440] =	vst v0  }
0xa0: {  	[tilespmem:s0+$0x8450] =	vst v0  }
0xa1: {  	[tilespmem:s0+$0x8460] =	vst v0  }
0xa2: {  	[tilespmem:s0+$0x8470] =	vst v0  }
0xa3: {  	[tilespmem:s0+$0x8480] =	vst v0  }
0xa4: {  	[tilespmem:s0+$0x8490] =	vst v0  }
0xa5: {  	[tilespmem:s0+$0x84A0] =	vst v0  }
0xa6: {  	[tilespmem:s0+$0x84B0] =	vst v0  }
0xa7: {  	[tilespmem:s0+$0x84C0] =	vst v0  }
0xa8: {  	[tilespmem:s0+$0x84D0] =	vst v0  }
0xa9: {  	[tilespmem:s0+$0x84E0] =	vst v0  }
0xaa: {  	[tilespmem:s0+$0x84F0] =	vst v0  }
0xab: {  	[tilespmem:s0+$0x8500] =	vst v0  }
0xac: {  	[tilespmem:s0+$0x8510] =	vst v0  }
0xad: {  	[tilespmem:s0+$0x8520] =	vst v0  }
0xae: {  	[tilespmem:s0+$0x8530] =	vst v0  }
0xaf: {  	[tilespmem:s0+$0x8540] =	vst v0  }
0xb0: {  	[tilespmem:s0+$0x8550] =	vst v0  }
0xb1: {  	[tilespmem:s0+$0x8560] =	vst v0  }
0xb2: {  	[tilespmem:s0+$0x8570] =	vst v0  }
0xb3: {  	[tilespmem:s0+$0x8580] =	vst v0  }
0xb4: {  	[tilespmem:s0+$0x8590] =	vst v0  }
0xb5: {  	[tilespmem:s0+$0x85A0] =	vst v0  }
0xb6: {  	[tilespmem:s0+$0x85B0] =	vst v0  }
0xb7: {  	[tilespmem:s0+$0x85C0] =	vst v0  }
0xb8: {  	[tilespmem:s0+$0x85D0] =	vst v0  }
0xb9: {  	[tilespmem:s0+$0x85E0] =	vst v0;
	s31 =	simm.s32 $0x43  }
0xba: {  	s10 =	simm.s32 $0x2;
	[smem:$0x7F7] =	sst s31  }
.LBB2_6:
0xbb: {  	s1 =	sld [smem:$0x7F9];
	_ =	sdelay $0x1  }
0xbc: {  	s0 =	sshll.u32 s3, $0xC  }
0xbd: {  	[smem:$0x7F5] =	sst s3;
	s2 =	simm.s32 $0x4400;
	s0 =	sadd.s32 s0, s1  }
0xbe: {  	s18 =	simm.s32 $0x1;
	s1 =	sadd.s32 $0x800, s0;
	s0 =	simm.s32 $0x0  }
0xbf: {  	[tilespmem:s2], [sflag:$0x2] =	stream.linear.gather [hbm4b:s1+s0], $0x4000, $0x38;
	[tilespmem:$0x10400] =	vst v63  }
0xc0: {  	s19 =	simm.s32 $0x180;
	s20 =	sand.u32 $0x3800, s0;
	_ =	swait.ge [sflag:s18], $0x4000  }
0xc1: {  	s1 =	sand.u32 $0x380, s19;
	s4 =	sor.u32 $0x400, s20;
	[sflag:s18] =	ssyncset.done $0x0  }
0xc2: {  	s5 =	sor.u32 s1, s4;
	[sflag:s18] =	ssyncadd.s32 $0xFFFFC000  }
0xc3: {  	v1 =	vld [tilespmem:s5+$0x0]  }
0xc4: {  	s21 =	sld [smem:s10+$0x1];
	_ =	sdelay $0x2  }
0xc5: {  	s6 =	sld [smem:s10+$0xFFFFFFFE];
	s1 =	sshll.u32 s21, $0xB  }
0xc6: {  	s7 =	sld [smem:s10+$0xFFFFFFFF];
	s3 =	sshra.s32 s1, $0x2;
	v2 =	vshll.u32 v1, $0x10  }
0xc7: {  	s8 =	sld [smem:s10+$0x0];
	v1 =	vand.u32 $0xFFFF0000, v1;
	[tilespmem:s3+$0x8400] =	vst.add.f32.msk $0xffff, v2  }
0xc8: {  	[tilespmem:s3+$0x8410] =	vst.add.f32.msk $0xffff, v1  }
0xc9: {  	v1 =	vld [tilespmem:s5+$0x10]  }
0xca: {  	s22 =	simm.s32 $0x0  }
0xcb: {  	s23 =	simm.s32 $0x80;
	s1 =	sand.u32 $0x200, s22  }
0xcc: {  	s2 =	sand.u32 $0x280, s23;
	s1 =	sor.u32 s1, s4  }
0xcd: {  	s2 =	sor.u32 s2, s4;
	v2 =	vld [tilespmem:s1+$0x0]  }
0xce: {  	v3 =	vld [tilespmem:s2+$0x0];
	v4 =	vshll.u32 v1, $0x10  }
0xcf: {  	v1 =	vand.u32 $0xFFFF0000, v1;
	[tilespmem:s3+$0x8420] =	vst.add.f32.msk $0xffff, v4  }
0xd0: {  	[tilespmem:s3+$0x8430] =	vst.add.f32.msk $0xffff, v1  }
0xd1: {  	s6 =	sshll.u32 s6, $0xB;
	v1 =	vld [tilespmem:s5+$0x20]  }
0xd2: {  	s9 =	simm.s32 $0x100;
	s30 =	sshra.s32 s6, $0x2;
	v5 =	vshll.u32 v2, $0x10  }
0xd3: {  	s9 =	sand.u32 $0x300, s9;
	v2 =	vand.u32 $0xFFFF0000, v2;
	[tilespmem:s30+$0x8400] =	vst.add.f32.msk $0xffff, v5  }
0xd4: {  	s24 =	sshll.u32 s7, $0xB;
	s4 =	sor.u32 s9, s4;
	[tilespmem:s30+$0x8410] =	vst.add.f32.msk $0xffff, v2  }
0xd5: {  	s29 =	sshra.s32 s24, $0x2;
	v5 =	vshll.u32 v3, $0x10;
	v4 =	vld [tilespmem:s4+$0x0]  }
0xd6: {  	[tilespmem:s29+$0x8400] =	vst.add.f32.msk $0xffff, v5;
	v2 =	vshll.u32 v1, $0x10  }
0xd7: {  	v1 =	vand.u32 $0xFFFF0000, v1;
	[tilespmem:s3+$0x8440] =	vst.add.f32.msk $0xffff, v2  }
0xd8: {  	[tilespmem:s3+$0x8450] =	vst.add.f32.msk $0xffff, v1  }
0xd9: {  	s25 =	sshll.u32 s8, $0xB;
	v1 =	vand.u32 $0xFFFF0000, v3;
	v2 =	vld [tilespmem:s5+$0x30]  }
0xda: {  	s19 =	sshra.s32 s25, $0x2;
	v3 =	vshll.u32 v4, $0x10;
	[tilespmem:s29+$0x8410] =	vst.add.f32.msk $0xffff, v1  }
0xdb: {  	v1 =	vand.u32 $0xFFFF0000, v4;
	[tilespmem:s19+$0x8400] =	vst.add.f32.msk $0xffff, v3  }
0xdc: {  	[tilespmem:s19+$0x8410] =	vst.add.f32.msk $0xffff, v1  }
0xdd: {  	v1 =	vld [tilespmem:s1+$0x10]  }
0xde: {  	v3 =	vld [tilespmem:s2+$0x10];
	v4 =	vshll.u32 v2, $0x10  }
0xdf: {  	v2 =	vand.u32 $0xFFFF0000, v2;
	[tilespmem:s3+$0x8460] =	vst.add.f32.msk $0xffff, v4  }
0xe0: {  	[tilespmem:s3+$0x8470] =	vst.add.f32.msk $0xffff, v2  }
0xe1: {  	v2 =	vld [tilespmem:s5+$0x40]  }
0xe2: {  	v4 =	vld [tilespmem:s4+$0x10];
	v5 =	vshll.u32 v1, $0x10  }
0xe3: {  	v1 =	vand.u32 $0xFFFF0000, v1;
	[tilespmem:s30+$0x8420] =	vst.add.f32.msk $0xffff, v5  }
0xe4: {  	v5 =	vshll.u32 v3, $0x10;
	[tilespmem:s30+$0x8430] =	vst.add.f32.msk $0xffff, v1  }
0xe5: {  	v1 =	vand.u32 $0xFFFF0000, v3;
	[tilespmem:s29+$0x8420] =	vst.add.f32.msk $0xffff, v5  }
0xe6: {  	[tilespmem:s29+$0x8430] =	vst.add.f32.msk $0xffff, v1;
	v1 =	vshll.u32 v2, $0x10  }
0xe7: {  	v2 =	vand.u32 $0xFFFF0000, v2;
	[tilespmem:s3+$0x8480] =	vst.add.f32.msk $0xffff, v1  }
0xe8: {  	[tilespmem:s3+$0x8490] =	vst.add.f32.msk $0xffff, v2  }
0xe9: {  	v3 =	vand.u32 $0xFFFF0000, v4;
	v2 =	vld [tilespmem:s5+$0x50]  }
0xea: {  	[tilespmem:s19+$0x8430] =	vst.add.f32.msk $0xffff, v3;
	v1 =	vshll.u32 v4, $0x10  }
0xeb: {  	[tilespmem:s19+$0x8420] =	vst.add.f32.msk $0xffff, v1  }
0xec: {  	v1 =	vld [tilespmem:s1+$0x20]  }
0xed: {  	v3 =	vld [tilespmem:s2+$0x20]  }
0xee: {  	v4 =	vld [tilespmem:s4+$0x20];
	v5 =	vshll.u32 v2, $0x10  }
0xef: {  	v2 =	vand.u32 $0xFFFF0000, v2;
	[tilespmem:s3+$0x84A0] =	vst.add.f32.msk $0xffff, v5  }
0xf0: {  	[tilespmem:s3+$0x84B0] =	vst.add.f32.msk $0xffff, v2  }
0xf1: {  	v2 =	vshll.u32 v1, $0x10;
	v5 =	vld [tilespmem:s5+$0x60]  }
0xf2: {  	v1 =	vand.u32 $0xFFFF0000, v1;
	[tilespmem:s30+$0x8440] =	vst.add.f32.msk $0xffff, v2  }
0xf3: {  	v2 =	vshll.u32 v3, $0x10;
	[tilespmem:s30+$0x8450] =	vst.add.f32.msk $0xffff, v1  }
0xf4: {  	v1 =	vand.u32 $0xFFFF0000, v3;
	[tilespmem:s29+$0x8440] =	vst.add.f32.msk $0xffff, v2  }
0xf5: {  	[tilespmem:s29+$0x8450] =	vst.add.f32.msk $0xffff, v1  }
0xf6: {  	v1 =	vld [tilespmem:s1+$0x30];
	v2 =	vshll.u32 v5, $0x10  }
0xf7: {  	v3 =	vand.u32 $0xFFFF0000, v5;
	[tilespmem:s3+$0x84C0] =	vst.add.f32.msk $0xffff, v2  }
0xf8: {  	[tilespmem:s3+$0x84D0] =	vst.add.f32.msk $0xffff, v3  }
0xf9: {  	v2 =	vshll.u32 v4, $0x10;
	v3 =	vld [tilespmem:s5+$0x70]  }
0xfa: {  	v4 =	vand.u32 $0xFFFF0000, v4;
	[tilespmem:s19+$0x8440] =	vst.add.f32.msk $0xffff, v2  }
0xfb: {  	[tilespmem:s19+$0x8450] =	vst.add.f32.msk $0xffff, v4  }
0xfc: {  	s26 =	sand.u32 $0x7, s0;
	v5 =	vshll.u32 v1, $0x10;
	v2 =	vld [tilespmem:s2+$0x30]  }
0xfd: {  	s5 =	sshll.u32 s26, $0x7;
	[tilespmem:s30+$0x8460] =	vst.add.f32.msk $0xffff, v5  }
0xfe: {  	v4 =	vld [tilespmem:s4+$0x30];
	s5 =	sadd.s32 $0x0, s5;
	v5 =	vshll.u32 v3, $0x10  }
0xff: {  	s31 =	sadd.s32 $0x180, s5;
	v3 =	vand.u32 $0xFFFF0000, v3;
	[tilespmem:s3+$0x84E0] =	vst.add.f32.msk $0xffff, v5  }
0x100: {  	s8 =	sor.u32 $0x400, s31;
	[tilespmem:s3+$0x84F0] =	vst.add.f32.msk $0xffff, v3  }
0x101: {  	v1 =	vand.u32 $0xFFFF0000, v1;
	v3 =	vld [tilespmem:s8+$0x400]  }
0x102: {  	[tilespmem:s30+$0x8470] =	vst.add.f32.msk $0xffff, v1;
	v1 =	vand.u32 $0xFFFF0000, v2  }
0x103: {  	[tilespmem:s29+$0x8470] =	vst.add.f32.msk $0xffff, v1  }
0x104: {  	v5 =	vshll.u32 v2, $0x10;
	v1 =	vld [tilespmem:s1+$0x40]  }
0x105: {  	v2 =	vshll.u32 v4, $0x10;
	[tilespmem:s29+$0x8460] =	vst.add.f32.msk $0xffff, v5  }
0x106: {  	[tilespmem:s19+$0x8460] =	vst.add.f32.msk $0xffff, v2;
	v2 =	vshll.u32 v3, $0x10  }
0x107: {  	v3 =	vand.u32 $0xFFFF0000, v3;
	[tilespmem:s3+$0x8500] =	vst.add.f32.msk $0xffff, v2  }
0x108: {  	s9 =	sor.u32 $0x410, s31;
	[tilespmem:s3+$0x8510] =	vst.add.f32.msk $0xffff, v3  }
0x109: {  	v5 =	vshll.u32 v1, $0x10;
	v3 =	vld [tilespmem:s9+$0x400]  }
0x10a: {  	[tilespmem:s30+$0x8480] =	vst.add.f32.msk $0xffff, v5;
	v2 =	vand.u32 $0xFFFF0000, v4  }
0x10b: {  	[tilespmem:s19+$0x8470] =	vst.add.f32.msk $0xffff, v2  }
0x10c: {  	v1 =	vand.u32 $0xFFFF0000, v1;
	v2 =	vld [tilespmem:s2+$0x40]  }
0x10d: {  	[tilespmem:s30+$0x8490] =	vst.add.f32.msk $0xffff, v1  }
0x10e: {  	v4 =	vld [tilespmem:s4+$0x40];
	v1 =	vshll.u32 v3, $0x10  }
0x10f: {  	v3 =	vand.u32 $0xFFFF0000, v3;
	[tilespmem:s3+$0x8520] =	vst.add.f32.msk $0xffff, v1  }
0x110: {  	s11 =	sor.u32 $0x420, s31;
	[tilespmem:s3+$0x8530] =	vst.add.f32.msk $0xffff, v3  }
0x111: {  	v1 =	vshll.u32 v2, $0x10;
	v3 =	vld [tilespmem:s11+$0x400]  }
0x112: {  	v2 =	vand.u32 $0xFFFF0000, v2;
	[tilespmem:s29+$0x8480] =	vst.add.f32.msk $0xffff, v1  }
0x113: {  	v1 =	vshll.u32 v4, $0x10;
	[tilespmem:s29+$0x8490] =	vst.add.f32.msk $0xffff, v2  }
0x114: {  	[tilespmem:s19+$0x8480] =	vst.add.f32.msk $0xffff, v1  }
0x115: {  	v1 =	vld [tilespmem:s1+$0x50]  }
0x116: {  	v2 =	vld [tilespmem:s2+$0x50];
	v5 =	vshll.u32 v3, $0x10  }
0x117: {  	v3 =	vand.u32 $0xFFFF0000, v3;
	[tilespmem:s3+$0x8540] =	vst.add.f32.msk $0xffff, v5  }
0x118: {  	s12 =	sor.u32 $0x430, s31;
	[tilespmem:s3+$0x8550] =	vst.add.f32.msk $0xffff, v3  }
0x119: {  	v3 =	vand.u32 $0xFFFF0000, v4;
	v4 =	vld [tilespmem:s12+$0x400]  }
0x11a: {  	v5 =	vshll.u32 v1, $0x10;
	[tilespmem:s19+$0x8490] =	vst.add.f32.msk $0xffff, v3  }
0x11b: {  	v1 =	vand.u32 $0xFFFF0000, v1;
	[tilespmem:s30+$0x84A0] =	vst.add.f32.msk $0xffff, v5  }
0x11c: {  	[tilespmem:s30+$0x84B0] =	vst.add.f32.msk $0xffff, v1  }
0x11d: {  	v5 =	vshll.u32 v2, $0x10;
	v3 =	vld [tilespmem:s4+$0x50]  }
0x11e: {  	[tilespmem:s29+$0x84A0] =	vst.add.f32.msk $0xffff, v5;
	v1 =	vshll.u32 v4, $0x10  }
0x11f: {  	v4 =	vand.u32 $0xFFFF0000, v4;
	[tilespmem:s3+$0x8560] =	vst.add.f32.msk $0xffff, v1  }
0x120: {  	s13 =	sor.u32 $0x440, s31;
	[tilespmem:s3+$0x8570] =	vst.add.f32.msk $0xffff, v4  }
0x121: {  	v1 =	vand.u32 $0xFFFF0000, v2;
	v2 =	vld [tilespmem:s13+$0x400]  }
0x122: {  	v4 =	vshll.u32 v3, $0x10;
	[tilespmem:s29+$0x84B0] =	vst.add.f32.msk $0xffff, v1  }
0x123: {  	v1 =	vand.u32 $0xFFFF0000, v3;
	[tilespmem:s19+$0x84A0] =	vst.add.f32.msk $0xffff, v4  }
0x124: {  	[tilespmem:s19+$0x84B0] =	vst.add.f32.msk $0xffff, v1  }
0x125: {  	v1 =	vld [tilespmem:s1+$0x60]  }
0x126: {  	v3 =	vld [tilespmem:s2+$0x60];
	v4 =	vshll.u32 v2, $0x10  }
0x127: {  	v2 =	vand.u32 $0xFFFF0000, v2;
	[tilespmem:s3+$0x8580] =	vst.add.f32.msk $0xffff, v4  }
0x128: {  	s14 =	sor.u32 $0x450, s31;
	[tilespmem:s3+$0x8590] =	vst.add.f32.msk $0xffff, v2  }
0x129: {  	v2 =	vld [tilespmem:s14+$0x400]  }
0x12a: {  	v4 =	vld [tilespmem:s4+$0x60];
	v5 =	vshll.u32 v1, $0x10  }
0x12b: {  	v1 =	vand.u32 $0xFFFF0000, v1;
	[tilespmem:s30+$0x84C0] =	vst.add.f32.msk $0xffff, v5  }
0x12c: {  	v5 =	vshll.u32 v3, $0x10;
	[tilespmem:s30+$0x84D0] =	vst.add.f32.msk $0xffff, v1  }
0x12d: {  	v1 =	vand.u32 $0xFFFF0000, v3;
	[tilespmem:s29+$0x84C0] =	vst.add.f32.msk $0xffff, v5  }
0x12e: {  	[tilespmem:s29+$0x84D0] =	vst.add.f32.msk $0xffff, v1;
	v1 =	vshll.u32 v2, $0x10  }
0x12f: {  	v2 =	vand.u32 $0xFFFF0000, v2;
	[tilespmem:s3+$0x85A0] =	vst.add.f32.msk $0xffff, v1  }
0x130: {  	s15 =	sor.u32 $0x460, s31;
	[tilespmem:s3+$0x85B0] =	vst.add.f32.msk $0xffff, v2  }
0x131: {  	v3 =	vand.u32 $0xFFFF0000, v4;
	v2 =	vld [tilespmem:s15+$0x400]  }
0x132: {  	[tilespmem:s19+$0x84D0] =	vst.add.f32.msk $0xffff, v3;
	v1 =	vshll.u32 v4, $0x10  }
0x133: {  	[tilespmem:s19+$0x84C0] =	vst.add.f32.msk $0xffff, v1  }
0x134: {  	v1 =	vld [tilespmem:s1+$0x70]  }
0x135: {  	v3 =	vld [tilespmem:s2+$0x70]  }
0x136: {  	v4 =	vld [tilespmem:s4+$0x70];
	v5 =	vshll.u32 v2, $0x10  }
0x137: {  	v2 =	vand.u32 $0xFFFF0000, v2;
	[tilespmem:s3+$0x85C0] =	vst.add.f32.msk $0xffff, v5  }
0x138: {  	p0 =	por $0x0, $0x0;
	s16 =	sor.u32 $0x470, s31;
	s1 =	simm.s32 $0x1;
	[tilespmem:s3+$0x85D0] =	vst.add.f32.msk $0xffff, v2  }
0x139: {  	s1 =	simm.s32 @!p0 $0x0;
	v2 =	vshll.u32 v1, $0x10;
	v5 =	vld [tilespmem:s16+$0x400]  }
0x13a: {  	s1 =	sshll.u32 s1, $0x9;
	v1 =	vand.u32 $0xFFFF0000, v1;
	[tilespmem:s30+$0x84E0] =	vst.add.f32.msk $0xffff, v2  }
0x13b: {  	s1 =	sadd.s32 $0x0, s1;
	v2 =	vshll.u32 v3, $0x10;
	[tilespmem:s30+$0x84F0] =	vst.add.f32.msk $0xffff, v1  }
0x13c: {  	s17 =	sor.u32 $0x400, s1;
	[tilespmem:s29+$0x84E0] =	vst.add.f32.msk $0xffff, v2  }
0x13d: {  	s0 =	sand.u32 $0x3, s0;
	s2 =	sadd.s32 $0x80, s5;
	v1 =	vand.u32 $0xFFFF0000, v3;
	v2 =	vld [tilespmem:s17+$0x400]  }
0x13e: {  	s0 =	sshll.u32 s0, $0x8;
	s18 =	sor.u32 $0x400, s2;
	[tilespmem:s29+$0x84F0] =	vst.add.f32.msk $0xffff, v1  }
0x13f: {  	s0 =	sadd.s32 $0x0, s0;
	v1 =	vshll.u32 v4, $0x10;
	v3 =	vld [tilespmem:s18+$0x400]  }
0x140: {  	s0 =	sadd.s32 $0x100, s0;
	v4 =	vand.u32 $0xFFFF0000, v4;
	[tilespmem:s19+$0x84E0] =	vst.add.f32.msk $0xffff, v1  }
0x141: {  	s20 =	sor.u32 $0x400, s0;
	[tilespmem:s19+$0x84F0] =	vst.add.f32.msk $0xffff, v4  }
0x142: {  	v1 =	vld [tilespmem:s20+$0x400];
	v4 =	vshll.u32 v2, $0x10  }
0x143: {  	v2 =	vand.u32 $0xFFFF0000, v2;
	[tilespmem:s30+$0x8500] =	vst.add.f32.msk $0xffff, v4  }
0x144: {  	v4 =	vshll.u32 v3, $0x10;
	[tilespmem:s30+$0x8510] =	vst.add.f32.msk $0xffff, v2  }
0x145: {  	s21 =	sor.u32 $0x410, s1;
	[tilespmem:s29+$0x8500] =	vst.add.f32.msk $0xffff, v4  }
0x146: {  	v2 =	vand.u32 $0xFFFF0000, v3;
	v3 =	vld [tilespmem:s21+$0x400]  }
0x147: {  	s22 =	sor.u32 $0x410, s2;
	[tilespmem:s29+$0x8510] =	vst.add.f32.msk $0xffff, v2  }
0x148: {  	v2 =	vshll.u32 v1, $0x10;
	v4 =	vld [tilespmem:s22+$0x400]  }
0x149: {  	v1 =	vand.u32 $0xFFFF0000, v1;
	[tilespmem:s19+$0x8500] =	vst.add.f32.msk $0xffff, v2  }
0x14a: {  	s23 =	sor.u32 $0x410, s0;
	[tilespmem:s19+$0x8510] =	vst.add.f32.msk $0xffff, v1  }
0x14b: {  	v1 =	vld [tilespmem:s23+$0x400];
	v2 =	vshll.u32 v3, $0x10  }
0x14c: {  	v3 =	vand.u32 $0xFFFF0000, v3;
	[tilespmem:s30+$0x8520] =	vst.add.f32.msk $0xffff, v2  }
0x14d: {  	v2 =	vshll.u32 v4, $0x10;
	[tilespmem:s30+$0x8530] =	vst.add.f32.msk $0xffff, v3  }
0x14e: {  	s24 =	sor.u32 $0x420, s1;
	[tilespmem:s29+$0x8520] =	vst.add.f32.msk $0xffff, v2  }
0x14f: {  	v2 =	vand.u32 $0xFFFF0000, v4;
	v3 =	vld [tilespmem:s24+$0x400]  }
0x150: {  	s25 =	sor.u32 $0x420, s2;
	[tilespmem:s29+$0x8530] =	vst.add.f32.msk $0xffff, v2  }
0x151: {  	v2 =	vshll.u32 v1, $0x10;
	v4 =	vld [tilespmem:s25+$0x400]  }
0x152: {  	v1 =	vand.u32 $0xFFFF0000, v1;
	[tilespmem:s19+$0x8520] =	vst.add.f32.msk $0xffff, v2  }
0x153: {  	s26 =	sor.u32 $0x420, s0;
	[tilespmem:s19+$0x8530] =	vst.add.f32.msk $0xffff, v1  }
0x154: {  	v1 =	vld [tilespmem:s26+$0x400];
	v2 =	vshll.u32 v3, $0x10  }
0x155: {  	v3 =	vand.u32 $0xFFFF0000, v3;
	[tilespmem:s30+$0x8540] =	vst.add.f32.msk $0xffff, v2  }
0x156: {  	s31 =	sor.u32 $0x430, s1;
	[tilespmem:s30+$0x8550] =	vst.add.f32.msk $0xffff, v3  }
0x157: {  	v2 =	vshll.u32 v4, $0x10;
	v3 =	vld [tilespmem:s31+$0x400]  }
0x158: {  	[tilespmem:s29+$0x8540] =	vst.add.f32.msk $0xffff, v2;
	v2 =	vand.u32 $0xFFFF0000, v4  }
0x159: {  	s5 =	sor.u32 $0x430, s2;
	[tilespmem:s29+$0x8550] =	vst.add.f32.msk $0xffff, v2  }
0x15a: {  	v2 =	vshll.u32 v1, $0x10;
	v4 =	vld [tilespmem:s5+$0x400]  }
0x15b: {  	v1 =	vand.u32 $0xFFFF0000, v1;
	[tilespmem:s19+$0x8540] =	vst.add.f32.msk $0xffff, v2  }
0x15c: {  	s6 =	sor.u32 $0x430, s0;
	[tilespmem:s19+$0x8550] =	vst.add.f32.msk $0xffff, v1  }
0x15d: {  	v1 =	vld [tilespmem:s6+$0x400];
	v2 =	vshll.u32 v3, $0x10  }
0x15e: {  	v3 =	vand.u32 $0xFFFF0000, v3;
	[tilespmem:s30+$0x8560] =	vst.add.f32.msk $0xffff, v2  }
0x15f: {  	[tilespmem:s30+$0x8570] =	vst.add.f32.msk $0xffff, v3;
	v2 =	vshll.u32 v4, $0x10  }
0x160: {  	v3 =	vand.u32 $0xFFFF0000, v4;
	[tilespmem:s29+$0x8560] =	vst.add.f32.msk $0xffff, v2  }
0x161: {  	s7 =	sor.u32 $0x440, s1;
	[tilespmem:s29+$0x8570] =	vst.add.f32.msk $0xffff, v3  }
0x162: {  	v2 =	vshll.u32 v1, $0x10;
	v3 =	vld [tilespmem:s7+$0x400]  }
0x163: {  	s8 =	sor.u32 $0x440, s2;
	[tilespmem:s19+$0x8560] =	vst.add.f32.msk $0xffff, v2  }
0x164: {  	v1 =	vand.u32 $0xFFFF0000, v1;
	v2 =	vld [tilespmem:s8+$0x400]  }
0x165: {  	s9 =	sor.u32 $0x440, s0;
	[tilespmem:s19+$0x8570] =	vst.add.f32.msk $0xffff, v1  }
0x166: {  	v1 =	vand.u32 $0xFFFF0000, v5;
	v4 =	vld [tilespmem:s9+$0x400]  }
0x167: {  	[tilespmem:s3+$0x85F0] =	vst.add.f32.msk $0xffff, v1;
	v1 =	vshll.u32 v3, $0x10  }
0x168: {  	s21 =	simm.s32 $0x400;
	v3 =	vand.u32 $0xFFFF0000, v3;
	[tilespmem:s30+$0x8580] =	vst.add.f32.msk $0xffff, v1  }
0x169: {  	s12 =	sand.u32 $0x3800, s21;
	s23 =	simm.s32 $0x380;
	v1 =	vshll.u32 v2, $0x10;
	[tilespmem:s30+$0x8590] =	vst.add.f32.msk $0xffff, v3  }
0x16a: {  	s14 =	sor.u32 $0x400, s12;
	s15 =	sand.u32 $0x380, s23;
	v2 =	vand.u32 $0xFFFF0000, v2;
	[tilespmem:s29+$0x8580] =	vst.add.f32.msk $0xffff, v1  }
0x16b: {  	s18 =	sor.u32 s15, s14;
	[tilespmem:s29+$0x8590] =	vst.add.f32.msk $0xffff, v2  }
0x16c: {  	v1 =	vshll.u32 v4, $0x10;
	v2 =	vand.u32 $0xFFFF0000, v4;
	v4 =	vshll.u32 v5, $0x10;
	v5 =	vld [tilespmem:s18+$0x0]  }
0x16d: {  	[tilespmem:s19+$0x8580] =	vst.add.f32.msk $0xffff, v1  }
0x16e: {  	s11 =	sor.u32 $0x450, s1;
	[tilespmem:s19+$0x8590] =	vst.add.f32.msk $0xffff, v2  }
0x16f: {  	s5 =	sor.u32 $0x450, s2;
	v2 =	vld [tilespmem:s11+$0x400]  }
0x170: {  	s13 =	sor.u32 $0x450, s0;
	s16 =	simm.s32 $0x200;
	v3 =	vld [tilespmem:s5+$0x400]  }
0x171: {  	s20 =	simm.s32 $0x300;
	s22 =	sand.u32 $0x200, s16;
	v1 =	vld [tilespmem:s13+$0x400];
	[smem:$0x7F6] =	sst s10  }
0x172: {  	s17 =	simm.s32 $0x280;
	s4 =	sor.u32 s22, s14;
	s9 =	sand.u32 $0x300, s20;
	[tilespmem:s3+$0x85E0] =	vst.add.f32.msk $0xffff, v4  }
0x173: {  	s24 =	sand.u32 $0x280, s17;
	s25 =	sadd.s32 $0x4, s10;
	s5 =	sor.u32 s9, s14;
	v4 =	vld [tilespmem:s4+$0x0]  }
0x174: {  	s26 =	sld [smem:s25+$0x1];
	s3 =	sor.u32 s24, s14;
	v8 =	vld [tilespmem:s5+$0x0]  }
0x175: {  	v6 =	vld [tilespmem:s3+$0x0];
	v7 =	vshll.u32 v2, $0x10  }
0x176: {  	v2 =	vand.u32 $0xFFFF0000, v2;
	[tilespmem:s30+$0x85A0] =	vst.add.f32.msk $0xffff, v7  }
0x177: {  	s31 =	sld [smem:s25+$0xFFFFFFFE];
	s8 =	sshll.u32 s26, $0xB;
	v42 =	vshll.u32 v3, $0x10;
	[tilespmem:s30+$0x85B0] =	vst.add.f32.msk $0xffff, v2  }
0x178: {  	s11 =	sld [smem:s25+$0xFFFFFFFF];
	v9 =	vshll.u32 v5, $0x10;
	s26 =	sshra.s32 s8, $0x2;
	[tilespmem:s29+$0x85A0] =	vst.add.f32.msk $0xffff, v42  }
0x179: {  	s10 =	sld [smem:s25+$0x0];
	v5 =	vand.u32 $0xFFFF0000, v5;
	[tilespmem:s26+$0x8400] =	vst.add.f32.msk $0xffff, v9  }
0x17a: {  	s7 =	sshll.u32 s31, $0xB;
	[tilespmem:s26+$0x8410] =	vst.add.f32.msk $0xffff, v5  }
0x17b: {  	s20 =	sshra.s32 s7, $0x2;
	v5 =	vshll.u32 v4, $0x10;
	v38 =	vld [tilespmem:s18+$0x10]  }
0x17c: {  	s12 =	sshll.u32 s11, $0xB;
	v4 =	vand.u32 $0xFFFF0000, v4;
	[tilespmem:s20+$0x8400] =	vst.add.f32.msk $0xffff, v5  }
0x17d: {  	s22 =	sshra.s32 s12, $0x2;
	v5 =	vshll.u32 v6, $0x10;
	[tilespmem:s20+$0x8410] =	vst.add.f32.msk $0xffff, v4  }
0x17e: {  	s13 =	sshll.u32 s10, $0xB;
	v4 =	vand.u32 $0xFFFF0000, v6;
	[tilespmem:s22+$0x8400] =	vst.add.f32.msk $0xffff, v5  }
0x17f: {  	s24 =	sshra.s32 s13, $0x2;
	v5 =	vshll.u32 v8, $0x10;
	[tilespmem:s22+$0x8410] =	vst.add.f32.msk $0xffff, v4  }
0x180: {  	[tilespmem:s24+$0x8400] =	vst.add.f32.msk $0xffff, v5;
	v4 =	vshll.u32 v38, $0x10  }
0x181: {  	v5 =	vand.u32 $0xFFFF0000, v38;
	[tilespmem:s26+$0x8420] =	vst.add.f32.msk $0xffff, v4  }
0x182: {  	[tilespmem:s26+$0x8430] =	vst.add.f32.msk $0xffff, v5  }
0x183: {  	v3 =	vand.u32 $0xFFFF0000, v3;
	v5 =	vld [tilespmem:s18+$0x20]  }
0x184: {  	[tilespmem:s29+$0x85B0] =	vst.add.f32.msk $0xffff, v3;
	v4 =	vand.u32 $0xFFFF0000, v8  }
0x185: {  	[tilespmem:s24+$0x8410] =	vst.add.f32.msk $0xffff, v4  }
0x186: {  	v4 =	vld [tilespmem:s4+$0x10]  }
0x187: {  	v39 =	vld [tilespmem:s3+$0x10]  }
0x188: {  	v40 =	vld [tilespmem:s5+$0x10];
	v41 =	vshll.u32 v5, $0x10  }
0x189: {  	v2 =	vand.u32 $0xFFFF0000, v5;
	[tilespmem:s26+$0x8440] =	vst.add.f32.msk $0xffff, v41  }
0x18a: {  	[tilespmem:s26+$0x8450] =	vst.add.f32.msk $0xffff, v2  }
0x18b: {  	v2 =	vshll.u32 v4, $0x10;
	v5 =	vld [tilespmem:s18+$0x30]  }
0x18c: {  	v4 =	vand.u32 $0xFFFF0000, v4;
	[tilespmem:s20+$0x8420] =	vst.add.f32.msk $0xffff, v2  }
0x18d: {  	v2 =	vshll.u32 v39, $0x10;
	[tilespmem:s20+$0x8430] =	vst.add.f32.msk $0xffff, v4  }
0x18e: {  	v4 =	vand.u32 $0xFFFF0000, v39;
	[tilespmem:s22+$0x8420] =	vst.add.f32.msk $0xffff, v2  }
0x18f: {  	v2 =	vshll.u32 v40, $0x10;
	[tilespmem:s22+$0x8430] =	vst.add.f32.msk $0xffff, v4  }
0x190: {  	[tilespmem:s24+$0x8420] =	vst.add.f32.msk $0xffff, v2;
	v2 =	vshll.u32 v5, $0x10  }
0x191: {  	v4 =	vand.u32 $0xFFFF0000, v5;
	[tilespmem:s26+$0x8460] =	vst.add.f32.msk $0xffff, v2  }
0x192: {  	[tilespmem:s26+$0x8470] =	vst.add.f32.msk $0xffff, v4  }
0x193: {  	s10 =	sor.u32 $0x460, s1;
	v4 =	vld [tilespmem:s18+$0x40]  }
0x194: {  	v51 =	vld [tilespmem:s10+$0x400];
	v2 =	vand.u32 $0xFFFF0000, v40  }
0x195: {  	[tilespmem:s24+$0x8430] =	vst.add.f32.msk $0xffff, v2  }
0x196: {  	v2 =	vld [tilespmem:s4+$0x20]  }
0x197: {  	v5 =	vld [tilespmem:s3+$0x20]  }
0x198: {  	v43 =	vld [tilespmem:s5+$0x20];
	v44 =	vshll.u32 v4, $0x10  }
0x199: {  	v4 =	vand.u32 $0xFFFF0000, v4;
	[tilespmem:s26+$0x8480] =	vst.add.f32.msk $0xffff, v44  }
0x19a: {  	[tilespmem:s26+$0x8490] =	vst.add.f32.msk $0xffff, v4  }
0x19b: {  	v4 =	vshll.u32 v2, $0x10;
	v45 =	vld [tilespmem:s18+$0x50]  }
0x19c: {  	v2 =	vand.u32 $0xFFFF0000, v2;
	[tilespmem:s20+$0x8440] =	vst.add.f32.msk $0xffff, v4  }
0x19d: {  	v4 =	vshll.u32 v5, $0x10;
	[tilespmem:s20+$0x8450] =	vst.add.f32.msk $0xffff, v2  }
0x19e: {  	v2 =	vand.u32 $0xFFFF0000, v5;
	[tilespmem:s22+$0x8440] =	vst.add.f32.msk $0xffff, v4  }
0x19f: {  	v4 =	vshll.u32 v43, $0x10;
	[tilespmem:s22+$0x8450] =	vst.add.f32.msk $0xffff, v2  }
0x1a0: {  	[tilespmem:s24+$0x8440] =	vst.add.f32.msk $0xffff, v4;
	v2 =	vshll.u32 v45, $0x10  }
0x1a1: {  	v4 =	vand.u32 $0xFFFF0000, v45;
	[tilespmem:s26+$0x84A0] =	vst.add.f32.msk $0xffff, v2  }
0x1a2: {  	[tilespmem:s26+$0x84B0] =	vst.add.f32.msk $0xffff, v4  }
0x1a3: {  	s13 =	sor.u32 $0x460, s2;
	v4 =	vld [tilespmem:s18+$0x60]  }
0x1a4: {  	v52 =	vld [tilespmem:s13+$0x400];
	v2 =	vand.u32 $0xFFFF0000, v43  }
0x1a5: {  	[tilespmem:s24+$0x8450] =	vst.add.f32.msk $0xffff, v2  }
0x1a6: {  	v2 =	vld [tilespmem:s4+$0x30]  }
0x1a7: {  	v5 =	vld [tilespmem:s3+$0x30]  }
0x1a8: {  	v46 =	vld [tilespmem:s5+$0x30];
	v47 =	vshll.u32 v4, $0x10  }
0x1a9: {  	v3 =	vand.u32 $0xFFFF0000, v4;
	[tilespmem:s26+$0x84C0] =	vst.add.f32.msk $0xffff, v47  }
0x1aa: {  	[tilespmem:s26+$0x84D0] =	vst.add.f32.msk $0xffff, v3  }
0x1ab: {  	v3 =	vshll.u32 v2, $0x10;
	v4 =	vld [tilespmem:s18+$0x70]  }
0x1ac: {  	v2 =	vand.u32 $0xFFFF0000, v2;
	[tilespmem:s20+$0x8460] =	vst.add.f32.msk $0xffff, v3  }
0x1ad: {  	s28 =	simm.s32 $0x4;
	v3 =	vshll.u32 v5, $0x10;
	[tilespmem:s20+$0x8470] =	vst.add.f32.msk $0xffff, v2  }
0x1ae: {  	s14 =	sand.u32 $0x7, s28;
	v2 =	vand.u32 $0xFFFF0000, v5;
	[tilespmem:s22+$0x8460] =	vst.add.f32.msk $0xffff, v3  }
0x1af: {  	s6 =	sshll.u32 s14, $0x7;
	v3 =	vshll.u32 v46, $0x10;
	[tilespmem:s22+$0x8470] =	vst.add.f32.msk $0xffff, v2  }
0x1b0: {  	s6 =	sadd.s32 $0x400, s6;
	[tilespmem:s24+$0x8460] =	vst.add.f32.msk $0xffff, v3;
	v2 =	vshll.u32 v4, $0x10  }
0x1b1: {  	s15 =	sadd.s32 $0x180, s6;
	v3 =	vand.u32 $0xFFFF0000, v4;
	[tilespmem:s26+$0x84E0] =	vst.add.f32.msk $0xffff, v2  }
0x1b2: {  	s16 =	sor.u32 $0x400, s15;
	[tilespmem:s26+$0x84F0] =	vst.add.f32.msk $0xffff, v3  }
0x1b3: {  	v5 =	vshll.u32 v1, $0x10;
	v3 =	vld [tilespmem:s16+$0x400]  }
0x1b4: {  	[tilespmem:s19+$0x85A0] =	vst.add.f32.msk $0xffff, v5;
	v2 =	vand.u32 $0xFFFF0000, v46  }
0x1b5: {  	[tilespmem:s24+$0x8470] =	vst.add.f32.msk $0xffff, v2  }
0x1b6: {  	v2 =	vld [tilespmem:s4+$0x40]  }
0x1b7: {  	v4 =	vld [tilespmem:s3+$0x40]  }
0x1b8: {  	v48 =	vld [tilespmem:s5+$0x40];
	v49 =	vshll.u32 v3, $0x10  }
0x1b9: {  	v3 =	vand.u32 $0xFFFF0000, v3;
	[tilespmem:s26+$0x8500] =	vst.add.f32.msk $0xffff, v49  }
0x1ba: {  	s17 =	sor.u32 $0x410, s15;
	[tilespmem:s26+$0x8510] =	vst.add.f32.msk $0xffff, v3  }
0x1bb: {  	v3 =	vshll.u32 v2, $0x10;
	v5 =	vld [tilespmem:s17+$0x400]  }
0x1bc: {  	v2 =	vand.u32 $0xFFFF0000, v2;
	[tilespmem:s20+$0x8480] =	vst.add.f32.msk $0xffff, v3  }
0x1bd: {  	v3 =	vshll.u32 v4, $0x10;
	[tilespmem:s20+$0x8490] =	vst.add.f32.msk $0xffff, v2  }
0x1be: {  	v2 =	vand.u32 $0xFFFF0000, v4;
	[tilespmem:s22+$0x8480] =	vst.add.f32.msk $0xffff, v3  }
0x1bf: {  	v3 =	vshll.u32 v48, $0x10;
	[tilespmem:s22+$0x8490] =	vst.add.f32.msk $0xffff, v2  }
0x1c0: {  	[tilespmem:s24+$0x8480] =	vst.add.f32.msk $0xffff, v3;
	v2 =	vshll.u32 v5, $0x10  }
0x1c1: {  	v3 =	vand.u32 $0xFFFF0000, v5;
	[tilespmem:s26+$0x8520] =	vst.add.f32.msk $0xffff, v2  }
0x1c2: {  	s18 =	sor.u32 $0x420, s15;
	[tilespmem:s26+$0x8530] =	vst.add.f32.msk $0xffff, v3  }
0x1c3: {  	v1 =	vand.u32 $0xFFFF0000, v1;
	v3 =	vld [tilespmem:s18+$0x400]  }
0x1c4: {  	[tilespmem:s19+$0x85B0] =	vst.add.f32.msk $0xffff, v1;
	v2 =	vand.u32 $0xFFFF0000, v48  }
0x1c5: {  	[tilespmem:s24+$0x8490] =	vst.add.f32.msk $0xffff, v2  }
0x1c6: {  	v2 =	vld [tilespmem:s4+$0x50]  }
0x1c7: {  	v4 =	vld [tilespmem:s3+$0x50]  }
0x1c8: {  	v5 =	vld [tilespmem:s5+$0x50];
	v50 =	vshll.u32 v3, $0x10  }
0x1c9: {  	v1 =	vand.u32 $0xFFFF0000, v3;
	[tilespmem:s26+$0x8540] =	vst.add.f32.msk $0xffff, v50  }
0x1ca: {  	s31 =	sor.u32 $0x430, s15;
	[tilespmem:s26+$0x8550] =	vst.add.f32.msk $0xffff, v1  }
0x1cb: {  	v1 =	vshll.u32 v2, $0x10;
	v3 =	vld [tilespmem:s31+$0x400]  }
0x1cc: {  	v2 =	vand.u32 $0xFFFF0000, v2;
	[tilespmem:s20+$0x84A0] =	vst.add.f32.msk $0xffff, v1  }
0x1cd: {  	v1 =	vshll.u32 v4, $0x10;
	[tilespmem:s20+$0x84B0] =	vst.add.f32.msk $0xffff, v2  }
0x1ce: {  	v2 =	vand.u32 $0xFFFF0000, v4;
	[tilespmem:s22+$0x84A0] =	vst.add.f32.msk $0xffff, v1  }
0x1cf: {  	v1 =	vshll.u32 v5, $0x10;
	[tilespmem:s22+$0x84B0] =	vst.add.f32.msk $0xffff, v2  }
0x1d0: {  	[tilespmem:s24+$0x84A0] =	vst.add.f32.msk $0xffff, v1;
	v1 =	vshll.u32 v3, $0x10  }
0x1d1: {  	v2 =	vand.u32 $0xFFFF0000, v3;
	[tilespmem:s26+$0x8560] =	vst.add.f32.msk $0xffff, v1  }
0x1d2: {  	s9 =	sor.u32 $0x440, s15;
	[tilespmem:s26+$0x8570] =	vst.add.f32.msk $0xffff, v2  }
0x1d3: {  	v6 =	vand.u32 $0xFFFF0000, v51;
	v2 =	vld [tilespmem:s9+$0x400]  }
0x1d4: {  	[tilespmem:s30+$0x85D0] =	vst.add.f32.msk $0xffff, v6;
	v1 =	vand.u32 $0xFFFF0000, v5  }
0x1d5: {  	[tilespmem:s24+$0x84B0] =	vst.add.f32.msk $0xffff, v1  }
0x1d6: {  	v1 =	vld [tilespmem:s4+$0x60]  }
0x1d7: {  	v3 =	vld [tilespmem:s3+$0x60]  }
0x1d8: {  	v4 =	vld [tilespmem:s5+$0x60];
	v5 =	vshll.u32 v2, $0x10  }
0x1d9: {  	v2 =	vand.u32 $0xFFFF0000, v2;
	[tilespmem:s26+$0x8580] =	vst.add.f32.msk $0xffff, v5  }
0x1da: {  	s11 =	sor.u32 $0x450, s15;
	[tilespmem:s26+$0x8590] =	vst.add.f32.msk $0xffff, v2  }
0x1db: {  	v2 =	vshll.u32 v1, $0x10;
	v5 =	vld [tilespmem:s11+$0x400]  }
0x1dc: {  	v1 =	vand.u32 $0xFFFF0000, v1;
	[tilespmem:s20+$0x84C0] =	vst.add.f32.msk $0xffff, v2  }
0x1dd: {  	v2 =	vshll.u32 v3, $0x10;
	[tilespmem:s20+$0x84D0] =	vst.add.f32.msk $0xffff, v1  }
0x1de: {  	v1 =	vand.u32 $0xFFFF0000, v3;
	[tilespmem:s22+$0x84C0] =	vst.add.f32.msk $0xffff, v2  }
0x1df: {  	v2 =	vshll.u32 v4, $0x10;
	[tilespmem:s22+$0x84D0] =	vst.add.f32.msk $0xffff, v1  }
0x1e0: {  	[tilespmem:s24+$0x84C0] =	vst.add.f32.msk $0xffff, v2;
	v1 =	vshll.u32 v5, $0x10  }
0x1e1: {  	v2 =	vand.u32 $0xFFFF0000, v5;
	[tilespmem:s26+$0x85A0] =	vst.add.f32.msk $0xffff, v1  }
0x1e2: {  	s12 =	sor.u32 $0x460, s15;
	[tilespmem:s26+$0x85B0] =	vst.add.f32.msk $0xffff, v2  }
0x1e3: {  	v54 =	vand.u32 $0xFFFF0000, v52;
	v2 =	vld [tilespmem:s12+$0x400]  }
0x1e4: {  	[tilespmem:s29+$0x85D0] =	vst.add.f32.msk $0xffff, v54  }
0x1e5: {  	v3 =	vld [tilespmem:s4+$0x70]  }
0x1e6: {  	v1 =	vand.u32 $0xFFFF0000, v4;
	v4 =	vld [tilespmem:s3+$0x70]  }
0x1e7: {  	[tilespmem:s24+$0x84D0] =	vst.add.f32.msk $0xffff, v1  }
0x1e8: {  	v5 =	vld [tilespmem:s5+$0x70];
	v1 =	vshll.u32 v2, $0x10  }
0x1e9: {  	v2 =	vand.u32 $0xFFFF0000, v2;
	[tilespmem:s26+$0x85C0] =	vst.add.f32.msk $0xffff, v1  }
0x1ea: {  	s14 =	sor.u32 $0x470, s15;
	[tilespmem:s26+$0x85D0] =	vst.add.f32.msk $0xffff, v2  }
0x1eb: {  	v2 =	vshll.u32 v3, $0x10;
	v1 =	vld [tilespmem:s14+$0x400]  }
0x1ec: {  	v3 =	vand.u32 $0xFFFF0000, v3;
	[tilespmem:s20+$0x84E0] =	vst.add.f32.msk $0xffff, v2  }
0x1ed: {  	p0 =	por !p0, !p0;
	s3 =	simm.s32 $0x1;
	v2 =	vshll.u32 v4, $0x10;
	[tilespmem:s20+$0x84F0] =	vst.add.f32.msk $0xffff, v3  }
0x1ee: {  	s3 =	simm.s32 @!p0 $0x0;
	v3 =	vand.u32 $0xFFFF0000, v4;
	[tilespmem:s22+$0x84E0] =	vst.add.f32.msk $0xffff, v2  }
0x1ef: {  	s3 =	sshll.u32 s3, $0x9;
	v2 =	vshll.u32 v5, $0x10;
	[tilespmem:s22+$0x84F0] =	vst.add.f32.msk $0xffff, v3  }
0x1f0: {  	s15 =	simm.s32 $0x2;
	s5 =	sadd.s32 $0x400, s3;
	[tilespmem:s24+$0x84E0] =	vst.add.f32.msk $0xffff, v2;
	v2 =	vand.u32 $0xFFFF0000, v1  }
0x1f1: {  	s4 =	sand.u32 $0x3, s15;
	s16 =	sor.u32 $0x400, s5;
	[tilespmem:s26+$0x85F0] =	vst.add.f32.msk $0xffff, v2  }
0x1f2: {  	s4 =	sshll.u32 s4, $0x8;
	s3 =	sadd.s32 $0x80, s6;
	v3 =	vand.u32 $0xFFFF0000, v5;
	v2 =	vld [tilespmem:s16+$0x400]  }
0x1f3: {  	s4 =	sadd.s32 $0x400, s4;
	s17 =	sor.u32 $0x400, s3;
	[tilespmem:s24+$0x84F0] =	vst.add.f32.msk $0xffff, v3  }
0x1f4: {  	s31 =	sor.u32 $0x460, s0;
	s7 =	sadd.s32 $0x100, s4;
	v3 =	vld [tilespmem:s17+$0x400]  }
0x1f5: {  	v53 =	vld [tilespmem:s31+$0x400];
	s18 =	sor.u32 $0x400, s7  }
0x1f6: {  	v5 =	vshll.u32 v51, $0x10;
	v4 =	vld [tilespmem:s18+$0x400]  }
0x1f7: {  	[tilespmem:s30+$0x85C0] =	vst.add.f32.msk $0xffff, v5;
	v5 =	vshll.u32 v2, $0x10  }
0x1f8: {  	v2 =	vand.u32 $0xFFFF0000, v2;
	[tilespmem:s20+$0x8500] =	vst.add.f32.msk $0xffff, v5  }
0x1f9: {  	v5 =	vshll.u32 v3, $0x10;
	[tilespmem:s20+$0x8510] =	vst.add.f32.msk $0xffff, v2  }
0x1fa: {  	v2 =	vand.u32 $0xFFFF0000, v3;
	[tilespmem:s22+$0x8500] =	vst.add.f32.msk $0xffff, v5  }
0x1fb: {  	v3 =	vshll.u32 v4, $0x10;
	[tilespmem:s22+$0x8510] =	vst.add.f32.msk $0xffff, v2  }
0x1fc: {  	v2 =	vand.u32 $0xFFFF0000, v4;
	[tilespmem:s24+$0x8500] =	vst.add.f32.msk $0xffff, v3  }
0x1fd: {  	s8 =	sor.u32 $0x410, s5;
	[tilespmem:s24+$0x8510] =	vst.add.f32.msk $0xffff, v2  }
0x1fe: {  	s9 =	sor.u32 $0x410, s3;
	v2 =	vld [tilespmem:s8+$0x400]  }
0x1ff: {  	v4 =	vshll.u32 v52, $0x10;
	v3 =	vld [tilespmem:s9+$0x400]  }
0x200: {  	s10 =	sor.u32 $0x410, s7;
	[tilespmem:s29+$0x85C0] =	vst.add.f32.msk $0xffff, v4  }
0x201: {  	v4 =	vshll.u32 v53, $0x10;
	v5 =	vld [tilespmem:s10+$0x400]  }
0x202: {  	s2 =	sor.u32 $0x470, s2;
	[tilespmem:s19+$0x85C0] =	vst.add.f32.msk $0xffff, v4  }
0x203: {  	v57 =	vld [tilespmem:s2+$0x400];
	v55 =	vshll.u32 v2, $0x10  }
0x204: {  	v2 =	vand.u32 $0xFFFF0000, v2;
	[tilespmem:s20+$0x8520] =	vst.add.f32.msk $0xffff, v55  }
0x205: {  	v4 =	vshll.u32 v3, $0x10;
	[tilespmem:s20+$0x8530] =	vst.add.f32.msk $0xffff, v2  }
0x206: {  	v2 =	vand.u32 $0xFFFF0000, v3;
	[tilespmem:s22+$0x8520] =	vst.add.f32.msk $0xffff, v4  }
0x207: {  	v3 =	vshll.u32 v5, $0x10;
	[tilespmem:s22+$0x8530] =	vst.add.f32.msk $0xffff, v2  }
0x208: {  	v4 =	vand.u32 $0xFFFF0000, v53;
	[tilespmem:s24+$0x8520] =	vst.add.f32.msk $0xffff, v3  }
0x209: {  	v2 =	vand.u32 $0xFFFF0000, v5;
	[tilespmem:s19+$0x85D0] =	vst.add.f32.msk $0xffff, v4  }
0x20a: {  	s11 =	sor.u32 $0x420, s5;
	[tilespmem:s24+$0x8530] =	vst.add.f32.msk $0xffff, v2  }
0x20b: {  	s1 =	sor.u32 $0x470, s1;
	v2 =	vld [tilespmem:s11+$0x400]  }
0x20c: {  	s12 =	sor.u32 $0x420, s3;
	v4 =	vld [tilespmem:s1+$0x400]  }
0x20d: {  	v62 =	vand.u32 $0xFFFF0000, v57;
	v3 =	vld [tilespmem:s12+$0x400]  }
0x20e: {  	s13 =	sor.u32 $0x420, s7;
	[tilespmem:s29+$0x85F0] =	vst.add.f32.msk $0xffff, v62  }
0x20f: {  	s0 =	sor.u32 $0x470, s0;
	v5 =	vld [tilespmem:s13+$0x400]  }
0x210: {  	v60 =	vld [tilespmem:s0+$0x400];
	v56 =	vshll.u32 v2, $0x10  }
0x211: {  	v2 =	vand.u32 $0xFFFF0000, v2;
	[tilespmem:s20+$0x8540] =	vst.add.f32.msk $0xffff, v56  }
0x212: {  	v58 =	vshll.u32 v3, $0x10;
	[tilespmem:s20+$0x8550] =	vst.add.f32.msk $0xffff, v2  }
0x213: {  	v2 =	vand.u32 $0xFFFF0000, v3;
	[tilespmem:s22+$0x8540] =	vst.add.f32.msk $0xffff, v58  }
0x214: {  	[tilespmem:s22+$0x8550] =	vst.add.f32.msk $0xffff, v2;
	v2 =	vand.u32 $0xFFFF0000, v5  }
0x215: {  	s14 =	sor.u32 $0x430, s5;
	[tilespmem:s24+$0x8550] =	vst.add.f32.msk $0xffff, v2  }
0x216: {  	v3 =	vshll.u32 v5, $0x10;
	v2 =	vld [tilespmem:s14+$0x400]  }
0x217: {  	s15 =	sor.u32 $0x430, s3;
	[tilespmem:s24+$0x8540] =	vst.add.f32.msk $0xffff, v3  }
0x218: {  	v59 =	vshll.u32 v4, $0x10;
	v3 =	vld [tilespmem:s15+$0x400]  }
0x219: {  	s16 =	sor.u32 $0x430, s7;
	[tilespmem:s30+$0x85E0] =	vst.add.f32.msk $0xffff, v59  }
0x21a: {  	v4 =	vand.u32 $0xFFFF0000, v4;
	v5 =	vld [tilespmem:s16+$0x400]  }
0x21b: {  	[tilespmem:s30+$0x85F0] =	vst.add.f32.msk $0xffff, v4;
	v61 =	vshll.u32 v2, $0x10  }
0x21c: {  	v2 =	vand.u32 $0xFFFF0000, v2;
	[tilespmem:s20+$0x8560] =	vst.add.f32.msk $0xffff, v61  }
0x21d: {  	v4 =	vshll.u32 v3, $0x10;
	[tilespmem:s20+$0x8570] =	vst.add.f32.msk $0xffff, v2  }
0x21e: {  	v2 =	vand.u32 $0xFFFF0000, v3;
	[tilespmem:s22+$0x8560] =	vst.add.f32.msk $0xffff, v4  }
0x21f: {  	[tilespmem:s22+$0x8570] =	vst.add.f32.msk $0xffff, v2;
	v2 =	vand.u32 $0xFFFF0000, v5  }
0x220: {  	s17 =	sor.u32 $0x440, s5;
	[tilespmem:s24+$0x8570] =	vst.add.f32.msk $0xffff, v2  }
0x221: {  	v3 =	vshll.u32 v5, $0x10;
	v2 =	vld [tilespmem:s17+$0x400]  }
0x222: {  	v4 =	vshll.u32 v57, $0x10;
	[tilespmem:s24+$0x8560] =	vst.add.f32.msk $0xffff, v3  }
0x223: {  	s18 =	sor.u32 $0x440, s3;
	[tilespmem:s29+$0x85E0] =	vst.add.f32.msk $0xffff, v4  }
0x224: {  	v4 =	vshll.u32 v60, $0x10;
	v3 =	vld [tilespmem:s18+$0x400]  }
0x225: {  	s30 =	sor.u32 $0x440, s7;
	[tilespmem:s19+$0x85E0] =	vst.add.f32.msk $0xffff, v4  }
0x226: {  	v5 =	vld [tilespmem:s30+$0x400];
	v63 =	vshll.u32 v2, $0x10  }
0x227: {  	s31 =	sor.u32 $0x460, s5;
	[tilespmem:s20+$0x8580] =	vst.add.f32.msk $0xffff, v63  }
0x228: {  	v2 =	vand.u32 $0xFFFF0000, v2;
	[dreg:$0x4] =	wrdreg s31  }
0x229: {  	s4 =	sor.u32 $0x450, s7;
	p0 =	por !p0, !p0;
	v4 =	vshll.u32 v3, $0x10;
	[tilespmem:s20+$0x8590] =	vst.add.f32.msk $0xffff, v2  }
0x22a: {  	s6 =	sor.u32 $0x450, s5;
	s5 =	sor.u32 $0x470, s5;
	s8 =	sor.u32 $0x460, s3;
	v2 =	vand.u32 $0xFFFF0000, v3;
	[tilespmem:s22+$0x8580] =	vst.add.f32.msk $0xffff, v4  }
0x22b: {  	s9 =	simm.s32 $0x4;
	s10 =	sor.u32 $0x470, s3;
	s11 =	sor.u32 $0x460, s7;
	v4 =	vshll.u32 v5, $0x10;
	[tilespmem:s22+$0x8590] =	vst.add.f32.msk $0xffff, v2  }
0x22c: {  	v1 =	vshll.u32 v1, $0x10;
	s0 =	sor.u32 $0x470, s7;
	s14 =	simm.s32 $0x4;
	s15 =	sor.u32 $0x450, s3;
	v3 =	vand.u32 $0xFFFF0000, v5;
	v2 =	vand.u32 $0xFFFF0000, v60;
	[tilespmem:s24+$0x8580] =	vst.add.f32.msk $0xffff, v4  }
.LBB2_7:
0x22d: {  	[tilespmem:s24+$0x8590] =	vst.add.f32.msk $0xffff, v3  }
0x22e: {  	s3 =	sand.u32 $0x3, s9;
	v3 =	vld [tilespmem:s6+$0x400];
	s21 =	sadd.s32 $0x400, s21  }
0x22f: {  	v4 =	vld [tilespmem:s15+$0x400];
	s23 =	sadd.s32 $0x200, s23;
	s25 =	sadd.s32 $0x4, s25;
	s13 =	sand.u32 $0x3800, s21  }
0x230: {  	s3 =	sshll.u32 s3, $0x8;
	s16 =	sand.u32 $0x380, s23;
	v5 =	vld [tilespmem:s4+$0x400];
	s7 =	sor.u32 $0x400, s13  }
0x231: {  	s15 =	sadd.s32 $0xFFFFFE80, s23;
	[tilespmem:s19+$0x85F0] =	vst.add.f32.msk $0xffff, v2;
	s1 =	sadd.s32 s21, s3;
	s3 =	sor.u32 s16, s7  }
0x232: {  	s17 =	sadd.s32 $0xFFFFFF00, s23;
	s18 =	sadd.s32 $0xFFFFFF80, s23;
	s6 =	sand.u32 $0x200, s15;
	v6 =	vld [tilespmem:s3+$0x0]  }
0x233: {  	s12 =	sld [smem:s25+$0x1];
	s4 =	sand.u32 $0x280, s17;
	s29 =	sor.u32 s6, s7;
	[tilespmem:s26+$0x85E0] =	vst.add.f32.msk $0xffff, v1  }
0x234: {  	[dreg:$0x8] =	wrdreg s10;
	s19 =	sand.u32 $0x300, s18;
	s10 =	sor.u32 s4, s7;
	v9 =	vld [tilespmem:s29+$0x0];
	v7 =	vshll.u32 v3, $0x10  }
0x235: {  	[dreg:$0x1c] =	wrdreg s11;
	s11 =	sor.u32 s19, s7;
	v8 =	vand.u32 $0xFFFF0000, v3;
	v10 =	vshll.u32 v4, $0x10;
	v3 =	vand.u32 $0xFFFF0000, v4;
	v4 =	vld [tilespmem:s10+$0x0]  }
0x236: {  	s13 =	sld [smem:s25+$0xFFFFFFFE];
	s12 =	sshll.u32 s12, $0xB;
	v2 =	vshll.u32 v5, $0x10;
	v1 =	vand.u32 $0xFFFF0000, v5;
	v5 =	vld [tilespmem:s11+$0x0]  }
0x237: {  	s2 =	simm.s32 $0x1;
	s26 =	sshra.s32 s12, $0x2;
	[tilespmem:s20+$0x85A0] =	vst.add.f32.msk $0xffff, v7;
	v11 =	vshll.u32 v6, $0x10  }
0x238: {  	s2 =	simm.s32 @!p0 $0x0;
	s30 =	sld [smem:s25+$0xFFFFFFFF];
	v6 =	vand.u32 $0xFFFF0000, v6;
	[tilespmem:s26+$0x8400] =	vst.add.f32.msk $0xffff, v11  }
0x239: {  	s2 =	sshll.u32 s2, $0x9;
	s13 =	sshll.u32 s13, $0xB;
	[tilespmem:s26+$0x8410] =	vst.add.f32.msk $0xffff, v6  }
0x23a: {  	s31 =	sld [smem:s25+$0x0];
	s15 =	sadd.s32 s2, s21;
	s2 =	sshra.s32 s13, $0x2;
	v30 =	vshll.u32 v9, $0x10;
	v11 =	vld [tilespmem:s3+$0x10]  }
0x23b: {  	s4 =	sshll.u32 s30, $0xB;
	v9 =	vand.u32 $0xFFFF0000, v9;
	[tilespmem:s2+$0x8400] =	vst.add.f32.msk $0xffff, v30  }
0x23c: {  	s7 =	sshra.s32 s4, $0x2;
	v31 =	vshll.u32 v4, $0x10;
	[tilespmem:s2+$0x8410] =	vst.add.f32.msk $0xffff, v9  }
0x23d: {  	s19 =	sshll.u32 s31, $0xB;
	v4 =	vand.u32 $0xFFFF0000, v4;
	[tilespmem:s7+$0x8400] =	vst.add.f32.msk $0xffff, v31  }
0x23e: {  	s31 =	sshra.s32 s19, $0x2;
	v32 =	vshll.u32 v5, $0x10;
	[tilespmem:s7+$0x8410] =	vst.add.f32.msk $0xffff, v4  }
0x23f: {  	[tilespmem:s31+$0x8400] =	vst.add.f32.msk $0xffff, v32;
	v4 =	vshll.u32 v11, $0x10  }
0x240: {  	v33 =	vand.u32 $0xFFFF0000, v11;
	[tilespmem:s26+$0x8420] =	vst.add.f32.msk $0xffff, v4  }
0x241: {  	[dreg:$0x6] =	wrdreg s5;
	s5 =	sadd.s32 $0x100, s1;
	[tilespmem:s26+$0x8430] =	vst.add.f32.msk $0xffff, v33  }
0x242: {  	s19 =	sor.u32 $0x470, s5;
	v4 =	vld [tilespmem:s3+$0x20]  }
0x243: {  	[dreg:$0x12] =	wrdreg s19;
	s19 =	smov.u32 s24;
	s24 =	smov.u32 s31;
	v5 =	vand.u32 $0xFFFF0000, v5;
	v34 =	vld [tilespmem:s10+$0x10]  }
0x244: {  	[tilespmem:s24+$0x8410] =	vst.add.f32.msk $0xffff, v5  }
0x245: {  	v5 =	vld [tilespmem:s29+$0x10]  }
0x246: {  	[tilespmem:s20+$0x85B0] =	vst.add.f32.msk $0xffff, v8  }
0x247: {  	v7 =	vld [tilespmem:s11+$0x10];
	v35 =	vshll.u32 v4, $0x10  }
0x248: {  	v4 =	vand.u32 $0xFFFF0000, v4;
	[tilespmem:s26+$0x8440] =	vst.add.f32.msk $0xffff, v35  }
0x249: {  	[tilespmem:s26+$0x8450] =	vst.add.f32.msk $0xffff, v4  }
0x24a: {  	v6 =	vand.u32 $0xFFFF0000, v34;
	v9 =	vld [tilespmem:s3+$0x30]  }
0x24b: {  	v36 =	vshll.u32 v5, $0x10;
	[tilespmem:s7+$0x8430] =	vst.add.f32.msk $0xffff, v6  }
0x24c: {  	v5 =	vand.u32 $0xFFFF0000, v5;
	[tilespmem:s2+$0x8420] =	vst.add.f32.msk $0xffff, v36  }
0x24d: {  	v37 =	vshll.u32 v7, $0x10;
	[tilespmem:s2+$0x8430] =	vst.add.f32.msk $0xffff, v5  }
0x24e: {  	[tilespmem:s24+$0x8420] =	vst.add.f32.msk $0xffff, v37;
	v4 =	vshll.u32 v34, $0x10  }
0x24f: {  	[tilespmem:s7+$0x8420] =	vst.add.f32.msk $0xffff, v4;
	v4 =	vshll.u32 v9, $0x10  }
0x250: {  	v5 =	vand.u32 $0xFFFF0000, v9;
	[tilespmem:s26+$0x8460] =	vst.add.f32.msk $0xffff, v4  }
0x251: {  	[tilespmem:s26+$0x8470] =	vst.add.f32.msk $0xffff, v5  }
0x252: {  	v7 =	vand.u32 $0xFFFF0000, v7;
	v4 =	vld [tilespmem:s3+$0x40]  }
0x253: {  	[tilespmem:s24+$0x8430] =	vst.add.f32.msk $0xffff, v7  }
0x254: {  	v7 =	vld [tilespmem:s11+$0x20]  }
0x255: {  	v6 =	vld [tilespmem:s10+$0x20]  }
0x256: {  	[tilespmem:s22+$0x85A0] =	vst.add.f32.msk $0xffff, v10  }
0x257: {  	v5 =	vld [tilespmem:s29+$0x20];
	v38 =	vshll.u32 v4, $0x10  }
0x258: {  	v4 =	vand.u32 $0xFFFF0000, v4;
	[tilespmem:s26+$0x8480] =	vst.add.f32.msk $0xffff, v38  }
0x259: {  	[tilespmem:s26+$0x8490] =	vst.add.f32.msk $0xffff, v4  }
0x25a: {  	v41 =	vshll.u32 v7, $0x10;
	v40 =	vld [tilespmem:s3+$0x50]  }
0x25b: {  	v7 =	vand.u32 $0xFFFF0000, v7;
	[tilespmem:s24+$0x8440] =	vst.add.f32.msk $0xffff, v41  }
0x25c: {  	[tilespmem:s24+$0x8450] =	vst.add.f32.msk $0xffff, v7  }
0x25d: {  	v7 =	vld [tilespmem:s11+$0x30];
	v39 =	vshll.u32 v5, $0x10;
	v5 =	vand.u32 $0xFFFF0000, v5  }
0x25e: {  	[tilespmem:s2+$0x8450] =	vst.add.f32.msk $0xffff, v5;
	v4 =	vshll.u32 v6, $0x10  }
0x25f: {  	[tilespmem:s7+$0x8440] =	vst.add.f32.msk $0xffff, v4;
	v4 =	vshll.u32 v40, $0x10  }
0x260: {  	v5 =	vand.u32 $0xFFFF0000, v40;
	[tilespmem:s26+$0x84A0] =	vst.add.f32.msk $0xffff, v4  }
0x261: {  	[tilespmem:s26+$0x84B0] =	vst.add.f32.msk $0xffff, v5  }
0x262: {  	v4 =	vld [tilespmem:s3+$0x60]  }
0x263: {  	[tilespmem:s2+$0x8440] =	vst.add.f32.msk $0xffff, v39;
	v6 =	vand.u32 $0xFFFF0000, v6  }
0x264: {  	[tilespmem:s7+$0x8450] =	vst.add.f32.msk $0xffff, v6  }
0x265: {  	v5 =	vld [tilespmem:s29+$0x30]  }
0x266: {  	v6 =	vld [tilespmem:s10+$0x30]  }
0x267: {  	[tilespmem:s22+$0x85B0] =	vst.add.f32.msk $0xffff, v3;
	v42 =	vshll.u32 v4, $0x10  }
0x268: {  	v3 =	vand.u32 $0xFFFF0000, v4;
	[tilespmem:s26+$0x84C0] =	vst.add.f32.msk $0xffff, v42  }
0x269: {  	[tilespmem:s26+$0x84D0] =	vst.add.f32.msk $0xffff, v3  }
0x26a: {  	v4 =	vshll.u32 v5, $0x10;
	v8 =	vld [tilespmem:s3+$0x70]  }
0x26b: {  	v5 =	vand.u32 $0xFFFF0000, v5;
	[tilespmem:s2+$0x8460] =	vst.add.f32.msk $0xffff, v4  }
0x26c: {  	s28 =	sadd.s32 $0x4, s28;
	v3 =	vshll.u32 v6, $0x10;
	[tilespmem:s2+$0x8470] =	vst.add.f32.msk $0xffff, v5  }
0x26d: {  	s31 =	sand.u32 $0x7, s28;
	v6 =	vand.u32 $0xFFFF0000, v6;
	[tilespmem:s7+$0x8460] =	vst.add.f32.msk $0xffff, v3  }
0x26e: {  	s30 =	sor.u32 $0x420, s15;
	v4 =	vshll.u32 v7, $0x10;
	s3 =	sshll.u32 s31, $0x7;
	[tilespmem:s7+$0x8470] =	vst.add.f32.msk $0xffff, v6  }
0x26f: {  	[dreg:$0x14] =	wrdreg s30;
	s30 =	sor.u32 $0x470, s15;
	[tilespmem:s24+$0x8460] =	vst.add.f32.msk $0xffff, v4;
	s3 =	sadd.s32 s3, s21;
	v3 =	vshll.u32 v8, $0x10  }
0x270: {  	s1 =	sor.u32 $0x400, s5;
	[dreg:$0x18] =	wrdreg s30;
	s30 =	sadd.s32 $0x180, s3;
	v4 =	vand.u32 $0xFFFF0000, v8;
	[tilespmem:s26+$0x84E0] =	vst.add.f32.msk $0xffff, v3  }
0x271: {  	[smem:$0x7F3] =	sst s1;
	s1 =	sor.u32 $0x400, s30;
	[tilespmem:s26+$0x84F0] =	vst.add.f32.msk $0xffff, v4  }
0x272: {  	v7 =	vand.u32 $0xFFFF0000, v7;
	v3 =	vld [tilespmem:s1+$0x400]  }
0x273: {  	[tilespmem:s24+$0x8470] =	vst.add.f32.msk $0xffff, v7  }
0x274: {  	v5 =	vld [tilespmem:s10+$0x40]  }
0x275: {  	v43 =	vld [tilespmem:s11+$0x40]  }
0x276: {  	v4 =	vld [tilespmem:s29+$0x40]  }
0x277: {  	[tilespmem:s19+$0x85A0] =	vst.add.f32.msk $0xffff, v2;
	v44 =	vshll.u32 v3, $0x10  }
0x278: {  	v2 =	vand.u32 $0xFFFF0000, v3;
	[tilespmem:s26+$0x8500] =	vst.add.f32.msk $0xffff, v44  }
0x279: {  	s1 =	smov.u32 s0;
	s0 =	sor.u32 $0x410, s30;
	[tilespmem:s26+$0x8510] =	vst.add.f32.msk $0xffff, v2  }
0x27a: {  	v6 =	vand.u32 $0xFFFF0000, v43;
	v7 =	vld [tilespmem:s0+$0x400]  }
0x27b: {  	[tilespmem:s24+$0x8490] =	vst.add.f32.msk $0xffff, v6;
	v3 =	vshll.u32 v4, $0x10  }
0x27c: {  	v4 =	vand.u32 $0xFFFF0000, v4;
	[tilespmem:s2+$0x8480] =	vst.add.f32.msk $0xffff, v3  }
0x27d: {  	v2 =	vshll.u32 v5, $0x10;
	[tilespmem:s2+$0x8490] =	vst.add.f32.msk $0xffff, v4  }
0x27e: {  	v3 =	vshll.u32 v43, $0x10;
	[tilespmem:s7+$0x8480] =	vst.add.f32.msk $0xffff, v2  }
0x27f: {  	[tilespmem:s24+$0x8480] =	vst.add.f32.msk $0xffff, v3;
	v2 =	vshll.u32 v7, $0x10  }
0x280: {  	v3 =	vand.u32 $0xFFFF0000, v7;
	[tilespmem:s26+$0x8520] =	vst.add.f32.msk $0xffff, v2  }
0x281: {  	s0 =	sor.u32 $0x420, s30;
	[tilespmem:s26+$0x8530] =	vst.add.f32.msk $0xffff, v3  }
0x282: {  	v5 =	vand.u32 $0xFFFF0000, v5;
	v2 =	vld [tilespmem:s0+$0x400]  }
0x283: {  	[tilespmem:s7+$0x8490] =	vst.add.f32.msk $0xffff, v5  }
0x284: {  	v4 =	vld [tilespmem:s10+$0x50]  }
0x285: {  	v3 =	vld [tilespmem:s29+$0x50]  }
0x286: {  	v5 =	vld [tilespmem:s11+$0x50]  }
0x287: {  	[tilespmem:s19+$0x85B0] =	vst.add.f32.msk $0xffff, v1;
	v45 =	vshll.u32 v2, $0x10  }
0x288: {  	v1 =	vand.u32 $0xFFFF0000, v2;
	[tilespmem:s26+$0x8540] =	vst.add.f32.msk $0xffff, v45  }
0x289: {  	s0 =	sor.u32 $0x430, s30;
	[tilespmem:s26+$0x8550] =	vst.add.f32.msk $0xffff, v1  }
0x28a: {  	v2 =	vshll.u32 v3, $0x10;
	v6 =	vld [tilespmem:s0+$0x400]  }
0x28b: {  	v3 =	vand.u32 $0xFFFF0000, v3;
	[tilespmem:s2+$0x84A0] =	vst.add.f32.msk $0xffff, v2  }
0x28c: {  	v1 =	vshll.u32 v4, $0x10;
	[tilespmem:s2+$0x84B0] =	vst.add.f32.msk $0xffff, v3  }
0x28d: {  	v4 =	vand.u32 $0xFFFF0000, v4;
	[tilespmem:s7+$0x84A0] =	vst.add.f32.msk $0xffff, v1  }
0x28e: {  	v2 =	vshll.u32 v5, $0x10;
	[tilespmem:s7+$0x84B0] =	vst.add.f32.msk $0xffff, v4  }
0x28f: {  	[tilespmem:s24+$0x84A0] =	vst.add.f32.msk $0xffff, v2;
	v1 =	vshll.u32 v6, $0x10  }
0x290: {  	v2 =	vand.u32 $0xFFFF0000, v6;
	[tilespmem:s26+$0x8560] =	vst.add.f32.msk $0xffff, v1  }
0x291: {  	s0 =	sor.u32 $0x440, s30;
	[tilespmem:s26+$0x8570] =	vst.add.f32.msk $0xffff, v2  }
0x292: {  	v5 =	vand.u32 $0xFFFF0000, v5;
	v1 =	vld [tilespmem:s0+$0x400]  }
0x293: {  	[tilespmem:s24+$0x84B0] =	vst.add.f32.msk $0xffff, v5  }
0x294: {  	v3 =	vld [tilespmem:s10+$0x60]  }
0x295: {  	v2 =	vld [tilespmem:s29+$0x60]  }
0x296: {  	s17 =	sor.u32 $0x410, s5;
	v4 =	vld [tilespmem:s11+$0x60];
	s0 =	rddreg [dreg:$0x4]  }
0x297: {  	[dreg:$0x19] =	wrdreg s17;
	s17 =	sor.u32 $0x440, s15;
	v46 =	vld [tilespmem:s0+$0x400];
	v5 =	vshll.u32 v1, $0x10  }
0x298: {  	[dreg:$0xc] =	wrdreg s17;
	s17 =	sor.u32 $0x460, s15;
	v1 =	vand.u32 $0xFFFF0000, v1;
	[tilespmem:s26+$0x8580] =	vst.add.f32.msk $0xffff, v5  }
0x299: {  	s0 =	smov.u32 s17;
	s17 =	sor.u32 $0x450, s30;
	[tilespmem:s26+$0x8590] =	vst.add.f32.msk $0xffff, v1  }
0x29a: {  	v5 =	vshll.u32 v2, $0x10;
	v47 =	vld [tilespmem:s17+$0x400]  }
0x29b: {  	v2 =	vand.u32 $0xFFFF0000, v2;
	[tilespmem:s2+$0x84C0] =	vst.add.f32.msk $0xffff, v5  }
0x29c: {  	v1 =	vshll.u32 v3, $0x10;
	[tilespmem:s2+$0x84D0] =	vst.add.f32.msk $0xffff, v2  }
0x29d: {  	v3 =	vand.u32 $0xFFFF0000, v3;
	[tilespmem:s7+$0x84C0] =	vst.add.f32.msk $0xffff, v1  }
0x29e: {  	v5 =	vshll.u32 v4, $0x10;
	[tilespmem:s7+$0x84D0] =	vst.add.f32.msk $0xffff, v3  }
0x29f: {  	v4 =	vand.u32 $0xFFFF0000, v4;
	[tilespmem:s24+$0x84C0] =	vst.add.f32.msk $0xffff, v5  }
0x2a0: {  	[tilespmem:s24+$0x84D0] =	vst.add.f32.msk $0xffff, v4  }
0x2a1: {  	v5 =	vld [tilespmem:s11+$0x70];
	v1 =	vshll.u32 v47, $0x10  }
0x2a2: {  	v3 =	vand.u32 $0xFFFF0000, v47;
	[tilespmem:s26+$0x85A0] =	vst.add.f32.msk $0xffff, v1  }
0x2a3: {  	s17 =	sor.u32 $0x460, s30;
	[tilespmem:s26+$0x85B0] =	vst.add.f32.msk $0xffff, v3  }
0x2a4: {  	v1 =	vld [tilespmem:s17+$0x400]  }
0x2a5: {  	v4 =	vld [tilespmem:s10+$0x70]  }
0x2a6: {  	v49 =	vld [tilespmem:s8+$0x400]  }
0x2a7: {  	v3 =	vld [tilespmem:s29+$0x70];
	v52 =	vshll.u32 v5, $0x10  }
0x2a8: {  	v5 =	vand.u32 $0xFFFF0000, v5;
	[tilespmem:s24+$0x84E0] =	vst.add.f32.msk $0xffff, v52  }
0x2a9: {  	[tilespmem:s24+$0x84F0] =	vst.add.f32.msk $0xffff, v5;
	v48 =	vshll.u32 v1, $0x10  }
0x2aa: {  	s10 =	sld [smem:$0x7F3];
	v1 =	vand.u32 $0xFFFF0000, v1;
	[tilespmem:s26+$0x85C0] =	vst.add.f32.msk $0xffff, v48  }
0x2ab: {  	s18 =	sor.u32 $0x410, s15;
	s30 =	sor.u32 $0x470, s30;
	[tilespmem:s26+$0x85D0] =	vst.add.f32.msk $0xffff, v1  }
0x2ac: {  	[dreg:$0x1e] =	wrdreg s18;
	v51 =	vld [tilespmem:s30+$0x400]  }
0x2ad: {  	s18 =	sor.u32 $0x460, s5;
	s11 =	rddreg [dreg:$0x1c];
	v7 =	vld [tilespmem:s10+$0x400]  }
0x2ae: {  	s16 =	sor.u32 $0x400, s15;
	[smem:$0x7F4] =	sst s18;
	s18 =	sadd.s32 $0x80, s3;
	v53 =	vld [tilespmem:s11+$0x400];
	v50 =	vshll.u32 v3, $0x10  }
0x2af: {  	[smem:$0x7F2] =	sst s16;
	s31 =	sor.u32 $0x460, s18;
	v3 =	vand.u32 $0xFFFF0000, v3;
	[tilespmem:s2+$0x84E0] =	vst.add.f32.msk $0xffff, v50  }
0x2b0: {  	s8 =	smov.u32 s31;
	s31 =	sld [smem:$0x7F2];
	[tilespmem:s2+$0x84F0] =	vst.add.f32.msk $0xffff, v3;
	v1 =	vshll.u32 v4, $0x10;
	v4 =	vand.u32 $0xFFFF0000, v4  }
0x2b1: {  	[tilespmem:s7+$0x84F0] =	vst.add.f32.msk $0xffff, v4;
	v4 =	vand.u32 $0xFFFF0000, v51  }
0x2b2: {  	s4 =	sor.u32 $0x420, s5;
	[tilespmem:s26+$0x85F0] =	vst.add.f32.msk $0xffff, v4  }
0x2b3: {  	s16 =	sor.u32 $0x440, s5;
	[dreg:$0x15] =	wrdreg s4;
	v4 =	vld [tilespmem:s31+$0x400]  }
0x2b4: {  	s13 =	sor.u32 $0x430, s5;
	s4 =	sor.u32 $0x450, s5;
	s5 =	sor.u32 $0x400, s18;
	[tilespmem:s7+$0x84E0] =	vst.add.f32.msk $0xffff, v1  }
0x2b5: {  	v54 =	vand.u32 $0xFFFF0000, v7;
	v5 =	vld [tilespmem:s5+$0x400]  }
0x2b6: {  	v2 =	vshll.u32 v46, $0x10;
	[tilespmem:s24+$0x8510] =	vst.add.f32.msk $0xffff, v54  }
0x2b7: {  	v6 =	vand.u32 $0xFFFF0000, v46;
	[tilespmem:s20+$0x85C0] =	vst.add.f32.msk $0xffff, v2  }
0x2b8: {  	[tilespmem:s20+$0x85D0] =	vst.add.f32.msk $0xffff, v6;
	v2 =	vshll.u32 v4, $0x10  }
0x2b9: {  	v4 =	vand.u32 $0xFFFF0000, v4;
	[tilespmem:s2+$0x8500] =	vst.add.f32.msk $0xffff, v2  }
0x2ba: {  	v2 =	vshll.u32 v5, $0x10;
	[tilespmem:s2+$0x8510] =	vst.add.f32.msk $0xffff, v4  }
0x2bb: {  	v5 =	vand.u32 $0xFFFF0000, v5;
	[tilespmem:s7+$0x8500] =	vst.add.f32.msk $0xffff, v2  }
0x2bc: {  	v4 =	vshll.u32 v7, $0x10;
	[tilespmem:s7+$0x8510] =	vst.add.f32.msk $0xffff, v5  }
0x2bd: {  	s29 =	rddreg [dreg:$0x1e];
	[tilespmem:s24+$0x8500] =	vst.add.f32.msk $0xffff, v4  }
0x2be: {  	[dreg:$0xe] =	wrdreg s13;
	s13 =	sor.u32 $0x410, s18;
	v4 =	vld [tilespmem:s29+$0x400]  }
0x2bf: {  	s30 =	rddreg [dreg:$0x19];
	v5 =	vld [tilespmem:s13+$0x400]  }
0x2c0: {  	v3 =	vshll.u32 v49, $0x10;
	v6 =	vld [tilespmem:s30+$0x400]  }
0x2c1: {  	v8 =	vand.u32 $0xFFFF0000, v49;
	[tilespmem:s22+$0x85C0] =	vst.add.f32.msk $0xffff, v3  }
0x2c2: {  	v2 =	vshll.u32 v53, $0x10;
	[tilespmem:s22+$0x85D0] =	vst.add.f32.msk $0xffff, v8  }
0x2c3: {  	[tilespmem:s19+$0x85C0] =	vst.add.f32.msk $0xffff, v2;
	v3 =	vshll.u32 v4, $0x10  }
0x2c4: {  	v4 =	vand.u32 $0xFFFF0000, v4;
	[tilespmem:s2+$0x8520] =	vst.add.f32.msk $0xffff, v3  }
0x2c5: {  	v2 =	vshll.u32 v5, $0x10;
	[tilespmem:s2+$0x8530] =	vst.add.f32.msk $0xffff, v4  }
0x2c6: {  	v3 =	vand.u32 $0xFFFF0000, v5;
	[tilespmem:s7+$0x8520] =	vst.add.f32.msk $0xffff, v2  }
0x2c7: {  	v4 =	vshll.u32 v6, $0x10;
	[tilespmem:s7+$0x8530] =	vst.add.f32.msk $0xffff, v3  }
0x2c8: {  	v5 =	vand.u32 $0xFFFF0000, v6;
	[tilespmem:s24+$0x8520] =	vst.add.f32.msk $0xffff, v4  }
0x2c9: {  	s31 =	rddreg [dreg:$0x14];
	[tilespmem:s24+$0x8530] =	vst.add.f32.msk $0xffff, v5  }
0x2ca: {  	s10 =	rddreg [dreg:$0x6];
	v2 =	vld [tilespmem:s31+$0x400]  }
0x2cb: {  	[dreg:$0xa] =	wrdreg s16;
	s16 =	sor.u32 $0x420, s18;
	v5 =	vld [tilespmem:s10+$0x400]  }
0x2cc: {  	s5 =	rddreg [dreg:$0x15];
	v3 =	vld [tilespmem:s16+$0x400]  }
0x2cd: {  	v55 =	vand.u32 $0xFFFF0000, v53;
	v4 =	vld [tilespmem:s5+$0x400]  }
0x2ce: {  	[tilespmem:s19+$0x85D0] =	vst.add.f32.msk $0xffff, v55;
	s16 =	rddreg [dreg:$0x8]  }
0x2cf: {  	v57 =	vld [tilespmem:s16+$0x400];
	v56 =	vshll.u32 v2, $0x10  }
0x2d0: {  	v2 =	vand.u32 $0xFFFF0000, v2;
	[tilespmem:s2+$0x8540] =	vst.add.f32.msk $0xffff, v56  }
0x2d1: {  	v58 =	vshll.u32 v3, $0x10;
	[tilespmem:s2+$0x8550] =	vst.add.f32.msk $0xffff, v2  }
0x2d2: {  	s17 =	sld [smem:$0x7F4];
	v3 =	vand.u32 $0xFFFF0000, v3;
	[tilespmem:s7+$0x8540] =	vst.add.f32.msk $0xffff, v58  }
0x2d3: {  	s6 =	sor.u32 $0x430, s15;
	v2 =	vshll.u32 v4, $0x10;
	[tilespmem:s7+$0x8550] =	vst.add.f32.msk $0xffff, v3  }
0x2d4: {  	[dreg:$0x10] =	wrdreg s6;
	s6 =	sor.u32 $0x450, s15;
	v4 =	vand.u32 $0xFFFF0000, v4;
	[tilespmem:s24+$0x8540] =	vst.add.f32.msk $0xffff, v2  }
0x2d5: {  	s12 =	sor.u32 $0x430, s18;
	s11 =	smov.u32 s17;
	s17 =	rddreg [dreg:$0x10];
	[tilespmem:s24+$0x8550] =	vst.add.f32.msk $0xffff, v4  }
0x2d6: {  	s3 =	sor.u32 $0x440, s18;
	s15 =	sor.u32 $0x450, s18;
	s18 =	sor.u32 $0x470, s18;
	v2 =	vld [tilespmem:s17+$0x400]  }
0x2d7: {  	s10 =	smov.u32 s18;
	s18 =	rddreg [dreg:$0xe];
	v4 =	vld [tilespmem:s12+$0x400]  }
0x2d8: {  	v60 =	vld [tilespmem:s18+$0x400]  }
0x2d9: {  	v3 =	vshll.u32 v5, $0x10;
	v61 =	vld [tilespmem:s1+$0x400]  }
0x2da: {  	v5 =	vand.u32 $0xFFFF0000, v5;
	[tilespmem:s20+$0x85E0] =	vst.add.f32.msk $0xffff, v3  }
0x2db: {  	[tilespmem:s20+$0x85F0] =	vst.add.f32.msk $0xffff, v5;
	s20 =	smov.u32 s2;
	v3 =	vshll.u32 v2, $0x10  }
0x2dc: {  	v2 =	vand.u32 $0xFFFF0000, v2;
	[tilespmem:s20+$0x8560] =	vst.add.f32.msk $0xffff, v3  }
0x2dd: {  	v3 =	vshll.u32 v4, $0x10;
	[tilespmem:s20+$0x8570] =	vst.add.f32.msk $0xffff, v2  }
0x2de: {  	v4 =	vand.u32 $0xFFFF0000, v4;
	[tilespmem:s7+$0x8560] =	vst.add.f32.msk $0xffff, v3  }
0x2df: {  	v5 =	vshll.u32 v60, $0x10;
	[tilespmem:s7+$0x8570] =	vst.add.f32.msk $0xffff, v4  }
0x2e0: {  	v8 =	vand.u32 $0xFFFF0000, v60;
	[tilespmem:s24+$0x8560] =	vst.add.f32.msk $0xffff, v5  }
0x2e1: {  	s30 =	rddreg [dreg:$0xc];
	[tilespmem:s24+$0x8570] =	vst.add.f32.msk $0xffff, v8  }
0x2e2: {  	v4 =	vld [tilespmem:s30+$0x400]  }
0x2e3: {  	s31 =	rddreg [dreg:$0xa];
	v5 =	vld [tilespmem:s3+$0x400]  }
0x2e4: {  	v59 =	vshll.u32 v57, $0x10;
	v8 =	vld [tilespmem:s31+$0x400]  }
0x2e5: {  	v7 =	vand.u32 $0xFFFF0000, v57;
	[tilespmem:s22+$0x85E0] =	vst.add.f32.msk $0xffff, v59  }
0x2e6: {  	s14 =	sadd.s32 $0x4, s14;
	v3 =	vshll.u32 v61, $0x10;
	[tilespmem:s22+$0x85F0] =	vst.add.f32.msk $0xffff, v7  }
0x2e7: {  	p1 =	slt.u32 s14, $0x3C;
	[tilespmem:s19+$0x85E0] =	vst.add.f32.msk $0xffff, v3;
	v62 =	vshll.u32 v4, $0x10  }
.Ltmp3:
0x2e8: {  	v4 =	vand.u32 $0xFFFF0000, v4;
	[tilespmem:s20+$0x8580] =	vst.add.f32.msk $0xffff, v62;
	(pc) =	sbr.rel @p1 .LBB2_7-.Ltmp3, $4  }
0x2e9: {  	s22 =	smov.u32 s7;
	v63 =	vshll.u32 v5, $0x10;
	[tilespmem:s20+$0x8590] =	vst.add.f32.msk $0xffff, v4  }
0x2ea: {  	s29 =	rddreg [dreg:$0x12];
	v5 =	vand.u32 $0xFFFF0000, v5;
	[tilespmem:s22+$0x8580] =	vst.add.f32.msk $0xffff, v63  }
0x2eb: {  	s9 =	sadd.s32 $0x2, s9;
	p0 =	por !p0, !p0;
	s13 =	rddreg [dreg:$0x18];
	v4 =	vshll.u32 v8, $0x10;
	[tilespmem:s22+$0x8590] =	vst.add.f32.msk $0xffff, v5  }
0x2ec: {  	[dreg:$0x4] =	wrdreg s0;
	v1 =	vshll.u32 v51, $0x10;
	s0 =	smov.u32 s29;
	s5 =	smov.u32 s13;
	v2 =	vand.u32 $0xFFFF0000, v61;
	v3 =	vand.u32 $0xFFFF0000, v8;
	[tilespmem:s24+$0x8580] =	vst.add.f32.msk $0xffff, v4  }
0x2ed: {  	v4 =	vld [tilespmem:s6+$0x400];
	_ =	sdelay $0x1  }
0x2ee: {  	v5 =	vld [tilespmem:s15+$0x400]  }
0x2ef: {  	[tilespmem:s24+$0x8590] =	vst.add.f32.msk $0xffff, v3  }
0x2f0: {  	[tilespmem:s19+$0x85F0] =	vst.add.f32.msk $0xffff, v2  }
0x2f1: {  	v3 =	vld [tilespmem:s4+$0x400];
	v2 =	vshll.u32 v4, $0x10  }
0x2f2: {  	v4 =	vand.u32 $0xFFFF0000, v4;
	[tilespmem:s20+$0x85A0] =	vst.add.f32.msk $0xffff, v2  }
0x2f3: {  	v2 =	vshll.u32 v5, $0x10;
	[tilespmem:s20+$0x85B0] =	vst.add.f32.msk $0xffff, v4  }
0x2f4: {  	[tilespmem:s22+$0x85A0] =	vst.add.f32.msk $0xffff, v2  }
0x2f5: {  	s1 =	rddreg [dreg:$0x4]  }
0x2f6: {  	v2 =	vand.u32 $0xFFFF0000, v5;
	v4 =	vld [tilespmem:s1+$0x400]  }
0x2f7: {  	[tilespmem:s22+$0x85B0] =	vst.add.f32.msk $0xffff, v2  }
0x2f8: {  	v2 =	vshll.u32 v3, $0x10;
	v5 =	vld [tilespmem:s8+$0x400]  }
0x2f9: {  	v3 =	vand.u32 $0xFFFF0000, v3;
	[tilespmem:s24+$0x85A0] =	vst.add.f32.msk $0xffff, v2  }
0x2fa: {  	[tilespmem:s24+$0x85B0] =	vst.add.f32.msk $0xffff, v3  }
0x2fb: {  	v3 =	vld [tilespmem:s11+$0x400];
	v2 =	vshll.u32 v4, $0x10  }
0x2fc: {  	v4 =	vand.u32 $0xFFFF0000, v4;
	[tilespmem:s20+$0x85C0] =	vst.add.f32.msk $0xffff, v2  }
0x2fd: {  	v2 =	vshll.u32 v5, $0x10;
	[tilespmem:s20+$0x85D0] =	vst.add.f32.msk $0xffff, v4  }
0x2fe: {  	v4 =	vand.u32 $0xFFFF0000, v5;
	[tilespmem:s22+$0x85C0] =	vst.add.f32.msk $0xffff, v2  }
0x2ff: {  	[tilespmem:s22+$0x85D0] =	vst.add.f32.msk $0xffff, v4  }
0x300: {  	v2 =	vshll.u32 v3, $0x10;
	v4 =	vld [tilespmem:s5+$0x400]  }
0x301: {  	[tilespmem:s24+$0x85C0] =	vst.add.f32.msk $0xffff, v2  }
0x302: {  	v2 =	vand.u32 $0xFFFF0000, v3;
	v3 =	vld [tilespmem:s10+$0x400]  }
0x303: {  	[tilespmem:s24+$0x85D0] =	vst.add.f32.msk $0xffff, v2  }
0x304: {  	v2 =	vld [tilespmem:s0+$0x400]  }
0x305: {  	[tilespmem:s26+$0x85E0] =	vst.add.f32.msk $0xffff, v1;
	v1 =	vshll.u32 v4, $0x10  }
0x306: {  	v4 =	vand.u32 $0xFFFF0000, v4;
	[tilespmem:s20+$0x85E0] =	vst.add.f32.msk $0xffff, v1  }
0x307: {  	v1 =	vshll.u32 v3, $0x10;
	[tilespmem:s20+$0x85F0] =	vst.add.f32.msk $0xffff, v4  }
0x308: {  	v3 =	vand.u32 $0xFFFF0000, v3;
	[tilespmem:s22+$0x85E0] =	vst.add.f32.msk $0xffff, v1  }
0x309: {  	[tilespmem:s22+$0x85F0] =	vst.add.f32.msk $0xffff, v3;
	v1 =	vshll.u32 v2, $0x10  }
0x30a: {  	s0 =	sld [smem:$0x7F5];
	v2 =	vand.u32 $0xFFFF0000, v2;
	[tilespmem:s24+$0x85E0] =	vst.add.f32.msk $0xffff, v1  }
0x30b: {  	[tilespmem:s24+$0x85F0] =	vst.add.f32.msk $0xffff, v2  }
0x30c: {  	s1 =	sld [smem:$0x7FB]  }
0x30d: {  	p0 =	seq.s32 s0, $0x7  }
0x30e: {  	s0 =	sshll.u32 @!p0 s0, $0xC  }
0x30f: {  	s2 =	simm.s32 @!p0 $0x400;
	s0 =	sadd.s32 @!p0 s0, s1;
	s1 =	simm.s32 @!p0 $0x0  }
0x310: {  	[tilespmem:s2], [sflag:$0x1] =	stream.linear.gather @!p0 [hbm4b:s0+s1], $0x4000, $0x38;
	[tilespmem:$0x10400] =	vst v63  }
0x311: {  	s3 =	simm.s32 $0x2;
	s15 =	simm.s32 $0x180;
	s0 =	simm.s32 $0x0  }
0x312: {  	s1 =	sand.u32 $0x380, s15;
	_ =	swait.ge [sflag:s3], $0x4000;
	s16 =	sand.u32 $0x3800, s0  }
0x313: {  	[sflag:s3] =	ssyncset.done $0x0;
	s17 =	sor.u32 $0x4400, s16;
	s10 =	sld [smem:$0x7F7]  }
0x314: {  	[sflag:s3] =	ssyncadd.s32 $0xFFFFC000;
	s18 =	sor.u32 s1, s17  }
0x315: {  	v1 =	vld [tilespmem:s18+$0x0]  }
0x316: {  	s19 =	sld [smem:s10+$0x0];
	_ =	sdelay $0x2  }
0x317: {  	s20 =	sld [smem:s10+$0xFFFFFFFD];
	s1 =	sshll.u32 s19, $0xB  }
0x318: {  	s7 =	sld [smem:s10+$0xFFFFFFFE];
	v2 =	vshll.u32 v1, $0x10;
	s3 =	sshra.s32 s1, $0x2  }
0x319: {  	s21 =	sld [smem:s10+$0xFFFFFFFF];
	v1 =	vand.u32 $0xFFFF0000, v1;
	[tilespmem:s3+$0x8400] =	vst.add.f32.msk $0xffff, v2  }
0x31a: {  	[tilespmem:s3+$0x8410] =	vst.add.f32.msk $0xffff, v1  }
0x31b: {  	v1 =	vld [tilespmem:s18+$0x10]  }
0x31c: {  	s23 =	simm.s32 $0x80  }
0x31d: {  	s22 =	simm.s32 $0x0;
	s2 =	sand.u32 $0x280, s23  }
0x31e: {  	s2 =	sor.u32 s2, s17;
	s1 =	sand.u32 $0x200, s22  }
0x31f: {  	v3 =	vld [tilespmem:s2+$0x0];
	s1 =	sor.u32 s1, s17  }
0x320: {  	v2 =	vld [tilespmem:s1+$0x0];
	v4 =	vshll.u32 v1, $0x10  }
0x321: {  	v1 =	vand.u32 $0xFFFF0000, v1;
	[tilespmem:s3+$0x8420] =	vst.add.f32.msk $0xffff, v4  }
0x322: {  	s9 =	simm.s32 $0x100;
	[tilespmem:s3+$0x8430] =	vst.add.f32.msk $0xffff, v1  }
0x323: {  	s9 =	sand.u32 $0x300, s9;
	v1 =	vld [tilespmem:s18+$0x20]  }
0x324: {  	s4 =	sor.u32 s9, s17;
	s6 =	sshll.u32 s20, $0xB  }
0x325: {  	s30 =	sshra.s32 s6, $0x2;
	v5 =	vshll.u32 v2, $0x10;
	v4 =	vld [tilespmem:s4+$0x0]  }
0x326: {  	s24 =	sshll.u32 s7, $0xB;
	v2 =	vand.u32 $0xFFFF0000, v2;
	[tilespmem:s30+$0x8400] =	vst.add.f32.msk $0xffff, v5  }
0x327: {  	s29 =	sshra.s32 s24, $0x2;
	v5 =	vshll.u32 v3, $0x10;
	[tilespmem:s30+$0x8410] =	vst.add.f32.msk $0xffff, v2  }
0x328: {  	[tilespmem:s29+$0x8400] =	vst.add.f32.msk $0xffff, v5;
	v2 =	vshll.u32 v1, $0x10  }
0x329: {  	v1 =	vand.u32 $0xFFFF0000, v1;
	[tilespmem:s3+$0x8440] =	vst.add.f32.msk $0xffff, v2  }
0x32a: {  	[tilespmem:s3+$0x8450] =	vst.add.f32.msk $0xffff, v1  }
0x32b: {  	s25 =	sshll.u32 s21, $0xB;
	v1 =	vand.u32 $0xFFFF0000, v3;
	v2 =	vld [tilespmem:s18+$0x30]  }
0x32c: {  	s19 =	sshra.s32 s25, $0x2;
	v3 =	vshll.u32 v4, $0x10;
	[tilespmem:s29+$0x8410] =	vst.add.f32.msk $0xffff, v1  }
0x32d: {  	v1 =	vand.u32 $0xFFFF0000, v4;
	[tilespmem:s19+$0x8400] =	vst.add.f32.msk $0xffff, v3  }
0x32e: {  	[tilespmem:s19+$0x8410] =	vst.add.f32.msk $0xffff, v1  }
0x32f: {  	v1 =	vld [tilespmem:s1+$0x10]  }
0x330: {  	v3 =	vld [tilespmem:s2+$0x10];
	v4 =	vshll.u32 v2, $0x10  }
0x331: {  	v2 =	vand.u32 $0xFFFF0000, v2;
	[tilespmem:s3+$0x8460] =	vst.add.f32.msk $0xffff, v4  }
0x332: {  	[tilespmem:s3+$0x8470] =	vst.add.f32.msk $0xffff, v2  }
0x333: {  	v2 =	vld [tilespmem:s18+$0x40]  }
0x334: {  	v4 =	vld [tilespmem:s4+$0x10];
	v5 =	vshll.u32 v1, $0x10  }
0x335: {  	v1 =	vand.u32 $0xFFFF0000, v1;
	[tilespmem:s30+$0x8420] =	vst.add.f32.msk $0xffff, v5  }
0x336: {  	v5 =	vshll.u32 v3, $0x10;
	[tilespmem:s30+$0x8430] =	vst.add.f32.msk $0xffff, v1  }
0x337: {  	v1 =	vand.u32 $0xFFFF0000, v3;
	[tilespmem:s29+$0x8420] =	vst.add.f32.msk $0xffff, v5  }
0x338: {  	[tilespmem:s29+$0x8430] =	vst.add.f32.msk $0xffff, v1;
	v1 =	vshll.u32 v2, $0x10  }
0x339: {  	v2 =	vand.u32 $0xFFFF0000, v2;
	[tilespmem:s3+$0x8480] =	vst.add.f32.msk $0xffff, v1  }
0x33a: {  	[tilespmem:s3+$0x8490] =	vst.add.f32.msk $0xffff, v2  }
0x33b: {  	v3 =	vand.u32 $0xFFFF0000, v4;
	v2 =	vld [tilespmem:s18+$0x50]  }
0x33c: {  	[tilespmem:s19+$0x8430] =	vst.add.f32.msk $0xffff, v3;
	v1 =	vshll.u32 v4, $0x10  }
0x33d: {  	[tilespmem:s19+$0x8420] =	vst.add.f32.msk $0xffff, v1  }
0x33e: {  	v1 =	vld [tilespmem:s1+$0x20]  }
0x33f: {  	v3 =	vld [tilespmem:s2+$0x20]  }
0x340: {  	v4 =	vld [tilespmem:s4+$0x20];
	v5 =	vshll.u32 v2, $0x10  }
0x341: {  	v2 =	vand.u32 $0xFFFF0000, v2;
	[tilespmem:s3+$0x84A0] =	vst.add.f32.msk $0xffff, v5  }
0x342: {  	[tilespmem:s3+$0x84B0] =	vst.add.f32.msk $0xffff, v2  }
0x343: {  	v2 =	vshll.u32 v1, $0x10;
	v5 =	vld [tilespmem:s18+$0x60]  }
0x344: {  	v1 =	vand.u32 $0xFFFF0000, v1;
	[tilespmem:s30+$0x8440] =	vst.add.f32.msk $0xffff, v2  }
0x345: {  	v2 =	vshll.u32 v3, $0x10;
	[tilespmem:s30+$0x8450] =	vst.add.f32.msk $0xffff, v1  }
0x346: {  	v1 =	vand.u32 $0xFFFF0000, v3;
	[tilespmem:s29+$0x8440] =	vst.add.f32.msk $0xffff, v2  }
0x347: {  	[tilespmem:s29+$0x8450] =	vst.add.f32.msk $0xffff, v1  }
0x348: {  	v1 =	vld [tilespmem:s1+$0x30];
	v2 =	vshll.u32 v5, $0x10  }
0x349: {  	v3 =	vand.u32 $0xFFFF0000, v5;
	[tilespmem:s3+$0x84C0] =	vst.add.f32.msk $0xffff, v2  }
0x34a: {  	[tilespmem:s3+$0x84D0] =	vst.add.f32.msk $0xffff, v3  }
0x34b: {  	v2 =	vshll.u32 v4, $0x10;
	v3 =	vld [tilespmem:s18+$0x70]  }
0x34c: {  	v4 =	vand.u32 $0xFFFF0000, v4;
	[tilespmem:s19+$0x8440] =	vst.add.f32.msk $0xffff, v2  }
0x34d: {  	[tilespmem:s19+$0x8450] =	vst.add.f32.msk $0xffff, v4  }
0x34e: {  	s26 =	sand.u32 $0x7, s0;
	v5 =	vshll.u32 v1, $0x10;
	v2 =	vld [tilespmem:s2+$0x30]  }
0x34f: {  	s5 =	sshll.u32 s26, $0x7;
	[tilespmem:s30+$0x8460] =	vst.add.f32.msk $0xffff, v5  }
0x350: {  	s5 =	sadd.s32 $0x0, s5;
	v4 =	vld [tilespmem:s4+$0x30];
	v5 =	vshll.u32 v3, $0x10  }
0x351: {  	s31 =	sadd.s32 $0x180, s5;
	v3 =	vand.u32 $0xFFFF0000, v3;
	[tilespmem:s3+$0x84E0] =	vst.add.f32.msk $0xffff, v5  }
0x352: {  	s8 =	sor.u32 $0x400, s31;
	[tilespmem:s3+$0x84F0] =	vst.add.f32.msk $0xffff, v3  }
0x353: {  	v1 =	vand.u32 $0xFFFF0000, v1;
	v3 =	vld [tilespmem:s8+$0x4400]  }
0x354: {  	[tilespmem:s30+$0x8470] =	vst.add.f32.msk $0xffff, v1;
	v1 =	vand.u32 $0xFFFF0000, v2  }
0x355: {  	[tilespmem:s29+$0x8470] =	vst.add.f32.msk $0xffff, v1  }
0x356: {  	v5 =	vshll.u32 v2, $0x10;
	v1 =	vld [tilespmem:s1+$0x40]  }
0x357: {  	v2 =	vshll.u32 v4, $0x10;
	[tilespmem:s29+$0x8460] =	vst.add.f32.msk $0xffff, v5  }
0x358: {  	[tilespmem:s19+$0x8460] =	vst.add.f32.msk $0xffff, v2;
	v2 =	vshll.u32 v3, $0x10  }
0x359: {  	v3 =	vand.u32 $0xFFFF0000, v3;
	[tilespmem:s3+$0x8500] =	vst.add.f32.msk $0xffff, v2  }
0x35a: {  	s9 =	sor.u32 $0x410, s31;
	[tilespmem:s3+$0x8510] =	vst.add.f32.msk $0xffff, v3  }
0x35b: {  	v5 =	vshll.u32 v1, $0x10;
	v3 =	vld [tilespmem:s9+$0x4400]  }
0x35c: {  	[tilespmem:s30+$0x8480] =	vst.add.f32.msk $0xffff, v5;
	v2 =	vand.u32 $0xFFFF0000, v4  }
0x35d: {  	[tilespmem:s19+$0x8470] =	vst.add.f32.msk $0xffff, v2  }
0x35e: {  	v1 =	vand.u32 $0xFFFF0000, v1;
	v2 =	vld [tilespmem:s2+$0x40]  }
0x35f: {  	[tilespmem:s30+$0x8490] =	vst.add.f32.msk $0xffff, v1  }
0x360: {  	v4 =	vld [tilespmem:s4+$0x40];
	v1 =	vshll.u32 v3, $0x10  }
0x361: {  	v3 =	vand.u32 $0xFFFF0000, v3;
	[tilespmem:s3+$0x8520] =	vst.add.f32.msk $0xffff, v1  }
0x362: {  	s11 =	sor.u32 $0x420, s31;
	[tilespmem:s3+$0x8530] =	vst.add.f32.msk $0xffff, v3  }
0x363: {  	v1 =	vshll.u32 v2, $0x10;
	v3 =	vld [tilespmem:s11+$0x4400]  }
0x364: {  	v2 =	vand.u32 $0xFFFF0000, v2;
	[tilespmem:s29+$0x8480] =	vst.add.f32.msk $0xffff, v1  }
0x365: {  	v1 =	vshll.u32 v4, $0x10;
	[tilespmem:s29+$0x8490] =	vst.add.f32.msk $0xffff, v2  }
0x366: {  	[tilespmem:s19+$0x8480] =	vst.add.f32.msk $0xffff, v1  }
0x367: {  	v1 =	vld [tilespmem:s1+$0x50]  }
0x368: {  	v2 =	vld [tilespmem:s2+$0x50];
	v5 =	vshll.u32 v3, $0x10  }
0x369: {  	v3 =	vand.u32 $0xFFFF0000, v3;
	[tilespmem:s3+$0x8540] =	vst.add.f32.msk $0xffff, v5  }
0x36a: {  	s12 =	sor.u32 $0x430, s31;
	[tilespmem:s3+$0x8550] =	vst.add.f32.msk $0xffff, v3  }
0x36b: {  	v3 =	vand.u32 $0xFFFF0000, v4;
	v4 =	vld [tilespmem:s12+$0x4400]  }
0x36c: {  	v5 =	vshll.u32 v1, $0x10;
	[tilespmem:s19+$0x8490] =	vst.add.f32.msk $0xffff, v3  }
0x36d: {  	v1 =	vand.u32 $0xFFFF0000, v1;
	[tilespmem:s30+$0x84A0] =	vst.add.f32.msk $0xffff, v5  }
0x36e: {  	[tilespmem:s30+$0x84B0] =	vst.add.f32.msk $0xffff, v1  }
0x36f: {  	v5 =	vshll.u32 v2, $0x10;
	v3 =	vld [tilespmem:s4+$0x50]  }
0x370: {  	[tilespmem:s29+$0x84A0] =	vst.add.f32.msk $0xffff, v5;
	v1 =	vshll.u32 v4, $0x10  }
0x371: {  	v4 =	vand.u32 $0xFFFF0000, v4;
	[tilespmem:s3+$0x8560] =	vst.add.f32.msk $0xffff, v1  }
0x372: {  	s13 =	sor.u32 $0x440, s31;
	[tilespmem:s3+$0x8570] =	vst.add.f32.msk $0xffff, v4  }
0x373: {  	v1 =	vand.u32 $0xFFFF0000, v2;
	v2 =	vld [tilespmem:s13+$0x4400]  }
0x374: {  	v4 =	vshll.u32 v3, $0x10;
	[tilespmem:s29+$0x84B0] =	vst.add.f32.msk $0xffff, v1  }
0x375: {  	v1 =	vand.u32 $0xFFFF0000, v3;
	[tilespmem:s19+$0x84A0] =	vst.add.f32.msk $0xffff, v4  }
0x376: {  	[tilespmem:s19+$0x84B0] =	vst.add.f32.msk $0xffff, v1  }
0x377: {  	v1 =	vld [tilespmem:s1+$0x60]  }
0x378: {  	v3 =	vld [tilespmem:s2+$0x60];
	v4 =	vshll.u32 v2, $0x10  }
0x379: {  	v2 =	vand.u32 $0xFFFF0000, v2;
	[tilespmem:s3+$0x8580] =	vst.add.f32.msk $0xffff, v4  }
0x37a: {  	s14 =	sor.u32 $0x450, s31;
	[tilespmem:s3+$0x8590] =	vst.add.f32.msk $0xffff, v2  }
0x37b: {  	v2 =	vld [tilespmem:s14+$0x4400]  }
0x37c: {  	v4 =	vld [tilespmem:s4+$0x60];
	v5 =	vshll.u32 v1, $0x10  }
0x37d: {  	v1 =	vand.u32 $0xFFFF0000, v1;
	[tilespmem:s30+$0x84C0] =	vst.add.f32.msk $0xffff, v5  }
0x37e: {  	v5 =	vshll.u32 v3, $0x10;
	[tilespmem:s30+$0x84D0] =	vst.add.f32.msk $0xffff, v1  }
0x37f: {  	v1 =	vand.u32 $0xFFFF0000, v3;
	[tilespmem:s29+$0x84C0] =	vst.add.f32.msk $0xffff, v5  }
0x380: {  	[tilespmem:s29+$0x84D0] =	vst.add.f32.msk $0xffff, v1;
	v1 =	vshll.u32 v2, $0x10  }
0x381: {  	v2 =	vand.u32 $0xFFFF0000, v2;
	[tilespmem:s3+$0x85A0] =	vst.add.f32.msk $0xffff, v1  }
0x382: {  	s15 =	sor.u32 $0x460, s31;
	[tilespmem:s3+$0x85B0] =	vst.add.f32.msk $0xffff, v2  }
0x383: {  	v3 =	vand.u32 $0xFFFF0000, v4;
	v2 =	vld [tilespmem:s15+$0x4400]  }
0x384: {  	[tilespmem:s19+$0x84D0] =	vst.add.f32.msk $0xffff, v3;
	v1 =	vshll.u32 v4, $0x10  }
0x385: {  	[tilespmem:s19+$0x84C0] =	vst.add.f32.msk $0xffff, v1  }
0x386: {  	v1 =	vld [tilespmem:s1+$0x70]  }
0x387: {  	v3 =	vld [tilespmem:s2+$0x70]  }
0x388: {  	v4 =	vld [tilespmem:s4+$0x70];
	v5 =	vshll.u32 v2, $0x10  }
0x389: {  	v2 =	vand.u32 $0xFFFF0000, v2;
	[tilespmem:s3+$0x85C0] =	vst.add.f32.msk $0xffff, v5  }
0x38a: {  	p0 =	por $0x0, $0x0;
	s16 =	sor.u32 $0x470, s31;
	s1 =	simm.s32 $0x1;
	[tilespmem:s3+$0x85D0] =	vst.add.f32.msk $0xffff, v2  }
0x38b: {  	s1 =	simm.s32 @!p0 $0x0;
	v2 =	vshll.u32 v1, $0x10;
	v5 =	vld [tilespmem:s16+$0x4400]  }
0x38c: {  	s1 =	sshll.u32 s1, $0x9;
	v1 =	vand.u32 $0xFFFF0000, v1;
	[tilespmem:s30+$0x84E0] =	vst.add.f32.msk $0xffff, v2  }
0x38d: {  	s1 =	sadd.s32 $0x0, s1;
	v2 =	vshll.u32 v3, $0x10;
	[tilespmem:s30+$0x84F0] =	vst.add.f32.msk $0xffff, v1  }
0x38e: {  	s17 =	sor.u32 $0x400, s1;
	[tilespmem:s29+$0x84E0] =	vst.add.f32.msk $0xffff, v2  }
0x38f: {  	s0 =	sand.u32 $0x3, s0;
	s2 =	sadd.s32 $0x80, s5;
	v1 =	vand.u32 $0xFFFF0000, v3;
	v2 =	vld [tilespmem:s17+$0x4400]  }
0x390: {  	s0 =	sshll.u32 s0, $0x8;
	s18 =	sor.u32 $0x400, s2;
	[tilespmem:s29+$0x84F0] =	vst.add.f32.msk $0xffff, v1  }
0x391: {  	s0 =	sadd.s32 $0x0, s0;
	v1 =	vshll.u32 v4, $0x10;
	v3 =	vld [tilespmem:s18+$0x4400]  }
0x392: {  	s0 =	sadd.s32 $0x100, s0;
	v4 =	vand.u32 $0xFFFF0000, v4;
	[tilespmem:s19+$0x84E0] =	vst.add.f32.msk $0xffff, v1  }
0x393: {  	s20 =	sor.u32 $0x400, s0;
	[tilespmem:s19+$0x84F0] =	vst.add.f32.msk $0xffff, v4  }
0x394: {  	v1 =	vld [tilespmem:s20+$0x4400];
	v4 =	vshll.u32 v2, $0x10  }
0x395: {  	v2 =	vand.u32 $0xFFFF0000, v2;
	[tilespmem:s30+$0x8500] =	vst.add.f32.msk $0xffff, v4  }
0x396: {  	v4 =	vshll.u32 v3, $0x10;
	[tilespmem:s30+$0x8510] =	vst.add.f32.msk $0xffff, v2  }
0x397: {  	s21 =	sor.u32 $0x410, s1;
	[tilespmem:s29+$0x8500] =	vst.add.f32.msk $0xffff, v4  }
0x398: {  	v2 =	vand.u32 $0xFFFF0000, v3;
	v3 =	vld [tilespmem:s21+$0x4400]  }
0x399: {  	s22 =	sor.u32 $0x410, s2;
	[tilespmem:s29+$0x8510] =	vst.add.f32.msk $0xffff, v2  }
0x39a: {  	v2 =	vshll.u32 v1, $0x10;
	v4 =	vld [tilespmem:s22+$0x4400]  }
0x39b: {  	v1 =	vand.u32 $0xFFFF0000, v1;
	[tilespmem:s19+$0x8500] =	vst.add.f32.msk $0xffff, v2  }
0x39c: {  	s23 =	sor.u32 $0x410, s0;
	[tilespmem:s19+$0x8510] =	vst.add.f32.msk $0xffff, v1  }
0x39d: {  	v1 =	vld [tilespmem:s23+$0x4400];
	v2 =	vshll.u32 v3, $0x10  }
0x39e: {  	v3 =	vand.u32 $0xFFFF0000, v3;
	[tilespmem:s30+$0x8520] =	vst.add.f32.msk $0xffff, v2  }
0x39f: {  	v2 =	vshll.u32 v4, $0x10;
	[tilespmem:s30+$0x8530] =	vst.add.f32.msk $0xffff, v3  }
0x3a0: {  	s24 =	sor.u32 $0x420, s1;
	[tilespmem:s29+$0x8520] =	vst.add.f32.msk $0xffff, v2  }
0x3a1: {  	v2 =	vand.u32 $0xFFFF0000, v4;
	v3 =	vld [tilespmem:s24+$0x4400]  }
0x3a2: {  	s25 =	sor.u32 $0x420, s2;
	[tilespmem:s29+$0x8530] =	vst.add.f32.msk $0xffff, v2  }
0x3a3: {  	v2 =	vshll.u32 v1, $0x10;
	v4 =	vld [tilespmem:s25+$0x4400]  }
0x3a4: {  	v1 =	vand.u32 $0xFFFF0000, v1;
	[tilespmem:s19+$0x8520] =	vst.add.f32.msk $0xffff, v2  }
0x3a5: {  	s26 =	sor.u32 $0x420, s0;
	[tilespmem:s19+$0x8530] =	vst.add.f32.msk $0xffff, v1  }
0x3a6: {  	v1 =	vld [tilespmem:s26+$0x4400];
	v2 =	vshll.u32 v3, $0x10  }
0x3a7: {  	v3 =	vand.u32 $0xFFFF0000, v3;
	[tilespmem:s30+$0x8540] =	vst.add.f32.msk $0xffff, v2  }
0x3a8: {  	s31 =	sor.u32 $0x430, s1;
	[tilespmem:s30+$0x8550] =	vst.add.f32.msk $0xffff, v3  }
0x3a9: {  	v2 =	vshll.u32 v4, $0x10;
	v3 =	vld [tilespmem:s31+$0x4400]  }
0x3aa: {  	[tilespmem:s29+$0x8540] =	vst.add.f32.msk $0xffff, v2;
	v2 =	vand.u32 $0xFFFF0000, v4  }
0x3ab: {  	s5 =	sor.u32 $0x430, s2;
	[tilespmem:s29+$0x8550] =	vst.add.f32.msk $0xffff, v2  }
0x3ac: {  	v2 =	vshll.u32 v1, $0x10;
	v4 =	vld [tilespmem:s5+$0x4400]  }
0x3ad: {  	v1 =	vand.u32 $0xFFFF0000, v1;
	[tilespmem:s19+$0x8540] =	vst.add.f32.msk $0xffff, v2  }
0x3ae: {  	s6 =	sor.u32 $0x430, s0;
	[tilespmem:s19+$0x8550] =	vst.add.f32.msk $0xffff, v1  }
0x3af: {  	v1 =	vld [tilespmem:s6+$0x4400];
	v2 =	vshll.u32 v3, $0x10  }
0x3b0: {  	v3 =	vand.u32 $0xFFFF0000, v3;
	[tilespmem:s30+$0x8560] =	vst.add.f32.msk $0xffff, v2  }
0x3b1: {  	[tilespmem:s30+$0x8570] =	vst.add.f32.msk $0xffff, v3;
	v2 =	vshll.u32 v4, $0x10  }
0x3b2: {  	v3 =	vand.u32 $0xFFFF0000, v4;
	[tilespmem:s29+$0x8560] =	vst.add.f32.msk $0xffff, v2  }
0x3b3: {  	s7 =	sor.u32 $0x440, s1;
	[tilespmem:s29+$0x8570] =	vst.add.f32.msk $0xffff, v3  }
0x3b4: {  	v2 =	vshll.u32 v1, $0x10;
	v3 =	vld [tilespmem:s7+$0x4400]  }
0x3b5: {  	s8 =	sor.u32 $0x440, s2;
	[tilespmem:s19+$0x8560] =	vst.add.f32.msk $0xffff, v2  }
0x3b6: {  	v1 =	vand.u32 $0xFFFF0000, v1;
	v2 =	vld [tilespmem:s8+$0x4400]  }
0x3b7: {  	s9 =	sor.u32 $0x440, s0;
	[tilespmem:s19+$0x8570] =	vst.add.f32.msk $0xffff, v1  }
0x3b8: {  	v1 =	vand.u32 $0xFFFF0000, v5;
	v4 =	vld [tilespmem:s9+$0x4400]  }
0x3b9: {  	[tilespmem:s3+$0x85F0] =	vst.add.f32.msk $0xffff, v1;
	v1 =	vshll.u32 v3, $0x10  }
0x3ba: {  	s21 =	simm.s32 $0x400;
	v3 =	vand.u32 $0xFFFF0000, v3;
	[tilespmem:s30+$0x8580] =	vst.add.f32.msk $0xffff, v1  }
0x3bb: {  	s12 =	sand.u32 $0x3800, s21;
	s23 =	simm.s32 $0x380;
	v1 =	vshll.u32 v2, $0x10;
	[tilespmem:s30+$0x8590] =	vst.add.f32.msk $0xffff, v3  }
0x3bc: {  	s14 =	sor.u32 $0x4400, s12;
	s15 =	sand.u32 $0x380, s23;
	v2 =	vand.u32 $0xFFFF0000, v2;
	[tilespmem:s29+$0x8580] =	vst.add.f32.msk $0xffff, v1  }
0x3bd: {  	s18 =	sor.u32 s15, s14;
	[tilespmem:s29+$0x8590] =	vst.add.f32.msk $0xffff, v2  }
0x3be: {  	v1 =	vshll.u32 v4, $0x10;
	v2 =	vand.u32 $0xFFFF0000, v4;
	v4 =	vshll.u32 v5, $0x10;
	v5 =	vld [tilespmem:s18+$0x0]  }
0x3bf: {  	[tilespmem:s19+$0x8580] =	vst.add.f32.msk $0xffff, v1  }
0x3c0: {  	s11 =	sor.u32 $0x450, s1;
	[tilespmem:s19+$0x8590] =	vst.add.f32.msk $0xffff, v2  }
0x3c1: {  	s16 =	simm.s32 $0x200;
	s5 =	sor.u32 $0x450, s2;
	v2 =	vld [tilespmem:s11+$0x4400]  }
0x3c2: {  	s22 =	sand.u32 $0x200, s16;
	s25 =	sadd.s32 $0x4, s10;
	v3 =	vld [tilespmem:s5+$0x4400]  }
0x3c3: {  	s17 =	simm.s32 $0x280;
	s4 =	sor.u32 s22, s14;
	s26 =	sld [smem:s25+$0x0];
	[tilespmem:s3+$0x85E0] =	vst.add.f32.msk $0xffff, v4  }
0x3c4: {  	s13 =	sor.u32 $0x450, s0;
	s20 =	simm.s32 $0x300;
	s24 =	sand.u32 $0x280, s17;
	v4 =	vld [tilespmem:s4+$0x0]  }
0x3c5: {  	s9 =	sand.u32 $0x300, s20;
	s3 =	sor.u32 s24, s14;
	v1 =	vld [tilespmem:s13+$0x4400]  }
0x3c6: {  	s10 =	sld [smem:s25+$0xFFFFFFFF];
	s8 =	sshll.u32 s26, $0xB;
	s5 =	sor.u32 s9, s14;
	v6 =	vld [tilespmem:s3+$0x0]  }
0x3c7: {  	s31 =	sld [smem:s25+$0xFFFFFFFD];
	s26 =	sshra.s32 s8, $0x2;
	v8 =	vld [tilespmem:s5+$0x0];
	v9 =	vshll.u32 v5, $0x10  }
0x3c8: {  	s11 =	sld [smem:s25+$0xFFFFFFFE];
	v5 =	vand.u32 $0xFFFF0000, v5;
	[tilespmem:s26+$0x8400] =	vst.add.f32.msk $0xffff, v9  }
0x3c9: {  	v7 =	vshll.u32 v2, $0x10;
	[tilespmem:s26+$0x8410] =	vst.add.f32.msk $0xffff, v5  }
0x3ca: {  	s7 =	sshll.u32 s31, $0xB;
	[tilespmem:s30+$0x85A0] =	vst.add.f32.msk $0xffff, v7  }
0x3cb: {  	s20 =	sshra.s32 s7, $0x2;
	v5 =	vshll.u32 v4, $0x10;
	v38 =	vld [tilespmem:s18+$0x10]  }
0x3cc: {  	v4 =	vand.u32 $0xFFFF0000, v4;
	[tilespmem:s20+$0x8400] =	vst.add.f32.msk $0xffff, v5  }
0x3cd: {  	v2 =	vand.u32 $0xFFFF0000, v2;
	[tilespmem:s20+$0x8410] =	vst.add.f32.msk $0xffff, v4  }
0x3ce: {  	s12 =	sshll.u32 s11, $0xB;
	v42 =	vshll.u32 v3, $0x10;
	[tilespmem:s30+$0x85B0] =	vst.add.f32.msk $0xffff, v2  }
0x3cf: {  	s22 =	sshra.s32 s12, $0x2;
	v5 =	vshll.u32 v6, $0x10;
	[tilespmem:s29+$0x85A0] =	vst.add.f32.msk $0xffff, v42  }
0x3d0: {  	s13 =	sshll.u32 s10, $0xB;
	v4 =	vand.u32 $0xFFFF0000, v6;
	[tilespmem:s22+$0x8400] =	vst.add.f32.msk $0xffff, v5  }
0x3d1: {  	s24 =	sshra.s32 s13, $0x2;
	v5 =	vshll.u32 v8, $0x10;
	[tilespmem:s22+$0x8410] =	vst.add.f32.msk $0xffff, v4  }
0x3d2: {  	[tilespmem:s24+$0x8400] =	vst.add.f32.msk $0xffff, v5;
	v4 =	vshll.u32 v38, $0x10  }
0x3d3: {  	v5 =	vand.u32 $0xFFFF0000, v38;
	[tilespmem:s26+$0x8420] =	vst.add.f32.msk $0xffff, v4  }
0x3d4: {  	[tilespmem:s26+$0x8430] =	vst.add.f32.msk $0xffff, v5  }
0x3d5: {  	v3 =	vand.u32 $0xFFFF0000, v3;
	v5 =	vld [tilespmem:s18+$0x20]  }
0x3d6: {  	[tilespmem:s29+$0x85B0] =	vst.add.f32.msk $0xffff, v3;
	v4 =	vand.u32 $0xFFFF0000, v8  }
0x3d7: {  	[tilespmem:s24+$0x8410] =	vst.add.f32.msk $0xffff, v4  }
0x3d8: {  	v4 =	vld [tilespmem:s4+$0x10]  }
0x3d9: {  	v39 =	vld [tilespmem:s3+$0x10]  }
0x3da: {  	v40 =	vld [tilespmem:s5+$0x10];
	v41 =	vshll.u32 v5, $0x10  }
0x3db: {  	v2 =	vand.u32 $0xFFFF0000, v5;
	[tilespmem:s26+$0x8440] =	vst.add.f32.msk $0xffff, v41  }
0x3dc: {  	[tilespmem:s26+$0x8450] =	vst.add.f32.msk $0xffff, v2  }
0x3dd: {  	v2 =	vshll.u32 v4, $0x10;
	v5 =	vld [tilespmem:s18+$0x30]  }
0x3de: {  	v4 =	vand.u32 $0xFFFF0000, v4;
	[tilespmem:s20+$0x8420] =	vst.add.f32.msk $0xffff, v2  }
0x3df: {  	v2 =	vshll.u32 v39, $0x10;
	[tilespmem:s20+$0x8430] =	vst.add.f32.msk $0xffff, v4  }
0x3e0: {  	v4 =	vand.u32 $0xFFFF0000, v39;
	[tilespmem:s22+$0x8420] =	vst.add.f32.msk $0xffff, v2  }
0x3e1: {  	v2 =	vshll.u32 v40, $0x10;
	[tilespmem:s22+$0x8430] =	vst.add.f32.msk $0xffff, v4  }
0x3e2: {  	[tilespmem:s24+$0x8420] =	vst.add.f32.msk $0xffff, v2;
	v2 =	vshll.u32 v5, $0x10  }
0x3e3: {  	v4 =	vand.u32 $0xFFFF0000, v5;
	[tilespmem:s26+$0x8460] =	vst.add.f32.msk $0xffff, v2  }
0x3e4: {  	[tilespmem:s26+$0x8470] =	vst.add.f32.msk $0xffff, v4  }
0x3e5: {  	s10 =	sor.u32 $0x460, s1;
	v4 =	vld [tilespmem:s18+$0x40]  }
0x3e6: {  	v51 =	vld [tilespmem:s10+$0x4400];
	v2 =	vand.u32 $0xFFFF0000, v40  }
0x3e7: {  	[tilespmem:s24+$0x8430] =	vst.add.f32.msk $0xffff, v2  }
0x3e8: {  	v2 =	vld [tilespmem:s4+$0x20]  }
0x3e9: {  	v5 =	vld [tilespmem:s3+$0x20]  }
0x3ea: {  	v43 =	vld [tilespmem:s5+$0x20];
	v44 =	vshll.u32 v4, $0x10  }
0x3eb: {  	v4 =	vand.u32 $0xFFFF0000, v4;
	[tilespmem:s26+$0x8480] =	vst.add.f32.msk $0xffff, v44  }
0x3ec: {  	[tilespmem:s26+$0x8490] =	vst.add.f32.msk $0xffff, v4  }
0x3ed: {  	v4 =	vshll.u32 v2, $0x10;
	v45 =	vld [tilespmem:s18+$0x50]  }
0x3ee: {  	v2 =	vand.u32 $0xFFFF0000, v2;
	[tilespmem:s20+$0x8440] =	vst.add.f32.msk $0xffff, v4  }
0x3ef: {  	v4 =	vshll.u32 v5, $0x10;
	[tilespmem:s20+$0x8450] =	vst.add.f32.msk $0xffff, v2  }
0x3f0: {  	v2 =	vand.u32 $0xFFFF0000, v5;
	[tilespmem:s22+$0x8440] =	vst.add.f32.msk $0xffff, v4  }
0x3f1: {  	v4 =	vshll.u32 v43, $0x10;
	[tilespmem:s22+$0x8450] =	vst.add.f32.msk $0xffff, v2  }
0x3f2: {  	[tilespmem:s24+$0x8440] =	vst.add.f32.msk $0xffff, v4;
	v2 =	vshll.u32 v45, $0x10  }
0x3f3: {  	v4 =	vand.u32 $0xFFFF0000, v45;
	[tilespmem:s26+$0x84A0] =	vst.add.f32.msk $0xffff, v2  }
0x3f4: {  	[tilespmem:s26+$0x84B0] =	vst.add.f32.msk $0xffff, v4  }
0x3f5: {  	s13 =	sor.u32 $0x460, s2;
	v4 =	vld [tilespmem:s18+$0x60]  }
0x3f6: {  	v52 =	vld [tilespmem:s13+$0x4400];
	v2 =	vand.u32 $0xFFFF0000, v43  }
0x3f7: {  	[tilespmem:s24+$0x8450] =	vst.add.f32.msk $0xffff, v2  }
0x3f8: {  	v2 =	vld [tilespmem:s4+$0x30]  }
0x3f9: {  	v5 =	vld [tilespmem:s3+$0x30]  }
0x3fa: {  	v46 =	vld [tilespmem:s5+$0x30];
	v47 =	vshll.u32 v4, $0x10  }
0x3fb: {  	v3 =	vand.u32 $0xFFFF0000, v4;
	[tilespmem:s26+$0x84C0] =	vst.add.f32.msk $0xffff, v47  }
0x3fc: {  	[tilespmem:s26+$0x84D0] =	vst.add.f32.msk $0xffff, v3  }
0x3fd: {  	v3 =	vshll.u32 v2, $0x10;
	v4 =	vld [tilespmem:s18+$0x70]  }
0x3fe: {  	v2 =	vand.u32 $0xFFFF0000, v2;
	[tilespmem:s20+$0x8460] =	vst.add.f32.msk $0xffff, v3  }
0x3ff: {  	s28 =	simm.s32 $0x4;
	v3 =	vshll.u32 v5, $0x10;
	[tilespmem:s20+$0x8470] =	vst.add.f32.msk $0xffff, v2  }
0x400: {  	s14 =	sand.u32 $0x7, s28;
	v2 =	vand.u32 $0xFFFF0000, v5;
	[tilespmem:s22+$0x8460] =	vst.add.f32.msk $0xffff, v3  }
0x401: {  	s6 =	sshll.u32 s14, $0x7;
	v3 =	vshll.u32 v46, $0x10;
	[tilespmem:s22+$0x8470] =	vst.add.f32.msk $0xffff, v2  }
0x402: {  	s6 =	sadd.s32 $0x400, s6;
	[tilespmem:s24+$0x8460] =	vst.add.f32.msk $0xffff, v3;
	v2 =	vshll.u32 v4, $0x10  }
0x403: {  	s15 =	sadd.s32 $0x180, s6;
	v3 =	vand.u32 $0xFFFF0000, v4;
	[tilespmem:s26+$0x84E0] =	vst.add.f32.msk $0xffff, v2  }
0x404: {  	s16 =	sor.u32 $0x400, s15;
	[tilespmem:s26+$0x84F0] =	vst.add.f32.msk $0xffff, v3  }
0x405: {  	v5 =	vshll.u32 v1, $0x10;
	v3 =	vld [tilespmem:s16+$0x4400]  }
0x406: {  	[tilespmem:s19+$0x85A0] =	vst.add.f32.msk $0xffff, v5;
	v2 =	vand.u32 $0xFFFF0000, v46  }
0x407: {  	[tilespmem:s24+$0x8470] =	vst.add.f32.msk $0xffff, v2  }
0x408: {  	v2 =	vld [tilespmem:s4+$0x40]  }
0x409: {  	v4 =	vld [tilespmem:s3+$0x40]  }
0x40a: {  	v48 =	vld [tilespmem:s5+$0x40];
	v49 =	vshll.u32 v3, $0x10  }
0x40b: {  	v3 =	vand.u32 $0xFFFF0000, v3;
	[tilespmem:s26+$0x8500] =	vst.add.f32.msk $0xffff, v49  }
0x40c: {  	s17 =	sor.u32 $0x410, s15;
	[tilespmem:s26+$0x8510] =	vst.add.f32.msk $0xffff, v3  }
0x40d: {  	v3 =	vshll.u32 v2, $0x10;
	v5 =	vld [tilespmem:s17+$0x4400]  }
0x40e: {  	v2 =	vand.u32 $0xFFFF0000, v2;
	[tilespmem:s20+$0x8480] =	vst.add.f32.msk $0xffff, v3  }
0x40f: {  	v3 =	vshll.u32 v4, $0x10;
	[tilespmem:s20+$0x8490] =	vst.add.f32.msk $0xffff, v2  }
0x410: {  	v2 =	vand.u32 $0xFFFF0000, v4;
	[tilespmem:s22+$0x8480] =	vst.add.f32.msk $0xffff, v3  }
0x411: {  	v3 =	vshll.u32 v48, $0x10;
	[tilespmem:s22+$0x8490] =	vst.add.f32.msk $0xffff, v2  }
0x412: {  	[tilespmem:s24+$0x8480] =	vst.add.f32.msk $0xffff, v3;
	v2 =	vshll.u32 v5, $0x10  }
0x413: {  	v3 =	vand.u32 $0xFFFF0000, v5;
	[tilespmem:s26+$0x8520] =	vst.add.f32.msk $0xffff, v2  }
0x414: {  	s18 =	sor.u32 $0x420, s15;
	[tilespmem:s26+$0x8530] =	vst.add.f32.msk $0xffff, v3  }
0x415: {  	v1 =	vand.u32 $0xFFFF0000, v1;
	v3 =	vld [tilespmem:s18+$0x4400]  }
0x416: {  	[tilespmem:s19+$0x85B0] =	vst.add.f32.msk $0xffff, v1;
	v2 =	vand.u32 $0xFFFF0000, v48  }
0x417: {  	[tilespmem:s24+$0x8490] =	vst.add.f32.msk $0xffff, v2  }
0x418: {  	v2 =	vld [tilespmem:s4+$0x50]  }
0x419: {  	v4 =	vld [tilespmem:s3+$0x50]  }
0x41a: {  	v5 =	vld [tilespmem:s5+$0x50];
	v50 =	vshll.u32 v3, $0x10  }
0x41b: {  	v1 =	vand.u32 $0xFFFF0000, v3;
	[tilespmem:s26+$0x8540] =	vst.add.f32.msk $0xffff, v50  }
0x41c: {  	s31 =	sor.u32 $0x430, s15;
	[tilespmem:s26+$0x8550] =	vst.add.f32.msk $0xffff, v1  }
0x41d: {  	v1 =	vshll.u32 v2, $0x10;
	v3 =	vld [tilespmem:s31+$0x4400]  }
0x41e: {  	v2 =	vand.u32 $0xFFFF0000, v2;
	[tilespmem:s20+$0x84A0] =	vst.add.f32.msk $0xffff, v1  }
0x41f: {  	v1 =	vshll.u32 v4, $0x10;
	[tilespmem:s20+$0x84B0] =	vst.add.f32.msk $0xffff, v2  }
0x420: {  	v2 =	vand.u32 $0xFFFF0000, v4;
	[tilespmem:s22+$0x84A0] =	vst.add.f32.msk $0xffff, v1  }
0x421: {  	v1 =	vshll.u32 v5, $0x10;
	[tilespmem:s22+$0x84B0] =	vst.add.f32.msk $0xffff, v2  }
0x422: {  	[tilespmem:s24+$0x84A0] =	vst.add.f32.msk $0xffff, v1;
	v1 =	vshll.u32 v3, $0x10  }
0x423: {  	v2 =	vand.u32 $0xFFFF0000, v3;
	[tilespmem:s26+$0x8560] =	vst.add.f32.msk $0xffff, v1  }
0x424: {  	s9 =	sor.u32 $0x440, s15;
	[tilespmem:s26+$0x8570] =	vst.add.f32.msk $0xffff, v2  }
0x425: {  	v6 =	vand.u32 $0xFFFF0000, v51;
	v2 =	vld [tilespmem:s9+$0x4400]  }
0x426: {  	[tilespmem:s30+$0x85D0] =	vst.add.f32.msk $0xffff, v6;
	v1 =	vand.u32 $0xFFFF0000, v5  }
0x427: {  	[tilespmem:s24+$0x84B0] =	vst.add.f32.msk $0xffff, v1  }
0x428: {  	v1 =	vld [tilespmem:s4+$0x60]  }
0x429: {  	v3 =	vld [tilespmem:s3+$0x60]  }
0x42a: {  	v4 =	vld [tilespmem:s5+$0x60];
	v5 =	vshll.u32 v2, $0x10  }
0x42b: {  	v2 =	vand.u32 $0xFFFF0000, v2;
	[tilespmem:s26+$0x8580] =	vst.add.f32.msk $0xffff, v5  }
0x42c: {  	s11 =	sor.u32 $0x450, s15;
	[tilespmem:s26+$0x8590] =	vst.add.f32.msk $0xffff, v2  }
0x42d: {  	v2 =	vshll.u32 v1, $0x10;
	v5 =	vld [tilespmem:s11+$0x4400]  }
0x42e: {  	v1 =	vand.u32 $0xFFFF0000, v1;
	[tilespmem:s20+$0x84C0] =	vst.add.f32.msk $0xffff, v2  }
0x42f: {  	v2 =	vshll.u32 v3, $0x10;
	[tilespmem:s20+$0x84D0] =	vst.add.f32.msk $0xffff, v1  }
0x430: {  	v1 =	vand.u32 $0xFFFF0000, v3;
	[tilespmem:s22+$0x84C0] =	vst.add.f32.msk $0xffff, v2  }
0x431: {  	v2 =	vshll.u32 v4, $0x10;
	[tilespmem:s22+$0x84D0] =	vst.add.f32.msk $0xffff, v1  }
0x432: {  	[tilespmem:s24+$0x84C0] =	vst.add.f32.msk $0xffff, v2;
	v1 =	vshll.u32 v5, $0x10  }
0x433: {  	v2 =	vand.u32 $0xFFFF0000, v5;
	[tilespmem:s26+$0x85A0] =	vst.add.f32.msk $0xffff, v1  }
0x434: {  	s12 =	sor.u32 $0x460, s15;
	[tilespmem:s26+$0x85B0] =	vst.add.f32.msk $0xffff, v2  }
0x435: {  	v54 =	vand.u32 $0xFFFF0000, v52;
	v2 =	vld [tilespmem:s12+$0x4400]  }
0x436: {  	[tilespmem:s29+$0x85D0] =	vst.add.f32.msk $0xffff, v54  }
0x437: {  	v3 =	vld [tilespmem:s4+$0x70]  }
0x438: {  	v1 =	vand.u32 $0xFFFF0000, v4;
	v4 =	vld [tilespmem:s3+$0x70]  }
0x439: {  	[tilespmem:s24+$0x84D0] =	vst.add.f32.msk $0xffff, v1  }
0x43a: {  	v5 =	vld [tilespmem:s5+$0x70];
	v1 =	vshll.u32 v2, $0x10  }
0x43b: {  	v2 =	vand.u32 $0xFFFF0000, v2;
	[tilespmem:s26+$0x85C0] =	vst.add.f32.msk $0xffff, v1  }
0x43c: {  	s14 =	sor.u32 $0x470, s15;
	[tilespmem:s26+$0x85D0] =	vst.add.f32.msk $0xffff, v2  }
0x43d: {  	v2 =	vshll.u32 v3, $0x10;
	v1 =	vld [tilespmem:s14+$0x4400]  }
0x43e: {  	v3 =	vand.u32 $0xFFFF0000, v3;
	[tilespmem:s20+$0x84E0] =	vst.add.f32.msk $0xffff, v2  }
0x43f: {  	p0 =	por !p0, !p0;
	s3 =	simm.s32 $0x1;
	v2 =	vshll.u32 v4, $0x10;
	[tilespmem:s20+$0x84F0] =	vst.add.f32.msk $0xffff, v3  }
0x440: {  	s3 =	simm.s32 @!p0 $0x0;
	v3 =	vand.u32 $0xFFFF0000, v4;
	[tilespmem:s22+$0x84E0] =	vst.add.f32.msk $0xffff, v2  }
0x441: {  	s3 =	sshll.u32 s3, $0x9;
	v2 =	vshll.u32 v5, $0x10;
	[tilespmem:s22+$0x84F0] =	vst.add.f32.msk $0xffff, v3  }
0x442: {  	s15 =	simm.s32 $0x2;
	s5 =	sadd.s32 $0x400, s3;
	[tilespmem:s24+$0x84E0] =	vst.add.f32.msk $0xffff, v2;
	v2 =	vand.u32 $0xFFFF0000, v1  }
0x443: {  	s4 =	sand.u32 $0x3, s15;
	s16 =	sor.u32 $0x400, s5;
	[tilespmem:s26+$0x85F0] =	vst.add.f32.msk $0xffff, v2  }
0x444: {  	s4 =	sshll.u32 s4, $0x8;
	s3 =	sadd.s32 $0x80, s6;
	v3 =	vand.u32 $0xFFFF0000, v5;
	v2 =	vld [tilespmem:s16+$0x4400]  }
0x445: {  	s4 =	sadd.s32 $0x400, s4;
	s17 =	sor.u32 $0x400, s3;
	[tilespmem:s24+$0x84F0] =	vst.add.f32.msk $0xffff, v3  }
0x446: {  	s31 =	sor.u32 $0x460, s0;
	s7 =	sadd.s32 $0x100, s4;
	v3 =	vld [tilespmem:s17+$0x4400]  }
0x447: {  	v53 =	vld [tilespmem:s31+$0x4400];
	s18 =	sor.u32 $0x400, s7  }
0x448: {  	v5 =	vshll.u32 v51, $0x10;
	v4 =	vld [tilespmem:s18+$0x4400]  }
0x449: {  	[tilespmem:s30+$0x85C0] =	vst.add.f32.msk $0xffff, v5;
	v5 =	vshll.u32 v2, $0x10  }
0x44a: {  	v2 =	vand.u32 $0xFFFF0000, v2;
	[tilespmem:s20+$0x8500] =	vst.add.f32.msk $0xffff, v5  }
0x44b: {  	v5 =	vshll.u32 v3, $0x10;
	[tilespmem:s20+$0x8510] =	vst.add.f32.msk $0xffff, v2  }
0x44c: {  	v2 =	vand.u32 $0xFFFF0000, v3;
	[tilespmem:s22+$0x8500] =	vst.add.f32.msk $0xffff, v5  }
0x44d: {  	v3 =	vshll.u32 v4, $0x10;
	[tilespmem:s22+$0x8510] =	vst.add.f32.msk $0xffff, v2  }
0x44e: {  	v2 =	vand.u32 $0xFFFF0000, v4;
	[tilespmem:s24+$0x8500] =	vst.add.f32.msk $0xffff, v3  }
0x44f: {  	s8 =	sor.u32 $0x410, s5;
	[tilespmem:s24+$0x8510] =	vst.add.f32.msk $0xffff, v2  }
0x450: {  	s9 =	sor.u32 $0x410, s3;
	v2 =	vld [tilespmem:s8+$0x4400]  }
0x451: {  	v4 =	vshll.u32 v52, $0x10;
	v3 =	vld [tilespmem:s9+$0x4400]  }
0x452: {  	s10 =	sor.u32 $0x410, s7;
	[tilespmem:s29+$0x85C0] =	vst.add.f32.msk $0xffff, v4  }
0x453: {  	v4 =	vshll.u32 v53, $0x10;
	v5 =	vld [tilespmem:s10+$0x4400]  }
0x454: {  	s2 =	sor.u32 $0x470, s2;
	[tilespmem:s19+$0x85C0] =	vst.add.f32.msk $0xffff, v4  }
0x455: {  	v57 =	vld [tilespmem:s2+$0x4400];
	v55 =	vshll.u32 v2, $0x10  }
0x456: {  	v2 =	vand.u32 $0xFFFF0000, v2;
	[tilespmem:s20+$0x8520] =	vst.add.f32.msk $0xffff, v55  }
0x457: {  	v4 =	vshll.u32 v3, $0x10;
	[tilespmem:s20+$0x8530] =	vst.add.f32.msk $0xffff, v2  }
0x458: {  	v2 =	vand.u32 $0xFFFF0000, v3;
	[tilespmem:s22+$0x8520] =	vst.add.f32.msk $0xffff, v4  }
0x459: {  	v3 =	vshll.u32 v5, $0x10;
	[tilespmem:s22+$0x8530] =	vst.add.f32.msk $0xffff, v2  }
0x45a: {  	v4 =	vand.u32 $0xFFFF0000, v53;
	[tilespmem:s24+$0x8520] =	vst.add.f32.msk $0xffff, v3  }
0x45b: {  	v2 =	vand.u32 $0xFFFF0000, v5;
	[tilespmem:s19+$0x85D0] =	vst.add.f32.msk $0xffff, v4  }
0x45c: {  	s11 =	sor.u32 $0x420, s5;
	[tilespmem:s24+$0x8530] =	vst.add.f32.msk $0xffff, v2  }
0x45d: {  	s1 =	sor.u32 $0x470, s1;
	v2 =	vld [tilespmem:s11+$0x4400]  }
0x45e: {  	s12 =	sor.u32 $0x420, s3;
	v4 =	vld [tilespmem:s1+$0x4400]  }
0x45f: {  	v62 =	vand.u32 $0xFFFF0000, v57;
	v3 =	vld [tilespmem:s12+$0x4400]  }
0x460: {  	s13 =	sor.u32 $0x420, s7;
	[tilespmem:s29+$0x85F0] =	vst.add.f32.msk $0xffff, v62  }
0x461: {  	s0 =	sor.u32 $0x470, s0;
	v5 =	vld [tilespmem:s13+$0x4400]  }
0x462: {  	v60 =	vld [tilespmem:s0+$0x4400];
	v56 =	vshll.u32 v2, $0x10  }
0x463: {  	v2 =	vand.u32 $0xFFFF0000, v2;
	[tilespmem:s20+$0x8540] =	vst.add.f32.msk $0xffff, v56  }
0x464: {  	v58 =	vshll.u32 v3, $0x10;
	[tilespmem:s20+$0x8550] =	vst.add.f32.msk $0xffff, v2  }
0x465: {  	v2 =	vand.u32 $0xFFFF0000, v3;
	[tilespmem:s22+$0x8540] =	vst.add.f32.msk $0xffff, v58  }
0x466: {  	[tilespmem:s22+$0x8550] =	vst.add.f32.msk $0xffff, v2;
	v2 =	vand.u32 $0xFFFF0000, v5  }
0x467: {  	s14 =	sor.u32 $0x430, s5;
	[tilespmem:s24+$0x8550] =	vst.add.f32.msk $0xffff, v2  }
0x468: {  	v3 =	vshll.u32 v5, $0x10;
	v2 =	vld [tilespmem:s14+$0x4400]  }
0x469: {  	s15 =	sor.u32 $0x430, s3;
	[tilespmem:s24+$0x8540] =	vst.add.f32.msk $0xffff, v3  }
0x46a: {  	v59 =	vshll.u32 v4, $0x10;
	v3 =	vld [tilespmem:s15+$0x4400]  }
0x46b: {  	s16 =	sor.u32 $0x430, s7;
	[tilespmem:s30+$0x85E0] =	vst.add.f32.msk $0xffff, v59  }
0x46c: {  	v4 =	vand.u32 $0xFFFF0000, v4;
	v5 =	vld [tilespmem:s16+$0x4400]  }
0x46d: {  	[tilespmem:s30+$0x85F0] =	vst.add.f32.msk $0xffff, v4;
	v61 =	vshll.u32 v2, $0x10  }
0x46e: {  	v2 =	vand.u32 $0xFFFF0000, v2;
	[tilespmem:s20+$0x8560] =	vst.add.f32.msk $0xffff, v61  }
0x46f: {  	v4 =	vshll.u32 v3, $0x10;
	[tilespmem:s20+$0x8570] =	vst.add.f32.msk $0xffff, v2  }
0x470: {  	v2 =	vand.u32 $0xFFFF0000, v3;
	[tilespmem:s22+$0x8560] =	vst.add.f32.msk $0xffff, v4  }
0x471: {  	[tilespmem:s22+$0x8570] =	vst.add.f32.msk $0xffff, v2;
	v2 =	vand.u32 $0xFFFF0000, v5  }
0x472: {  	s17 =	sor.u32 $0x440, s5;
	[tilespmem:s24+$0x8570] =	vst.add.f32.msk $0xffff, v2  }
0x473: {  	v3 =	vshll.u32 v5, $0x10;
	v2 =	vld [tilespmem:s17+$0x4400]  }
0x474: {  	v4 =	vshll.u32 v57, $0x10;
	[tilespmem:s24+$0x8560] =	vst.add.f32.msk $0xffff, v3  }
0x475: {  	s18 =	sor.u32 $0x440, s3;
	[tilespmem:s29+$0x85E0] =	vst.add.f32.msk $0xffff, v4  }
0x476: {  	v4 =	vshll.u32 v60, $0x10;
	v3 =	vld [tilespmem:s18+$0x4400]  }
0x477: {  	s30 =	sor.u32 $0x440, s7;
	[tilespmem:s19+$0x85E0] =	vst.add.f32.msk $0xffff, v4  }
0x478: {  	v5 =	vld [tilespmem:s30+$0x4400];
	v63 =	vshll.u32 v2, $0x10  }
0x479: {  	s31 =	sor.u32 $0x460, s5;
	[tilespmem:s20+$0x8580] =	vst.add.f32.msk $0xffff, v63  }
0x47a: {  	v2 =	vand.u32 $0xFFFF0000, v2;
	[dreg:$0x5] =	wrdreg s31  }
0x47b: {  	s4 =	sor.u32 $0x450, s7;
	p0 =	por !p0, !p0;
	v4 =	vshll.u32 v3, $0x10;
	[tilespmem:s20+$0x8590] =	vst.add.f32.msk $0xffff, v2  }
0x47c: {  	s6 =	sor.u32 $0x450, s5;
	s5 =	sor.u32 $0x470, s5;
	s8 =	sor.u32 $0x460, s3;
	v2 =	vand.u32 $0xFFFF0000, v3;
	[tilespmem:s22+$0x8580] =	vst.add.f32.msk $0xffff, v4  }
0x47d: {  	s9 =	simm.s32 $0x4;
	s10 =	sor.u32 $0x470, s3;
	s11 =	sor.u32 $0x460, s7;
	v4 =	vshll.u32 v5, $0x10;
	[tilespmem:s22+$0x8590] =	vst.add.f32.msk $0xffff, v2  }
0x47e: {  	v1 =	vshll.u32 v1, $0x10;
	s0 =	sor.u32 $0x470, s7;
	s14 =	simm.s32 $0x4;
	s15 =	sor.u32 $0x450, s3;
	v3 =	vand.u32 $0xFFFF0000, v5;
	v2 =	vand.u32 $0xFFFF0000, v60;
	[tilespmem:s24+$0x8580] =	vst.add.f32.msk $0xffff, v4  }
.LBB2_9:
0x47f: {  	[tilespmem:s24+$0x8590] =	vst.add.f32.msk $0xffff, v3  }
0x480: {  	s3 =	sand.u32 $0x3, s9;
	v3 =	vld [tilespmem:s6+$0x4400];
	s21 =	sadd.s32 $0x400, s21  }
0x481: {  	v4 =	vld [tilespmem:s15+$0x4400];
	s23 =	sadd.s32 $0x200, s23;
	s25 =	sadd.s32 $0x4, s25;
	s13 =	sand.u32 $0x3800, s21  }
0x482: {  	s3 =	sshll.u32 s3, $0x8;
	s16 =	sand.u32 $0x380, s23;
	v5 =	vld [tilespmem:s4+$0x4400];
	s7 =	sor.u32 $0x4400, s13  }
0x483: {  	s15 =	sadd.s32 $0xFFFFFE80, s23;
	[tilespmem:s19+$0x85F0] =	vst.add.f32.msk $0xffff, v2;
	s1 =	sadd.s32 s21, s3;
	s3 =	sor.u32 s16, s7  }
0x484: {  	s17 =	sadd.s32 $0xFFFFFF00, s23;
	s18 =	sadd.s32 $0xFFFFFF80, s23;
	s6 =	sand.u32 $0x200, s15;
	v6 =	vld [tilespmem:s3+$0x0]  }
0x485: {  	s12 =	sld [smem:s25+$0x0];
	s4 =	sand.u32 $0x280, s17;
	s29 =	sor.u32 s6, s7;
	[tilespmem:s26+$0x85E0] =	vst.add.f32.msk $0xffff, v1  }
0x486: {  	[dreg:$0x9] =	wrdreg s10;
	s19 =	sand.u32 $0x300, s18;
	s10 =	sor.u32 s4, s7;
	v9 =	vld [tilespmem:s29+$0x0];
	v7 =	vshll.u32 v3, $0x10  }
0x487: {  	[dreg:$0x1d] =	wrdreg s11;
	s11 =	sor.u32 s19, s7;
	v8 =	vand.u32 $0xFFFF0000, v3;
	v10 =	vshll.u32 v4, $0x10;
	v3 =	vand.u32 $0xFFFF0000, v4;
	v4 =	vld [tilespmem:s10+$0x0]  }
0x488: {  	s13 =	sld [smem:s25+$0xFFFFFFFD];
	s12 =	sshll.u32 s12, $0xB;
	v2 =	vshll.u32 v5, $0x10;
	v1 =	vand.u32 $0xFFFF0000, v5;
	v5 =	vld [tilespmem:s11+$0x0]  }
0x489: {  	s2 =	simm.s32 $0x1;
	s26 =	sshra.s32 s12, $0x2;
	[tilespmem:s20+$0x85A0] =	vst.add.f32.msk $0xffff, v7;
	v11 =	vshll.u32 v6, $0x10  }
0x48a: {  	s2 =	simm.s32 @!p0 $0x0;
	s30 =	sld [smem:s25+$0xFFFFFFFE];
	v6 =	vand.u32 $0xFFFF0000, v6;
	[tilespmem:s26+$0x8400] =	vst.add.f32.msk $0xffff, v11  }
0x48b: {  	s2 =	sshll.u32 s2, $0x9;
	s13 =	sshll.u32 s13, $0xB;
	[tilespmem:s26+$0x8410] =	vst.add.f32.msk $0xffff, v6  }
0x48c: {  	s31 =	sld [smem:s25+$0xFFFFFFFF];
	s15 =	sadd.s32 s2, s21;
	s2 =	sshra.s32 s13, $0x2;
	v30 =	vshll.u32 v9, $0x10;
	v11 =	vld [tilespmem:s3+$0x10]  }
0x48d: {  	s4 =	sshll.u32 s30, $0xB;
	v9 =	vand.u32 $0xFFFF0000, v9;
	[tilespmem:s2+$0x8400] =	vst.add.f32.msk $0xffff, v30  }
0x48e: {  	s7 =	sshra.s32 s4, $0x2;
	v31 =	vshll.u32 v4, $0x10;
	[tilespmem:s2+$0x8410] =	vst.add.f32.msk $0xffff, v9  }
0x48f: {  	s19 =	sshll.u32 s31, $0xB;
	v4 =	vand.u32 $0xFFFF0000, v4;
	[tilespmem:s7+$0x8400] =	vst.add.f32.msk $0xffff, v31  }
0x490: {  	s31 =	sshra.s32 s19, $0x2;
	v32 =	vshll.u32 v5, $0x10;
	[tilespmem:s7+$0x8410] =	vst.add.f32.msk $0xffff, v4  }
0x491: {  	[tilespmem:s31+$0x8400] =	vst.add.f32.msk $0xffff, v32;
	v4 =	vshll.u32 v11, $0x10  }
0x492: {  	v33 =	vand.u32 $0xFFFF0000, v11;
	[tilespmem:s26+$0x8420] =	vst.add.f32.msk $0xffff, v4  }
0x493: {  	[dreg:$0x7] =	wrdreg s5;
	s5 =	sadd.s32 $0x100, s1;
	[tilespmem:s26+$0x8430] =	vst.add.f32.msk $0xffff, v33  }
0x494: {  	s19 =	sor.u32 $0x470, s5;
	v4 =	vld [tilespmem:s3+$0x20]  }
0x495: {  	[dreg:$0x13] =	wrdreg s19;
	s19 =	smov.u32 s24;
	s24 =	smov.u32 s31;
	v5 =	vand.u32 $0xFFFF0000, v5;
	v34 =	vld [tilespmem:s10+$0x10]  }
0x496: {  	[tilespmem:s24+$0x8410] =	vst.add.f32.msk $0xffff, v5  }
0x497: {  	v5 =	vld [tilespmem:s29+$0x10]  }
0x498: {  	[tilespmem:s20+$0x85B0] =	vst.add.f32.msk $0xffff, v8  }
0x499: {  	v7 =	vld [tilespmem:s11+$0x10];
	v35 =	vshll.u32 v4, $0x10  }
0x49a: {  	v4 =	vand.u32 $0xFFFF0000, v4;
	[tilespmem:s26+$0x8440] =	vst.add.f32.msk $0xffff, v35  }
0x49b: {  	[tilespmem:s26+$0x8450] =	vst.add.f32.msk $0xffff, v4  }
0x49c: {  	v6 =	vand.u32 $0xFFFF0000, v34;
	v9 =	vld [tilespmem:s3+$0x30]  }
0x49d: {  	v36 =	vshll.u32 v5, $0x10;
	[tilespmem:s7+$0x8430] =	vst.add.f32.msk $0xffff, v6  }
0x49e: {  	v5 =	vand.u32 $0xFFFF0000, v5;
	[tilespmem:s2+$0x8420] =	vst.add.f32.msk $0xffff, v36  }
0x49f: {  	v37 =	vshll.u32 v7, $0x10;
	[tilespmem:s2+$0x8430] =	vst.add.f32.msk $0xffff, v5  }
0x4a0: {  	[tilespmem:s24+$0x8420] =	vst.add.f32.msk $0xffff, v37;
	v4 =	vshll.u32 v34, $0x10  }
0x4a1: {  	[tilespmem:s7+$0x8420] =	vst.add.f32.msk $0xffff, v4;
	v4 =	vshll.u32 v9, $0x10  }
0x4a2: {  	v5 =	vand.u32 $0xFFFF0000, v9;
	[tilespmem:s26+$0x8460] =	vst.add.f32.msk $0xffff, v4  }
0x4a3: {  	[tilespmem:s26+$0x8470] =	vst.add.f32.msk $0xffff, v5  }
0x4a4: {  	v7 =	vand.u32 $0xFFFF0000, v7;
	v4 =	vld [tilespmem:s3+$0x40]  }
0x4a5: {  	[tilespmem:s24+$0x8430] =	vst.add.f32.msk $0xffff, v7  }
0x4a6: {  	v7 =	vld [tilespmem:s11+$0x20]  }
0x4a7: {  	v6 =	vld [tilespmem:s10+$0x20]  }
0x4a8: {  	[tilespmem:s22+$0x85A0] =	vst.add.f32.msk $0xffff, v10  }
0x4a9: {  	v5 =	vld [tilespmem:s29+$0x20];
	v38 =	vshll.u32 v4, $0x10  }
0x4aa: {  	v4 =	vand.u32 $0xFFFF0000, v4;
	[tilespmem:s26+$0x8480] =	vst.add.f32.msk $0xffff, v38  }
0x4ab: {  	[tilespmem:s26+$0x8490] =	vst.add.f32.msk $0xffff, v4  }
0x4ac: {  	v41 =	vshll.u32 v7, $0x10;
	v40 =	vld [tilespmem:s3+$0x50]  }
0x4ad: {  	v7 =	vand.u32 $0xFFFF0000, v7;
	[tilespmem:s24+$0x8440] =	vst.add.f32.msk $0xffff, v41  }
0x4ae: {  	[tilespmem:s24+$0x8450] =	vst.add.f32.msk $0xffff, v7  }
0x4af: {  	v7 =	vld [tilespmem:s11+$0x30];
	v39 =	vshll.u32 v5, $0x10;
	v5 =	vand.u32 $0xFFFF0000, v5  }
0x4b0: {  	[tilespmem:s2+$0x8450] =	vst.add.f32.msk $0xffff, v5;
	v4 =	vshll.u32 v6, $0x10  }
0x4b1: {  	[tilespmem:s7+$0x8440] =	vst.add.f32.msk $0xffff, v4;
	v4 =	vshll.u32 v40, $0x10  }
0x4b2: {  	v5 =	vand.u32 $0xFFFF0000, v40;
	[tilespmem:s26+$0x84A0] =	vst.add.f32.msk $0xffff, v4  }
0x4b3: {  	[tilespmem:s26+$0x84B0] =	vst.add.f32.msk $0xffff, v5  }
0x4b4: {  	v4 =	vld [tilespmem:s3+$0x60]  }
0x4b5: {  	[tilespmem:s2+$0x8440] =	vst.add.f32.msk $0xffff, v39;
	v6 =	vand.u32 $0xFFFF0000, v6  }
0x4b6: {  	[tilespmem:s7+$0x8450] =	vst.add.f32.msk $0xffff, v6  }
0x4b7: {  	v5 =	vld [tilespmem:s29+$0x30]  }
0x4b8: {  	v6 =	vld [tilespmem:s10+$0x30]  }
0x4b9: {  	[tilespmem:s22+$0x85B0] =	vst.add.f32.msk $0xffff, v3;
	v42 =	vshll.u32 v4, $0x10  }
0x4ba: {  	v3 =	vand.u32 $0xFFFF0000, v4;
	[tilespmem:s26+$0x84C0] =	vst.add.f32.msk $0xffff, v42  }
0x4bb: {  	[tilespmem:s26+$0x84D0] =	vst.add.f32.msk $0xffff, v3  }
0x4bc: {  	v4 =	vshll.u32 v5, $0x10;
	v8 =	vld [tilespmem:s3+$0x70]  }
0x4bd: {  	v5 =	vand.u32 $0xFFFF0000, v5;
	[tilespmem:s2+$0x8460] =	vst.add.f32.msk $0xffff, v4  }
0x4be: {  	s28 =	sadd.s32 $0x4, s28;
	v3 =	vshll.u32 v6, $0x10;
	[tilespmem:s2+$0x8470] =	vst.add.f32.msk $0xffff, v5  }
0x4bf: {  	s31 =	sand.u32 $0x7, s28;
	v6 =	vand.u32 $0xFFFF0000, v6;
	[tilespmem:s7+$0x8460] =	vst.add.f32.msk $0xffff, v3  }
0x4c0: {  	s30 =	sor.u32 $0x420, s15;
	v4 =	vshll.u32 v7, $0x10;
	s3 =	sshll.u32 s31, $0x7;
	[tilespmem:s7+$0x8470] =	vst.add.f32.msk $0xffff, v6  }
0x4c1: {  	[dreg:$0x16] =	wrdreg s30;
	s30 =	sor.u32 $0x470, s15;
	[tilespmem:s24+$0x8460] =	vst.add.f32.msk $0xffff, v4;
	s3 =	sadd.s32 s3, s21;
	v3 =	vshll.u32 v8, $0x10  }
0x4c2: {  	s1 =	sor.u32 $0x400, s5;
	[dreg:$0x1a] =	wrdreg s30;
	s30 =	sadd.s32 $0x180, s3;
	v4 =	vand.u32 $0xFFFF0000, v8;
	[tilespmem:s26+$0x84E0] =	vst.add.f32.msk $0xffff, v3  }
0x4c3: {  	[smem:$0x7F0] =	sst s1;
	s1 =	sor.u32 $0x400, s30;
	[tilespmem:s26+$0x84F0] =	vst.add.f32.msk $0xffff, v4  }
0x4c4: {  	v7 =	vand.u32 $0xFFFF0000, v7;
	v3 =	vld [tilespmem:s1+$0x4400]  }
0x4c5: {  	[tilespmem:s24+$0x8470] =	vst.add.f32.msk $0xffff, v7  }
0x4c6: {  	v5 =	vld [tilespmem:s10+$0x40]  }
0x4c7: {  	v43 =	vld [tilespmem:s11+$0x40]  }
0x4c8: {  	v4 =	vld [tilespmem:s29+$0x40]  }
0x4c9: {  	[tilespmem:s19+$0x85A0] =	vst.add.f32.msk $0xffff, v2;
	v44 =	vshll.u32 v3, $0x10  }
0x4ca: {  	v2 =	vand.u32 $0xFFFF0000, v3;
	[tilespmem:s26+$0x8500] =	vst.add.f32.msk $0xffff, v44  }
0x4cb: {  	s1 =	smov.u32 s0;
	s0 =	sor.u32 $0x410, s30;
	[tilespmem:s26+$0x8510] =	vst.add.f32.msk $0xffff, v2  }
0x4cc: {  	v6 =	vand.u32 $0xFFFF0000, v43;
	v7 =	vld [tilespmem:s0+$0x4400]  }
0x4cd: {  	[tilespmem:s24+$0x8490] =	vst.add.f32.msk $0xffff, v6;
	v3 =	vshll.u32 v4, $0x10  }
0x4ce: {  	v4 =	vand.u32 $0xFFFF0000, v4;
	[tilespmem:s2+$0x8480] =	vst.add.f32.msk $0xffff, v3  }
0x4cf: {  	v2 =	vshll.u32 v5, $0x10;
	[tilespmem:s2+$0x8490] =	vst.add.f32.msk $0xffff, v4  }
0x4d0: {  	v3 =	vshll.u32 v43, $0x10;
	[tilespmem:s7+$0x8480] =	vst.add.f32.msk $0xffff, v2  }
0x4d1: {  	[tilespmem:s24+$0x8480] =	vst.add.f32.msk $0xffff, v3;
	v2 =	vshll.u32 v7, $0x10  }
0x4d2: {  	v3 =	vand.u32 $0xFFFF0000, v7;
	[tilespmem:s26+$0x8520] =	vst.add.f32.msk $0xffff, v2  }
0x4d3: {  	s0 =	sor.u32 $0x420, s30;
	[tilespmem:s26+$0x8530] =	vst.add.f32.msk $0xffff, v3  }
0x4d4: {  	v5 =	vand.u32 $0xFFFF0000, v5;
	v2 =	vld [tilespmem:s0+$0x4400]  }
0x4d5: {  	[tilespmem:s7+$0x8490] =	vst.add.f32.msk $0xffff, v5  }
0x4d6: {  	v4 =	vld [tilespmem:s10+$0x50]  }
0x4d7: {  	v3 =	vld [tilespmem:s29+$0x50]  }
0x4d8: {  	v5 =	vld [tilespmem:s11+$0x50]  }
0x4d9: {  	[tilespmem:s19+$0x85B0] =	vst.add.f32.msk $0xffff, v1;
	v45 =	vshll.u32 v2, $0x10  }
0x4da: {  	v1 =	vand.u32 $0xFFFF0000, v2;
	[tilespmem:s26+$0x8540] =	vst.add.f32.msk $0xffff, v45  }
0x4db: {  	s0 =	sor.u32 $0x430, s30;
	[tilespmem:s26+$0x8550] =	vst.add.f32.msk $0xffff, v1  }
0x4dc: {  	v2 =	vshll.u32 v3, $0x10;
	v6 =	vld [tilespmem:s0+$0x4400]  }
0x4dd: {  	v3 =	vand.u32 $0xFFFF0000, v3;
	[tilespmem:s2+$0x84A0] =	vst.add.f32.msk $0xffff, v2  }
0x4de: {  	v1 =	vshll.u32 v4, $0x10;
	[tilespmem:s2+$0x84B0] =	vst.add.f32.msk $0xffff, v3  }
0x4df: {  	v4 =	vand.u32 $0xFFFF0000, v4;
	[tilespmem:s7+$0x84A0] =	vst.add.f32.msk $0xffff, v1  }
0x4e0: {  	v2 =	vshll.u32 v5, $0x10;
	[tilespmem:s7+$0x84B0] =	vst.add.f32.msk $0xffff, v4  }
0x4e1: {  	[tilespmem:s24+$0x84A0] =	vst.add.f32.msk $0xffff, v2;
	v1 =	vshll.u32 v6, $0x10  }
0x4e2: {  	v2 =	vand.u32 $0xFFFF0000, v6;
	[tilespmem:s26+$0x8560] =	vst.add.f32.msk $0xffff, v1  }
0x4e3: {  	s0 =	sor.u32 $0x440, s30;
	[tilespmem:s26+$0x8570] =	vst.add.f32.msk $0xffff, v2  }
0x4e4: {  	v5 =	vand.u32 $0xFFFF0000, v5;
	v1 =	vld [tilespmem:s0+$0x4400]  }
0x4e5: {  	[tilespmem:s24+$0x84B0] =	vst.add.f32.msk $0xffff, v5  }
0x4e6: {  	v3 =	vld [tilespmem:s10+$0x60]  }
0x4e7: {  	v2 =	vld [tilespmem:s29+$0x60]  }
0x4e8: {  	s17 =	sor.u32 $0x410, s5;
	v4 =	vld [tilespmem:s11+$0x60];
	s0 =	rddreg [dreg:$0x5]  }
0x4e9: {  	[dreg:$0x1b] =	wrdreg s17;
	s17 =	sor.u32 $0x440, s15;
	v46 =	vld [tilespmem:s0+$0x4400];
	v5 =	vshll.u32 v1, $0x10  }
0x4ea: {  	[dreg:$0xd] =	wrdreg s17;
	s17 =	sor.u32 $0x460, s15;
	v1 =	vand.u32 $0xFFFF0000, v1;
	[tilespmem:s26+$0x8580] =	vst.add.f32.msk $0xffff, v5  }
0x4eb: {  	s0 =	smov.u32 s17;
	s17 =	sor.u32 $0x450, s30;
	[tilespmem:s26+$0x8590] =	vst.add.f32.msk $0xffff, v1  }
0x4ec: {  	v5 =	vshll.u32 v2, $0x10;
	v47 =	vld [tilespmem:s17+$0x4400]  }
0x4ed: {  	v2 =	vand.u32 $0xFFFF0000, v2;
	[tilespmem:s2+$0x84C0] =	vst.add.f32.msk $0xffff, v5  }
0x4ee: {  	v1 =	vshll.u32 v3, $0x10;
	[tilespmem:s2+$0x84D0] =	vst.add.f32.msk $0xffff, v2  }
0x4ef: {  	v3 =	vand.u32 $0xFFFF0000, v3;
	[tilespmem:s7+$0x84C0] =	vst.add.f32.msk $0xffff, v1  }
0x4f0: {  	v5 =	vshll.u32 v4, $0x10;
	[tilespmem:s7+$0x84D0] =	vst.add.f32.msk $0xffff, v3  }
0x4f1: {  	v4 =	vand.u32 $0xFFFF0000, v4;
	[tilespmem:s24+$0x84C0] =	vst.add.f32.msk $0xffff, v5  }
0x4f2: {  	[tilespmem:s24+$0x84D0] =	vst.add.f32.msk $0xffff, v4  }
0x4f3: {  	v5 =	vld [tilespmem:s11+$0x70];
	v1 =	vshll.u32 v47, $0x10  }
0x4f4: {  	v3 =	vand.u32 $0xFFFF0000, v47;
	[tilespmem:s26+$0x85A0] =	vst.add.f32.msk $0xffff, v1  }
0x4f5: {  	s17 =	sor.u32 $0x460, s30;
	[tilespmem:s26+$0x85B0] =	vst.add.f32.msk $0xffff, v3  }
0x4f6: {  	v1 =	vld [tilespmem:s17+$0x4400]  }
0x4f7: {  	v4 =	vld [tilespmem:s10+$0x70]  }
0x4f8: {  	v49 =	vld [tilespmem:s8+$0x4400]  }
0x4f9: {  	v3 =	vld [tilespmem:s29+$0x70];
	v52 =	vshll.u32 v5, $0x10  }
0x4fa: {  	v5 =	vand.u32 $0xFFFF0000, v5;
	[tilespmem:s24+$0x84E0] =	vst.add.f32.msk $0xffff, v52  }
0x4fb: {  	[tilespmem:s24+$0x84F0] =	vst.add.f32.msk $0xffff, v5;
	v48 =	vshll.u32 v1, $0x10  }
0x4fc: {  	s10 =	sld [smem:$0x7F0];
	v1 =	vand.u32 $0xFFFF0000, v1;
	[tilespmem:s26+$0x85C0] =	vst.add.f32.msk $0xffff, v48  }
0x4fd: {  	s18 =	sor.u32 $0x410, s15;
	s30 =	sor.u32 $0x470, s30;
	[tilespmem:s26+$0x85D0] =	vst.add.f32.msk $0xffff, v1  }
0x4fe: {  	[dreg:$0x1f] =	wrdreg s18;
	v51 =	vld [tilespmem:s30+$0x4400]  }
0x4ff: {  	s18 =	sor.u32 $0x460, s5;
	s11 =	rddreg [dreg:$0x1d];
	v7 =	vld [tilespmem:s10+$0x4400]  }
0x500: {  	s16 =	sor.u32 $0x400, s15;
	[smem:$0x7F1] =	sst s18;
	s18 =	sadd.s32 $0x80, s3;
	v53 =	vld [tilespmem:s11+$0x4400];
	v50 =	vshll.u32 v3, $0x10  }
0x501: {  	[smem:$0x7EF] =	sst s16;
	s31 =	sor.u32 $0x460, s18;
	v3 =	vand.u32 $0xFFFF0000, v3;
	[tilespmem:s2+$0x84E0] =	vst.add.f32.msk $0xffff, v50  }
0x502: {  	s8 =	smov.u32 s31;
	s31 =	sld [smem:$0x7EF];
	[tilespmem:s2+$0x84F0] =	vst.add.f32.msk $0xffff, v3;
	v1 =	vshll.u32 v4, $0x10;
	v4 =	vand.u32 $0xFFFF0000, v4  }
0x503: {  	[tilespmem:s7+$0x84F0] =	vst.add.f32.msk $0xffff, v4;
	v4 =	vand.u32 $0xFFFF0000, v51  }
0x504: {  	s4 =	sor.u32 $0x420, s5;
	[tilespmem:s26+$0x85F0] =	vst.add.f32.msk $0xffff, v4  }
0x505: {  	s16 =	sor.u32 $0x440, s5;
	[dreg:$0x17] =	wrdreg s4;
	v4 =	vld [tilespmem:s31+$0x4400]  }
0x506: {  	s13 =	sor.u32 $0x430, s5;
	s4 =	sor.u32 $0x450, s5;
	s5 =	sor.u32 $0x400, s18;
	[tilespmem:s7+$0x84E0] =	vst.add.f32.msk $0xffff, v1  }
0x507: {  	v54 =	vand.u32 $0xFFFF0000, v7;
	v5 =	vld [tilespmem:s5+$0x4400]  }
0x508: {  	v2 =	vshll.u32 v46, $0x10;
	[tilespmem:s24+$0x8510] =	vst.add.f32.msk $0xffff, v54  }
0x509: {  	v6 =	vand.u32 $0xFFFF0000, v46;
	[tilespmem:s20+$0x85C0] =	vst.add.f32.msk $0xffff, v2  }
0x50a: {  	[tilespmem:s20+$0x85D0] =	vst.add.f32.msk $0xffff, v6;
	v2 =	vshll.u32 v4, $0x10  }
0x50b: {  	v4 =	vand.u32 $0xFFFF0000, v4;
	[tilespmem:s2+$0x8500] =	vst.add.f32.msk $0xffff, v2  }
0x50c: {  	v2 =	vshll.u32 v5, $0x10;
	[tilespmem:s2+$0x8510] =	vst.add.f32.msk $0xffff, v4  }
0x50d: {  	v5 =	vand.u32 $0xFFFF0000, v5;
	[tilespmem:s7+$0x8500] =	vst.add.f32.msk $0xffff, v2  }
0x50e: {  	v4 =	vshll.u32 v7, $0x10;
	[tilespmem:s7+$0x8510] =	vst.add.f32.msk $0xffff, v5  }
0x50f: {  	s29 =	rddreg [dreg:$0x1f];
	[tilespmem:s24+$0x8500] =	vst.add.f32.msk $0xffff, v4  }
0x510: {  	[dreg:$0xf] =	wrdreg s13;
	s13 =	sor.u32 $0x410, s18;
	v4 =	vld [tilespmem:s29+$0x4400]  }
0x511: {  	s30 =	rddreg [dreg:$0x1b];
	v5 =	vld [tilespmem:s13+$0x4400]  }
0x512: {  	v3 =	vshll.u32 v49, $0x10;
	v6 =	vld [tilespmem:s30+$0x4400]  }
0x513: {  	v8 =	vand.u32 $0xFFFF0000, v49;
	[tilespmem:s22+$0x85C0] =	vst.add.f32.msk $0xffff, v3  }
0x514: {  	v2 =	vshll.u32 v53, $0x10;
	[tilespmem:s22+$0x85D0] =	vst.add.f32.msk $0xffff, v8  }
0x515: {  	[tilespmem:s19+$0x85C0] =	vst.add.f32.msk $0xffff, v2;
	v3 =	vshll.u32 v4, $0x10  }
0x516: {  	v4 =	vand.u32 $0xFFFF0000, v4;
	[tilespmem:s2+$0x8520] =	vst.add.f32.msk $0xffff, v3  }
0x517: {  	v2 =	vshll.u32 v5, $0x10;
	[tilespmem:s2+$0x8530] =	vst.add.f32.msk $0xffff, v4  }
0x518: {  	v3 =	vand.u32 $0xFFFF0000, v5;
	[tilespmem:s7+$0x8520] =	vst.add.f32.msk $0xffff, v2  }
0x519: {  	v4 =	vshll.u32 v6, $0x10;
	[tilespmem:s7+$0x8530] =	vst.add.f32.msk $0xffff, v3  }
0x51a: {  	v5 =	vand.u32 $0xFFFF0000, v6;
	[tilespmem:s24+$0x8520] =	vst.add.f32.msk $0xffff, v4  }
0x51b: {  	s31 =	rddreg [dreg:$0x16];
	[tilespmem:s24+$0x8530] =	vst.add.f32.msk $0xffff, v5  }
0x51c: {  	s10 =	rddreg [dreg:$0x7];
	v2 =	vld [tilespmem:s31+$0x4400]  }
0x51d: {  	[dreg:$0xb] =	wrdreg s16;
	s16 =	sor.u32 $0x420, s18;
	v5 =	vld [tilespmem:s10+$0x4400]  }
0x51e: {  	s5 =	rddreg [dreg:$0x17];
	v3 =	vld [tilespmem:s16+$0x4400]  }
0x51f: {  	v55 =	vand.u32 $0xFFFF0000, v53;
	v4 =	vld [tilespmem:s5+$0x4400]  }
0x520: {  	[tilespmem:s19+$0x85D0] =	vst.add.f32.msk $0xffff, v55;
	s16 =	rddreg [dreg:$0x9]  }
0x521: {  	v57 =	vld [tilespmem:s16+$0x4400];
	v56 =	vshll.u32 v2, $0x10  }
0x522: {  	v2 =	vand.u32 $0xFFFF0000, v2;
	[tilespmem:s2+$0x8540] =	vst.add.f32.msk $0xffff, v56  }
0x523: {  	v58 =	vshll.u32 v3, $0x10;
	[tilespmem:s2+$0x8550] =	vst.add.f32.msk $0xffff, v2  }
0x524: {  	s17 =	sld [smem:$0x7F1];
	v3 =	vand.u32 $0xFFFF0000, v3;
	[tilespmem:s7+$0x8540] =	vst.add.f32.msk $0xffff, v58  }
0x525: {  	s6 =	sor.u32 $0x430, s15;
	v2 =	vshll.u32 v4, $0x10;
	[tilespmem:s7+$0x8550] =	vst.add.f32.msk $0xffff, v3  }
0x526: {  	[dreg:$0x11] =	wrdreg s6;
	s6 =	sor.u32 $0x450, s15;
	v4 =	vand.u32 $0xFFFF0000, v4;
	[tilespmem:s24+$0x8540] =	vst.add.f32.msk $0xffff, v2  }
0x527: {  	s12 =	sor.u32 $0x430, s18;
	s11 =	smov.u32 s17;
	s17 =	rddreg [dreg:$0x11];
	[tilespmem:s24+$0x8550] =	vst.add.f32.msk $0xffff, v4  }
0x528: {  	s3 =	sor.u32 $0x440, s18;
	s15 =	sor.u32 $0x450, s18;
	s18 =	sor.u32 $0x470, s18;
	v2 =	vld [tilespmem:s17+$0x4400]  }
0x529: {  	s10 =	smov.u32 s18;
	s18 =	rddreg [dreg:$0xf];
	v4 =	vld [tilespmem:s12+$0x4400]  }
0x52a: {  	v60 =	vld [tilespmem:s18+$0x4400]  }
0x52b: {  	v3 =	vshll.u32 v5, $0x10;
	v61 =	vld [tilespmem:s1+$0x4400]  }
0x52c: {  	v5 =	vand.u32 $0xFFFF0000, v5;
	[tilespmem:s20+$0x85E0] =	vst.add.f32.msk $0xffff, v3  }
0x52d: {  	[tilespmem:s20+$0x85F0] =	vst.add.f32.msk $0xffff, v5;
	s20 =	smov.u32 s2;
	v3 =	vshll.u32 v2, $0x10  }
0x52e: {  	v2 =	vand.u32 $0xFFFF0000, v2;
	[tilespmem:s20+$0x8560] =	vst.add.f32.msk $0xffff, v3  }
0x52f: {  	v3 =	vshll.u32 v4, $0x10;
	[tilespmem:s20+$0x8570] =	vst.add.f32.msk $0xffff, v2  }
0x530: {  	v4 =	vand.u32 $0xFFFF0000, v4;
	[tilespmem:s7+$0x8560] =	vst.add.f32.msk $0xffff, v3  }
0x531: {  	v5 =	vshll.u32 v60, $0x10;
	[tilespmem:s7+$0x8570] =	vst.add.f32.msk $0xffff, v4  }
0x532: {  	v8 =	vand.u32 $0xFFFF0000, v60;
	[tilespmem:s24+$0x8560] =	vst.add.f32.msk $0xffff, v5  }
0x533: {  	s30 =	rddreg [dreg:$0xd];
	[tilespmem:s24+$0x8570] =	vst.add.f32.msk $0xffff, v8  }
0x534: {  	v4 =	vld [tilespmem:s30+$0x4400]  }
0x535: {  	s31 =	rddreg [dreg:$0xb];
	v5 =	vld [tilespmem:s3+$0x4400]  }
0x536: {  	v59 =	vshll.u32 v57, $0x10;
	v8 =	vld [tilespmem:s31+$0x4400]  }
0x537: {  	v7 =	vand.u32 $0xFFFF0000, v57;
	[tilespmem:s22+$0x85E0] =	vst.add.f32.msk $0xffff, v59  }
0x538: {  	s14 =	sadd.s32 $0x4, s14;
	v3 =	vshll.u32 v61, $0x10;
	[tilespmem:s22+$0x85F0] =	vst.add.f32.msk $0xffff, v7  }
0x539: {  	p1 =	slt.u32 s14, $0x3C;
	[tilespmem:s19+$0x85E0] =	vst.add.f32.msk $0xffff, v3;
	v62 =	vshll.u32 v4, $0x10  }
.Ltmp4:
0x53a: {  	v4 =	vand.u32 $0xFFFF0000, v4;
	[tilespmem:s20+$0x8580] =	vst.add.f32.msk $0xffff, v62;
	(pc) =	sbr.rel @p1 .LBB2_9-.Ltmp4, $4  }
0x53b: {  	s22 =	smov.u32 s7;
	v63 =	vshll.u32 v5, $0x10;
	[tilespmem:s20+$0x8590] =	vst.add.f32.msk $0xffff, v4  }
0x53c: {  	s29 =	rddreg [dreg:$0x13];
	v5 =	vand.u32 $0xFFFF0000, v5;
	[tilespmem:s22+$0x8580] =	vst.add.f32.msk $0xffff, v63  }
0x53d: {  	s9 =	sadd.s32 $0x2, s9;
	p0 =	por !p0, !p0;
	s13 =	rddreg [dreg:$0x1a];
	v4 =	vshll.u32 v8, $0x10;
	[tilespmem:s22+$0x8590] =	vst.add.f32.msk $0xffff, v5  }
0x53e: {  	[dreg:$0x5] =	wrdreg s0;
	v1 =	vshll.u32 v51, $0x10;
	s0 =	smov.u32 s29;
	s5 =	smov.u32 s13;
	v2 =	vand.u32 $0xFFFF0000, v61;
	v3 =	vand.u32 $0xFFFF0000, v8;
	[tilespmem:s24+$0x8580] =	vst.add.f32.msk $0xffff, v4  }
0x53f: {  	v4 =	vld [tilespmem:s6+$0x4400];
	_ =	sdelay $0x1  }
0x540: {  	v5 =	vld [tilespmem:s15+$0x4400]  }
0x541: {  	[tilespmem:s24+$0x8590] =	vst.add.f32.msk $0xffff, v3  }
0x542: {  	[tilespmem:s19+$0x85F0] =	vst.add.f32.msk $0xffff, v2  }
0x543: {  	v3 =	vld [tilespmem:s4+$0x4400];
	v2 =	vshll.u32 v4, $0x10  }
0x544: {  	v4 =	vand.u32 $0xFFFF0000, v4;
	[tilespmem:s20+$0x85A0] =	vst.add.f32.msk $0xffff, v2  }
0x545: {  	v2 =	vshll.u32 v5, $0x10;
	[tilespmem:s20+$0x85B0] =	vst.add.f32.msk $0xffff, v4  }
0x546: {  	[tilespmem:s22+$0x85A0] =	vst.add.f32.msk $0xffff, v2  }
0x547: {  	s1 =	rddreg [dreg:$0x5]  }
0x548: {  	v2 =	vand.u32 $0xFFFF0000, v5;
	v4 =	vld [tilespmem:s1+$0x4400]  }
0x549: {  	[tilespmem:s22+$0x85B0] =	vst.add.f32.msk $0xffff, v2  }
0x54a: {  	v2 =	vshll.u32 v3, $0x10;
	v61 =	vld [tilespmem:s8+$0x4400]  }
0x54b: {  	v3 =	vand.u32 $0xFFFF0000, v3;
	[tilespmem:s24+$0x85A0] =	vst.add.f32.msk $0xffff, v2  }
0x54c: {  	[tilespmem:s24+$0x85B0] =	vst.add.f32.msk $0xffff, v3  }
0x54d: {  	v3 =	vld [tilespmem:s11+$0x4400];
	v2 =	vshll.u32 v4, $0x10  }
0x54e: {  	v4 =	vand.u32 $0xFFFF0000, v4;
	[tilespmem:s20+$0x85C0] =	vst.add.f32.msk $0xffff, v2  }
0x54f: {  	v62 =	vand.u32 $0xFFFF0000, v61;
	[tilespmem:s20+$0x85D0] =	vst.add.f32.msk $0xffff, v4  }
0x550: {  	v2 =	vshll.u32 v61, $0x10;
	[tilespmem:s22+$0x85D0] =	vst.add.f32.msk $0xffff, v62  }
0x551: {  	[tilespmem:s22+$0x85C0] =	vst.add.f32.msk $0xffff, v2  }
0x552: {  	v2 =	vshll.u32 v3, $0x10;
	v63 =	vld [tilespmem:s5+$0x4400]  }
0x553: {  	[tilespmem:s24+$0x85C0] =	vst.add.f32.msk $0xffff, v2  }
0x554: {  	v2 =	vand.u32 $0xFFFF0000, v3;
	v3 =	vld [tilespmem:s10+$0x4400]  }
0x555: {  	[tilespmem:s26+$0x85E0] =	vst.add.f32.msk $0xffff, v1  }
0x556: {  	[tilespmem:s24+$0x85D0] =	vst.add.f32.msk $0xffff, v2  }
0x557: {  	v2 =	vld [tilespmem:s0+$0x4400];
	v1 =	vshll.u32 v63, $0x10  }
0x558: {  	v4 =	vand.u32 $0xFFFF0000, v63;
	[tilespmem:s20+$0x85E0] =	vst.add.f32.msk $0xffff, v1  }
0x559: {  	v1 =	vshll.u32 v3, $0x10;
	[tilespmem:s20+$0x85F0] =	vst.add.f32.msk $0xffff, v4  }
0x55a: {  	v3 =	vand.u32 $0xFFFF0000, v3;
	[tilespmem:s22+$0x85E0] =	vst.add.f32.msk $0xffff, v1  }
0x55b: {  	[tilespmem:s22+$0x85F0] =	vst.add.f32.msk $0xffff, v3  }
0x55c: {  	s3 =	sld [smem:$0x7F5];
	_ =	sdelay $0x1  }
0x55d: {  	v1 =	vshll.u32 v2, $0x10  }
0x55e: {  	v2 =	vand.u32 $0xFFFF0000, v2;
	[tilespmem:s24+$0x85E0] =	vst.add.f32.msk $0xffff, v1;
	s3 =	sadd.s32 $0x1, s3  }
0x55f: {  	[tilespmem:s24+$0x85F0] =	vst.add.f32.msk $0xffff, v2;
	p0 =	sne.s32 s3, $0x8  }
.Ltmp5:
0x560: {  	s31 =	sld [smem:$0x7F7];
	(pc) =	sbr.rel @p0 .LBB2_6-.Ltmp5, $3  }
0x561: {  	s30 =	sld [smem:$0x7F6];
	_ =	sdelay $0x1  }
0x562: {  	s0 =	sadd.s32 $0x80, s31  }
0x563: {  	s10 =	sadd.s32 $0x80, s30;
	[smem:$0x7F7] =	sst s0  }
0x564: {  	s0 =	sld [smem:$0x7FC];
	_ =	sdelay $0x1  }
0x565: {  	s8 =	simm.s32 $0x0;
	s1 =	simm.s32 $0x8400;
	s3 =	simm.s32 $0x3  }
0x566: {  	[hbm4b:s0+s8] =	stream.linear.scatter [tilespmem:s1], [sflag:$0x3], $0x8000, $0x38;
	[tilespmem:$0x10400] =	vst v63  }
0x567: {  	_ =	swait.ge [sflag:s3], $0x8000  }
0x568: {  	s30 =	sld [smem:$0x7F8]  }
0x569: {  	s31 =	sld [smem:$0x7FD];
	_ =	sdelay $0x1  }
0x56a: {  	s1 =	sadd.s32 $0x1, s30  }
0x56b: {  	p0 =	sne.s32 s1, s31  }
.Ltmp6:
0x56c: {  	_ = 	snop;
	(pc) =	sbr.rel @p0 .LBB2_1-.Ltmp6, $3  }
0x56d: {  	_ =	sdelay $0x1  }
0x56e: {  	[sflag:s3] =	ssyncset.done $0x0  }
0x56f: {  	[sflag:s3] =	ssyncadd.s32 $0xFFFF8000  }
0x570: {  	_ =	sfence.sel $0x180000  }
0x571: {  	[bflag:$0x0] =	sbarrier.arrive $0xFFFF  }
0x572: {  	_ =	strace $0x90000047  }
0x573: {  	s0 =	stileid.u32;
	[bflag:$0x2] =	sbarrier.arrive $0xFFFF  }
0x574: {  	p0 =	sne.s32 s0, $0x0;
	s0 =	rddreg [dreg:$0x3]  }
0x575: {  	s0 =	sadd.s32 @!p0 $0x100000, s0  }
0x576: {  	[sflag:s0] =	ssyncadd.tile.s32 @!p0 $0x1;
	_ =	shalt  }
.Lfunc_end2:
_tile_overlayer_lowered:
.L_overlay_start_2:
0x577: {  	(tag) =	ssettag $0x2  }
0x578: {  	s0 =	rddreg [dreg:$0x0];
	s2 =	stileid.u32  }
0x579: {  	s1 =	rddreg [dreg:$0x1];
	p0 =	sne.s32 s2, $0x0  }
0x57a: {  	s3 =	rddreg [dreg:$0x2];
	[bflag:$0x3] =	sbarrier.arrive $0xFFFF;
	s2 =	simm.s32 @!p0 $0x1C03  }
0x57b: {  	[timem:s3], [sflag:s2] =	dma.local @!p0 [hbm:s0], s1  }
0x57c: {  	s0 =	simm.s32 @!p0 $0x3  }
0x57d: {  	_ =	swait.ge @!p0 [sflag:s0], s1  }
0x57e: {  	s1 =	ssub.s32 @!p0 $0x0, s1;
	[sflag:s0] =	ssyncset.done @!p0 $0x0  }
0x57f: {  	[sflag:s0] =	ssyncadd.s32 @!p0 s1  }
0x580: {  	[bflag:$0x3] =	sbarrier.arrive $0xFFFF  }
0x581: {  	_ =	shalt  }

</sc_bundles>
